<compile_context>
chip_gen: v7x
topology: tpu7x:2x2x1
jax: 0.10.2.dev20260603
libtpu: 0.0.44.dev20260713+nightly
codegen_flags: <defaults>
</compile_context>

<pallas_src>
import functools

import jax
import jax.numpy as jnp
from jax import lax
from jax.experimental import pallas as pl
from jax.experimental.pallas import tpu as pltpu
from jax.experimental.pallas import tpu_sc as plsc

N = 10000
E = 320000
D = 128
DE = 16
NC = 3
G = 100
EPS = 1e-5
BE = 3200
NEB = E // BE

NCORE = 2
NSUB = 16
NW = NCORE * NSUB
CH = 80
EPW = E // NW
NCH = EPW // CH
NPAD = 10240
NPS = NPAD // NSUB


def _softplus(x):
    return jnp.maximum(x, 0.0) + jnp.log1p(jnp.exp(-jnp.abs(x)))


def _sigmoid(x):
    return 1.0 / (1.0 + jnp.exp(-x))


def _sc_mesh():
    return plsc.VectorSubcoreMesh(core_axis_name="c", subcore_axis_name="s")


@functools.lru_cache(maxsize=None)
def _build_sc_emb_gather():
    @functools.partial(
        pl.kernel,
        mesh=_sc_mesh(),
        out_type=jax.ShapeDtypeStruct((N, D), jnp.float32),
        scratch_types=[
            pltpu.VMEM((CH,), jnp.int32),
            pltpu.VMEM((CH, D), jnp.float32),
            pltpu.SemaphoreType.DMA,
        ],
    )
    def sc_emb_gather(emb_hbm, nf_hbm, x_hbm, nf_v, rows_v, sem):
        wid = lax.axis_index("c") * NSUB + lax.axis_index("s")

        @pl.when(wid < 25)
        def _():
            def body(c, carry):
                off = wid * 400 + c * CH
                pltpu.sync_copy(nf_hbm.at[pl.ds(off, CH)], nf_v)
                pltpu.async_copy(emb_hbm.at[nf_v], rows_v, sem).wait()
                pltpu.sync_copy(rows_v, x_hbm.at[pl.ds(off, CH)])
                return carry
            lax.fori_loop(0, 5, body, 0)

    return sc_emb_gather


@functools.lru_cache(maxsize=None)
def _build_sc_gather():
    @functools.partial(
        pl.kernel,
        mesh=_sc_mesh(),
        out_type=[jax.ShapeDtypeStruct((E, D), jnp.float32),
                  jax.ShapeDtypeStruct((E, D), jnp.float32)],
        scratch_types=[
            pltpu.VMEM((CH,), jnp.int32),
            pltpu.VMEM((CH,), jnp.int32),
            pltpu.VMEM((CH, D), jnp.float32),
            pltpu.VMEM((CH, D), jnp.float32),
            pltpu.SemaphoreType.DMA,
            pltpu.SemaphoreType.DMA,
        ],
    )
    def sc_gather(x_hbm, i1_hbm, i2_hbm,
                  g1_hbm, g2_hbm,
                  i1_v, i2_v, rows1_v, rows2_v, sem1, sem2):
        cid = lax.axis_index("c")
        sid = lax.axis_index("s")
        wid = cid * NSUB + sid

        def body(c, carry):
            off = wid * EPW + c * CH
            pltpu.sync_copy(i2_hbm.at[pl.ds(off, CH)], i2_v)
            pltpu.async_copy(x_hbm.at[i2_v], rows2_v, sem2).wait()
            pltpu.sync_copy(rows2_v, g2_hbm.at[pl.ds(off, CH)])
            pltpu.sync_copy(i1_hbm.at[pl.ds(off, CH)], i1_v)
            pltpu.async_copy(x_hbm.at[i1_v], rows1_v, sem1).wait()
            pltpu.sync_copy(rows1_v, g1_hbm.at[pl.ds(off, CH)])
            return carry
        lax.fori_loop(0, NCH, body, 0)

    return sc_gather


EPC = E // NCORE
SLAB = 5000
NSLAB = EPC // SLAB
TRASH = SLAB


@functools.lru_cache(maxsize=None)
def _build_sc_scatter():
    @functools.partial(
        pl.kernel,
        mesh=_sc_mesh(),
        out_type=jax.ShapeDtypeStruct((NCORE * NPAD, D), jnp.float32),
        scratch_types=[
            pltpu.VMEM((SLAB + NSUB,), jnp.int32),
            pltpu.VMEM((SLAB + NSUB,), jnp.int32),
            pltpu.VMEM((CH, D), jnp.float32),
            pltpu.VMEM((NPS, D), jnp.float32),
            pltpu.SemaphoreType.DMA,
        ],
    )
    def sc_scatter(w_hbm, i1_hbm, zd_hbm, agg_hbm,
                   ix_v, eid_v, rows_v, acc_v, sem):
        cid = lax.axis_index("c")
        sid = lax.axis_index("s")
        rz = sid * NPS
        ebase = cid * EPC
        pltpu.sync_copy(zd_hbm.at[pl.ds(rz, NPS)], acc_v)
        zero16 = jnp.zeros((NSUB,), jnp.int32)

        def zinit(q, carry):
            eid_v[pl.ds(q * NSUB, NSUB)] = zero16
            return carry
        lax.fori_loop(0, (SLAB + NSUB) // NSUB, zinit, 0)

        def slab(sb, carry):
            sbase = ebase + sb * SLAB
            pltpu.sync_copy(i1_hbm.at[pl.ds(sbase, SLAB)],
                            ix_v.at[pl.ds(0, SLAB)])

            def group(g, off):
                grp = ix_v[pl.ds(g * NSUB, NSUB)]
                loc_v = grp - rz
                m_v = jnp.where((loc_v >= 0) & (loc_v < NPS), 1, 0)
                base = sbase + g * NSUB
                for lane in range(NSUB):
                    m = m_v[lane]

                    @pl.when(m == 1)
                    def _(off=off, lane=lane):
                        eid_v[pl.ds(off, NSUB)] = jnp.full(
                            (NSUB,), base + lane, jnp.int32)
                    off = off + m
                return off
            off = lax.fori_loop(0, SLAB // NSUB, group, 0)

            def chunk(c, carry):
                pltpu.async_copy(w_hbm.at[eid_v.at[pl.ds(c * CH, CH)]],
                                 rows_v, sem).wait()
                lo = c * CH
                hi = jnp.minimum(off - lo, CH)

                def acc_row(r, carry2):
                    eid_r = eid_v[pl.ds(lo + r, NSUB)][0]
                    lr = ix_v[pl.ds(eid_r - sbase, NSUB)][0] - rz
                    for k in range(D // NSUB):
                        sl = pl.ds(k * NSUB, NSUB)
                        acc_v[lr, sl] = acc_v[lr, sl] + rows_v[r, sl]
                    return carry2
                lax.fori_loop(0, hi, acc_row, 0)
                return carry
            lax.fori_loop(0, (off + CH - 1) // CH, chunk, 0)
            return carry

        lax.fori_loop(0, NSLAB, slab, 0)
        pltpu.sync_copy(acc_v, agg_hbm.at[pl.ds(cid * NPAD + rz, NPS)])

    return sc_scatter


def _edge_body(w1st_ref, w2st_ref, west_ref, t_ref, g1_ref, g2_ref, ef_ref,
               w_ref):
    z = jnp.dot(g1_ref[...], w1st_ref[...], preferred_element_type=jnp.float32)
    z += jnp.dot(g2_ref[...], w2st_ref[...], preferred_element_type=jnp.float32)
    z += jnp.dot(ef_ref[...], west_ref[...], preferred_element_type=jnp.float32)
    z += t_ref[...]
    gate = _sigmoid(z[:, :D])
    conv = _softplus(z[:, D:])
    w_ref[...] = gate * conv


def _edge_stream(w1st, w2st, west, t, g1, g2, ef):
    return pl.pallas_call(
        _edge_body,
        grid=(NEB,),
        in_specs=[
            pl.BlockSpec((D, 2 * D), lambda i: (0, 0)),
            pl.BlockSpec((D, 2 * D), lambda i: (0, 0)),
            pl.BlockSpec((DE, 2 * D), lambda i: (0, 0)),
            pl.BlockSpec((1, 2 * D), lambda i: (0, 0)),
            pl.BlockSpec((BE, D), lambda i: (i, 0)),
            pl.BlockSpec((BE, D), lambda i: (i, 0)),
            pl.BlockSpec((BE, DE), lambda i: (i, 0)),
        ],
        out_specs=pl.BlockSpec((BE, D), lambda i: (i, 0)),
        out_shape=jax.ShapeDtypeStruct((E, D), jnp.float32),
    )(w1st, w2st, west, t, g1, g2, ef)


def _corr_body(g1_ref, g2_ref, ef_ref, mt_ref, m11_ref, m22_ref, kt_ref,
               lt_ref, s1_ref, s2_ref):
    @pl.when(pl.program_id(0) == 0)
    def _init():
        mt_ref[...] = jnp.zeros_like(mt_ref)
        m11_ref[...] = jnp.zeros_like(m11_ref)
        m22_ref[...] = jnp.zeros_like(m22_ref)
        kt_ref[...] = jnp.zeros_like(kt_ref)
        lt_ref[...] = jnp.zeros_like(lt_ref)
        s1_ref[...] = jnp.zeros_like(s1_ref)
        s2_ref[...] = jnp.zeros_like(s2_ref)

    g1 = g1_ref[...]
    g2 = g2_ref[...]
    ef = ef_ref[...]
    mt_ref[...] += jnp.dot(g2.T, g1, preferred_element_type=jnp.float32)
    m11_ref[...] += jnp.dot(g1.T, g1, preferred_element_type=jnp.float32)
    m22_ref[...] += jnp.dot(g2.T, g2, preferred_element_type=jnp.float32)
    kt_ref[...] += jnp.dot(ef.T, g1, preferred_element_type=jnp.float32)
    lt_ref[...] += jnp.dot(ef.T, g2, preferred_element_type=jnp.float32)
    s1_ref[...] += jnp.sum(g1, axis=0, keepdims=True)
    s2_ref[...] += jnp.sum(g2, axis=0, keepdims=True)


def _corr(g1, g2, ef):
    zero2 = lambda i: (0, 0)
    return pl.pallas_call(
        _corr_body,
        grid=(NEB,),
        in_specs=[pl.BlockSpec((BE, D), lambda i: (i, 0)),
                  pl.BlockSpec((BE, D), lambda i: (i, 0)),
                  pl.BlockSpec((BE, DE), lambda i: (i, 0))],
        out_specs=[pl.BlockSpec((D, D), zero2), pl.BlockSpec((D, D), zero2),
                   pl.BlockSpec((D, D), zero2), pl.BlockSpec((DE, D), zero2),
                   pl.BlockSpec((DE, D), zero2), pl.BlockSpec((1, D), zero2),
                   pl.BlockSpec((1, D), zero2)],
        out_shape=[jax.ShapeDtypeStruct((D, D), jnp.float32),
                   jax.ShapeDtypeStruct((D, D), jnp.float32),
                   jax.ShapeDtypeStruct((D, D), jnp.float32),
                   jax.ShapeDtypeStruct((DE, D), jnp.float32),
                   jax.ShapeDtypeStruct((DE, D), jnp.float32),
                   jax.ShapeDtypeStruct((1, D), jnp.float32),
                   jax.ShapeDtypeStruct((1, D), jnp.float32)],
    )(g1, g2, ef)


def _efstat_body(ef_ref, c16_ref, cs_ref):
    @pl.when(pl.program_id(0) == 0)
    def _init():
        c16_ref[...] = jnp.zeros_like(c16_ref)
        cs_ref[...] = jnp.zeros_like(cs_ref)

    ef = ef_ref[...]
    c16_ref[...] += jnp.dot(ef.T, ef, preferred_element_type=jnp.float32)
    cs_ref[...] += jnp.sum(ef, axis=0, keepdims=True)


def _efstats(ef):
    return pl.pallas_call(
        _efstat_body,
        grid=(NEB,),
        in_specs=[pl.BlockSpec((BE, DE), lambda i: (i, 0))],
        out_specs=[pl.BlockSpec((DE, DE), lambda i: (0, 0)),
                   pl.BlockSpec((1, DE), lambda i: (0, 0))],
        out_shape=[jax.ShapeDtypeStruct((DE, DE), jnp.float32),
                   jax.ShapeDtypeStruct((1, DE), jnp.float32)],
    )(ef)


def _stats_body(mt_ref, m11_ref, m22_ref, kt_ref, lt_ref, s1_ref, s2_ref,
                c16_ref, cs_ref, wt_ref, b_ref, g_ref, bb_ref,
                w1st_ref, w2st_ref, west_ref, t_ref):
    w1t = wt_ref[:D, :]
    w2t = wt_ref[D:2 * D, :]
    wet = wt_ref[2 * D:, :]
    b = b_ref[...]
    inv_e = 1.0 / E
    s1w = jnp.dot(s1_ref[...], w1t, preferred_element_type=jnp.float32)
    s2w = jnp.dot(s2_ref[...], w2t, preferred_element_type=jnp.float32)
    ea = s1w * inv_e + b
    eb = s2w * inv_e
    ec = jnp.dot(cs_ref[...], wet, preferred_element_type=jnp.float32) * inv_e
    m = ea + eb + ec
    m11w = jnp.dot(m11_ref[...], w1t, preferred_element_type=jnp.float32)
    ea2 = (jnp.sum(m11w * w1t, axis=0, keepdims=True) * inv_e
           + 2.0 * b * s1w * inv_e + b * b)
    m22w = jnp.dot(m22_ref[...], w2t, preferred_element_type=jnp.float32)
    eb2 = jnp.sum(m22w * w2t, axis=0, keepdims=True) * inv_e
    cwet = jnp.dot(c16_ref[...], wet, preferred_element_type=jnp.float32)
    ec2 = jnp.sum(wet * cwet, axis=0, keepdims=True) * inv_e
    mw1 = jnp.dot(mt_ref[...], w1t, preferred_element_type=jnp.float32)
    eab = (jnp.sum(mw1 * w2t, axis=0, keepdims=True) * inv_e + b * eb)
    kw1 = jnp.dot(kt_ref[...], w1t, preferred_element_type=jnp.float32)
    eac = jnp.sum(kw1 * wet, axis=0, keepdims=True) * inv_e + b * ec
    lw2 = jnp.dot(lt_ref[...], w2t, preferred_element_type=jnp.float32)
    ebc = jnp.sum(lw2 * wet, axis=0, keepdims=True) * inv_e
    v = ea2 + eb2 + ec2 + 2.0 * (eab + eac + ebc) - m * m
    s = g_ref[...] / jnp.sqrt(v + EPS)
    t = bb_ref[...] - m * s
    w1st_ref[...] = w1t * s
    w2st_ref[...] = w2t * s
    west_ref[...] = wet * s
    t_ref[...] = t + b * s


def _layer_stats(mt, m11, m22, kt, lt, s1, s2, c16, cs, wt, b, g, bb):
    full = lambda shp: pl.BlockSpec(shp, lambda: tuple(0 for _ in shp))
    return pl.pallas_call(
        _stats_body,
        in_specs=[full((D, D)), full((D, D)), full((D, D)),
                  full((DE, D)), full((DE, D)), full((1, D)), full((1, D)),
                  full((DE, DE)), full((1, DE)),
                  full((2 * D + DE, 2 * D)), full((1, 2 * D)),
                  full((1, 2 * D)), full((1, 2 * D))],
        out_specs=[full((D, 2 * D)), full((D, 2 * D)), full((DE, 2 * D)),
                   full((1, 2 * D))],
        out_shape=[jax.ShapeDtypeStruct((D, 2 * D), jnp.float32),
                   jax.ShapeDtypeStruct((D, 2 * D), jnp.float32),
                   jax.ShapeDtypeStruct((DE, 2 * D), jnp.float32),
                   jax.ShapeDtypeStruct((1, 2 * D), jnp.float32)],
    )(mt, m11, m22, kt, lt, s1, s2, c16, cs, wt, b, g, bb)


def _bn2_body(aggs_ref, cnt1_ref, x_ref, g_ref, b_ref, out_ref):
    agg = aggs_ref[...] / jnp.maximum(cnt1_ref[...], 1.0)
    m = jnp.mean(agg, axis=0, keepdims=True)
    v = jnp.mean((agg - m) ** 2, axis=0, keepdims=True)
    agg = g_ref[...] * (agg - m) / jnp.sqrt(v + EPS) + b_ref[...]
    out_ref[...] = _softplus(x_ref[...] + agg)


def _bn2_update(aggs, cnt1, x, g, b):
    full = lambda shp: pl.BlockSpec(shp, lambda: tuple(0 for _ in shp))
    return pl.pallas_call(
        _bn2_body,
        in_specs=[full((N, D)), full((N, 1)), full((N, D)),
                  full((1, D)), full((1, D))],
        out_specs=full((N, D)),
        out_shape=jax.ShapeDtypeStruct((N, D), jnp.float32),
    )(aggs, cnt1, x, g, b)


def _final_body(x_ref, idx3_ref, fc1_wt_ref, fc1_b_ref, out_wt_ref,
                out_b_ref, out_ref):
    x = x_ref[...]
    idx3 = idx3_ref[...]
    lanes = jax.lax.broadcasted_iota(jnp.int32, (N, 128), 1)
    onehot = (lanes == idx3).astype(jnp.float32)
    csum = jnp.dot(onehot.T, x, preferred_element_type=jnp.float32)
    ccnt = jnp.sum(onehot, axis=0, keepdims=True)
    crys = csum / jnp.maximum(ccnt.T, 1.0)
    crys = _softplus(
        jnp.dot(crys, fc1_wt_ref[...], preferred_element_type=jnp.float32)
        + fc1_b_ref[...])
    out = jnp.dot(crys, out_wt_ref[...], preferred_element_type=jnp.float32)
    out = out + out_b_ref[...]
    out_ref[...] = out[:G, :]


def _final(x, idx3, fc1_wt, fc1_b, out_wt, out_b):
    full = lambda shp: pl.BlockSpec(shp, lambda: tuple(0 for _ in shp))
    return pl.pallas_call(
        _final_body,
        in_specs=[full((N, D)), full((N, 1)), full((D, D)), full((1, D)),
                  full((D, 2)), full((1, 2))],
        out_specs=full((G, 2)),
        out_shape=jax.ShapeDtypeStruct((G, 2), jnp.float32),
    )(x, idx3, fc1_wt, fc1_b, out_wt, out_b)


def kernel(node_fea, edge_fea, idx1, idx2, idx3, emb, fc_full_W, fc_full_b,
           bn1_g, bn1_b, bn2_g, bn2_b, fc1_W, fc1_b, out_W, out_b):
    ef = edge_fea
    i1 = idx1.astype(jnp.int32)
    i2 = idx2.astype(jnp.int32)
    nf = node_fea.astype(jnp.int32)
    zd = jnp.zeros((NPAD, D), jnp.float32)

    x0 = _build_sc_emb_gather()(emb, nf)
    c16, cs = _efstats(ef)
    cnt1 = jax.ops.segment_sum(jnp.ones((E, 1), jnp.float32), i1,
                               num_segments=N)

    def layer_step(x, p):
        wt, b, g1n, b1n, g2n, b2n = p
        g1, g2 = _build_sc_gather()(x, i1, i2)
        mt, m11, m22, kt, lt, s1, s2 = _corr(g1, g2, ef)
        w1st, w2st, west, t = _layer_stats(
            mt, m11, m22, kt, lt, s1, s2, c16, cs, wt, b, g1n, b1n)
        w = _edge_stream(w1st, w2st, west, t, g1, g2, ef)
        aggp = _build_sc_scatter()(w, i1, zd)
        aggsum = aggp[:N, :] + aggp[NPAD:NPAD + N, :]
        return _bn2_update(aggsum, cnt1, x, g2n, b2n), None

    params = (jnp.swapaxes(fc_full_W, 1, 2), fc_full_b[:, None, :],
              bn1_g[:, None, :], bn1_b[:, None, :],
              bn2_g[:, None, :], bn2_b[:, None, :])
    x, _ = lax.scan(layer_step, x0, params)

    return _final(x, idx3.astype(jnp.int32)[:, None], fc1_W.T,
                  fc1_b[None, :], out_W.T, out_b[None, :])

# --- scband reference (transcript-rebuilt; emitter-appended) ---
"""Pipeline reference for scband-cgcnn-15161234555427 (READ-ONLY COPY).

The authoritative reference and input builder live on the scoring server;
editing this copy changes nothing except your own understanding.
"""

import jax, jax.numpy as jnp
import numpy as np

N = 10000
E = 320000
D = 128
DE = 16
NC = 3
H = 128
G = 100


def _batchnorm(x, g, b, eps=1e-5):
    m = jnp.mean(x, axis=0)
    v = jnp.mean((x - m) ** 2, axis=0)
    return g * (x - m) / jnp.sqrt(v + eps) + b


def _scatter_mean(vals, idx, num_segments):
    s = jax.ops.segment_sum(vals, idx, num_segments=num_segments)
    c = jax.ops.segment_sum(jnp.ones((vals.shape[0], 1), dtype=vals.dtype), idx, num_segments=num_segments)
    return s / jnp.maximum(c, 1.0)


def setup_inputs(seed: int = 0) -> dict:
    key = jax.random.key(seed)
    ks = jax.random.split(key, 12)
    node_fea = jax.random.randint(ks[0], (N,), 0, 101)
    edge_fea = jax.random.normal(ks[1], (E, DE), dtype=jnp.float32)
    idx1 = jax.random.randint(ks[2], (E,), 0, N)
    idx2 = jax.random.randint(ks[3], (E,), 0, N)
    idx3 = jnp.sort(jax.random.randint(ks[4], (N,), 0, G))
    emb = jax.random.normal(ks[5], (101, D), dtype=jnp.float32) * 0.1
    fc_full_W = jax.random.normal(ks[6], (NC, 2 * D, 2 * D + DE), dtype=jnp.float32) * (1.0 / np.sqrt(2 * D + DE))
    fc_full_b = jnp.zeros((NC, 2 * D), dtype=jnp.float32)
    bn1_g = jnp.ones((NC, 2 * D), dtype=jnp.float32)
    bn1_b = jnp.zeros((NC, 2 * D), dtype=jnp.float32)
    bn2_g = jnp.ones((NC, D), dtype=jnp.float32)
    bn2_b = jnp.zeros((NC, D), dtype=jnp.float32)
    fc1_W = jax.random.normal(ks[7], (H, D), dtype=jnp.float32) * (1.0 / np.sqrt(D))
    fc1_b = jnp.zeros((H,), dtype=jnp.float32)
    out_W = jax.random.normal(ks[8], (2, H), dtype=jnp.float32) * (1.0 / np.sqrt(H))
    out_b = jnp.zeros((2,), dtype=jnp.float32)
    return {
        "node_fea": node_fea, "edge_fea": edge_fea, "idx1": idx1, "idx2": idx2, "idx3": idx3,
        "emb": emb, "fc_full_W": fc_full_W, "fc_full_b": fc_full_b,
        "bn1_g": bn1_g, "bn1_b": bn1_b, "bn2_g": bn2_g, "bn2_b": bn2_b,
        "fc1_W": fc1_W, "fc1_b": fc1_b, "out_W": out_W, "out_b": out_b,
    }


def reference(node_fea, edge_fea, idx1, idx2, idx3, emb, fc_full_W, fc_full_b, bn1_g, bn1_b, bn2_g, bn2_b, fc1_W, fc1_b, out_W, out_b):
    x = jnp.take(emb, node_fea, axis=0)
    for i in range(NC):
        n1 = jnp.take(x, idx1, axis=0)
        n2 = jnp.take(x, idx2, axis=0)
        z = jnp.concatenate([n1, n2, edge_fea], axis=1)
        z = z @ fc_full_W[i].T + fc_full_b[i]
        z = _batchnorm(z, bn1_g[i], bn1_b[i])
        gate, conv = jnp.split(z, 2, axis=1)
        gate = jax.nn.sigmoid(gate)
        conv = jax.nn.softplus(conv)
        agg = _scatter_mean(gate * conv, idx1, N)
        agg = _batchnorm(agg, bn2_g[i], bn2_b[i])
        x = jax.nn.softplus(x + agg)
    crys = _scatter_mean(x, idx3, G)
    crys = jax.nn.softplus(crys @ fc1_W.T + fc1_b)
    out = crys @ out_W.T + out_b
    return out

if __name__ == "__main__":
    import jax
    _d = setup_inputs()
    print(jax.jit(kernel)(*tuple(_d.values())))

</pallas_src>

<mosaic_0001>
#map = affine_map<(d0, d1) -> (0, 0)>
#map1 = affine_map<(d0, d1) -> (0)>
module attributes {stable_mosaic.version = 14 : i64} {
  func.func @sc_gather(%arg0: i32, %arg1: i32, %arg2: memref<10000x128xf32, #tpu.memory_space<hbm>>, %arg3: memref<320000xi32, #tpu.memory_space<hbm>>, %arg4: memref<320000xi32, #tpu.memory_space<hbm>>, %arg5: memref<320000x128xf32, #tpu.memory_space<hbm>>, %arg6: memref<320000x128xf32, #tpu.memory_space<hbm>>, %arg7: memref<80xi32, #tpu.memory_space<vmem>>, %arg8: memref<80xi32, #tpu.memory_space<vmem>>, %arg9: memref<80x128xf32, #tpu.memory_space<vmem>>, %arg10: memref<80x128xf32, #tpu.memory_space<vmem>>, %arg11: memref<!tpu.dma_semaphore, #tpu.memory_space<semaphore_mem>>, %arg12: memref<!tpu.dma_semaphore, #tpu.memory_space<semaphore_mem>>) attributes {dimension_semantics = [#tpu.dimension_semantics<core_parallel>, #tpu.dimension_semantics<subcore_parallel>], iteration_bounds = array<i64: 2, 16>, scalar_prefetch = 0 : i64, scratch_operands = 6 : i64, tpu.core_type = #tpu.core_type<sc_vector_subcore>, window_params = [{transform_indices = #map}, {transform_indices = #map1}, {transform_indices = #map1}, {transform_indices = #map}, {transform_indices = #map}]} {
    %mul3A = arith.constant 16 : i32
    %mul3A_0 = arith.muli %arg0, %mul3A : i32
    %add3A = arith.addi %mul3A_0, %arg1 : i32
    %scan3A = arith.constant 0 : i32
    %scan3A_1 = arith.constant 0 : i32
    %scan3A_2 = arith.constant 125 : i32
    %scan3A_3 = arith.addi %scan3A_1, %scan3A_2 : i32
    %scan3A_4 = arith.constant 1 : i32
    scf.for %scan3A_6 = %scan3A_1 to %scan3A_3 step %scan3A_4  : i32 {
      %mul3A_7 = arith.constant 10000 : i32
      %mul3A_8 = arith.muli %add3A, %mul3A_7 : i32
      %mul3A_9 = arith.constant 80 : i32
      %mul3A_10 = arith.muli %scan3A_6, %mul3A_9 : i32
      %add3A_11 = arith.addi %mul3A_8, %mul3A_10 : i32
      "tpu.region"() ({
        %run_scoped3A = tpu.sem_alloc : memref<!tpu.dma_semaphore, #tpu.memory_space<semaphore_mem>>
        %dma_start3A_22 = tpu.memref_slice %arg4[%add3A_11] : memref<320000xi32, #tpu.memory_space<hbm>> -> memref<80xi32, #tpu.memory_space<hbm>>
        %dma_start3A_23 = tpu.memref_slice %arg4[%add3A_11] : memref<320000xi32, #tpu.memory_space<hbm>> -> memref<80xi32, #tpu.memory_space<hbm>>
        tpu.enqueue_dma source(%dma_start3A_23 : memref<80xi32, #tpu.memory_space<hbm>>) target(%arg8 : memref<80xi32, #tpu.memory_space<vmem>>) target_semaphore(%run_scoped3A : memref<!tpu.dma_semaphore, #tpu.memory_space<semaphore_mem>>)
        %dma_wait3A_24 = tpu.memref_slice %arg4[%add3A_11] : memref<320000xi32, #tpu.memory_space<hbm>> -> memref<80xi32, #tpu.memory_space<hbm>>
        %dma_wait3A_25 = tpu.memref_slice %arg4[%add3A_11] : memref<320000xi32, #tpu.memory_space<hbm>> -> memref<80xi32, #tpu.memory_space<hbm>>
        tpu.wait_dma2 semaphore(%run_scoped3A : memref<!tpu.dma_semaphore, #tpu.memory_space<semaphore_mem>>) src(%dma_wait3A_25 : memref<80xi32, #tpu.memory_space<hbm>>) dst(%arg8 : memref<80xi32, #tpu.memory_space<vmem>>)
        tpu.yield
      }) : () -> ()
      %dma_start3A = arith.constant 0 : i32
      %dma_start3A_12 = arith.constant 0 : i32
      %dma_start3A_13 = tpu.memref_slice %arg2[%dma_start3A, %dma_start3A_12] : memref<10000x128xf32, #tpu.memory_space<hbm>> -> memref<10000x128xf32, #tpu.memory_space<hbm>>
      tpu.enqueue_indirect_dma source(%dma_start3A_13 : memref<10000x128xf32, #tpu.memory_space<hbm>>) target(%arg10 : memref<80x128xf32, #tpu.memory_space<vmem>>) offsets(%arg8 : memref<80xi32, #tpu.memory_space<vmem>>) semaphore(%arg12 : memref<!tpu.dma_semaphore, #tpu.memory_space<semaphore_mem>>)
      %dma_wait3A = arith.constant 0 : i32
      %dma_wait3A_14 = arith.constant 0 : i32
      %dma_wait3A_15 = tpu.memref_slice %arg2[%dma_wait3A, %dma_wait3A_14] : memref<10000x128xf32, #tpu.memory_space<hbm>> -> memref<10000x128xf32, #tpu.memory_space<hbm>>
      tpu.wait_indirect_dma semaphore(%arg12 : memref<!tpu.dma_semaphore, #tpu.memory_space<semaphore_mem>>) src(%dma_wait3A_15 : memref<10000x128xf32, #tpu.memory_space<hbm>>) dst(%arg10 : memref<80x128xf32, #tpu.memory_space<vmem>>)
      "tpu.region"() ({
        %run_scoped3A = tpu.sem_alloc : memref<!tpu.dma_semaphore, #tpu.memory_space<semaphore_mem>>
        %dma_start3A_22 = arith.constant 0 : i32
        %dma_start3A_23 = tpu.memref_slice %arg6[%add3A_11, %dma_start3A_22] : memref<320000x128xf32, #tpu.memory_space<hbm>> -> memref<80x128xf32, #tpu.memory_space<hbm>>
        %dma_start3A_24 = arith.constant 0 : i32
        %dma_start3A_25 = tpu.memref_slice %arg6[%add3A_11, %dma_start3A_24] : memref<320000x128xf32, #tpu.memory_space<hbm>> -> memref<80x128xf32, #tpu.memory_space<hbm>>
        tpu.enqueue_dma source(%arg10 : memref<80x128xf32, #tpu.memory_space<vmem>>) target(%dma_start3A_25 : memref<80x128xf32, #tpu.memory_space<hbm>>) target_semaphore(%run_scoped3A : memref<!tpu.dma_semaphore, #tpu.memory_space<semaphore_mem>>)
        %dma_wait3A_26 = arith.constant 0 : i32
        %dma_wait3A_27 = tpu.memref_slice %arg6[%add3A_11, %dma_wait3A_26] : memref<320000x128xf32, #tpu.memory_space<hbm>> -> memref<80x128xf32, #tpu.memory_space<hbm>>
        %dma_wait3A_28 = arith.constant 0 : i32
        %dma_wait3A_29 = tpu.memref_slice %arg6[%add3A_11, %dma_wait3A_28] : memref<320000x128xf32, #tpu.memory_space<hbm>> -> memref<80x128xf32, #tpu.memory_space<hbm>>
        tpu.wait_dma2 semaphore(%run_scoped3A : memref<!tpu.dma_semaphore, #tpu.memory_space<semaphore_mem>>) src(%arg10 : memref<80x128xf32, #tpu.memory_space<vmem>>) dst(%dma_wait3A_29 : memref<80x128xf32, #tpu.memory_space<hbm>>)
        tpu.yield
      }) : () -> ()
      "tpu.region"() ({
        %run_scoped3A = tpu.sem_alloc : memref<!tpu.dma_semaphore, #tpu.memory_space<semaphore_mem>>
        %dma_start3A_22 = tpu.memref_slice %arg3[%add3A_11] : memref<320000xi32, #tpu.memory_space<hbm>> -> memref<80xi32, #tpu.memory_space<hbm>>
        %dma_start3A_23 = tpu.memref_slice %arg3[%add3A_11] : memref<320000xi32, #tpu.memory_space<hbm>> -> memref<80xi32, #tpu.memory_space<hbm>>
        tpu.enqueue_dma source(%dma_start3A_23 : memref<80xi32, #tpu.memory_space<hbm>>) target(%arg7 : memref<80xi32, #tpu.memory_space<vmem>>) target_semaphore(%run_scoped3A : memref<!tpu.dma_semaphore, #tpu.memory_space<semaphore_mem>>)
        %dma_wait3A_24 = tpu.memref_slice %arg3[%add3A_11] : memref<320000xi32, #tpu.memory_space<hbm>> -> memref<80xi32, #tpu.memory_space<hbm>>
        %dma_wait3A_25 = tpu.memref_slice %arg3[%add3A_11] : memref<320000xi32, #tpu.memory_space<hbm>> -> memref<80xi32, #tpu.memory_space<hbm>>
        tpu.wait_dma2 semaphore(%run_scoped3A : memref<!tpu.dma_semaphore, #tpu.memory_space<semaphore_mem>>) src(%dma_wait3A_25 : memref<80xi32, #tpu.memory_space<hbm>>) dst(%arg7 : memref<80xi32, #tpu.memory_space<vmem>>)
        tpu.yield
      }) : () -> ()
      %dma_start3A_16 = arith.constant 0 : i32
      %dma_start3A_17 = arith.constant 0 : i32
      %dma_start3A_18 = tpu.memref_slice %arg2[%dma_start3A_16, %dma_start3A_17] : memref<10000x128xf32, #tpu.memory_space<hbm>> -> memref<10000x128xf32, #tpu.memory_space<hbm>>
      tpu.enqueue_indirect_dma source(%dma_start3A_18 : memref<10000x128xf32, #tpu.memory_space<hbm>>) target(%arg9 : memref<80x128xf32, #tpu.memory_space<vmem>>) offsets(%arg7 : memref<80xi32, #tpu.memory_space<vmem>>) semaphore(%arg11 : memref<!tpu.dma_semaphore, #tpu.memory_space<semaphore_mem>>)
      %dma_wait3A_19 = arith.constant 0 : i32
      %dma_wait3A_20 = arith.constant 0 : i32
      %dma_wait3A_21 = tpu.memref_slice %arg2[%dma_wait3A_19, %dma_wait3A_20] : memref<10000x128xf32, #tpu.memory_space<hbm>> -> memref<10000x128xf32, #tpu.memory_space<hbm>>
      tpu.wait_indirect_dma semaphore(%arg11 : memref<!tpu.dma_semaphore, #tpu.memory_space<semaphore_mem>>) src(%dma_wait3A_21 : memref<10000x128xf32, #tpu.memory_space<hbm>>) dst(%arg9 : memref<80x128xf32, #tpu.memory_space<vmem>>)
      "tpu.region"() ({
        %run_scoped3A = tpu.sem_alloc : memref<!tpu.dma_semaphore, #tpu.memory_space<semaphore_mem>>
        %dma_start3A_22 = arith.constant 0 : i32
        %dma_start3A_23 = tpu.memref_slice %arg5[%add3A_11, %dma_start3A_22] : memref<320000x128xf32, #tpu.memory_space<hbm>> -> memref<80x128xf32, #tpu.memory_space<hbm>>
        %dma_start3A_24 = arith.constant 0 : i32
        %dma_start3A_25 = tpu.memref_slice %arg5[%add3A_11, %dma_start3A_24] : memref<320000x128xf32, #tpu.memory_space<hbm>> -> memref<80x128xf32, #tpu.memory_space<hbm>>
        tpu.enqueue_dma source(%arg9 : memref<80x128xf32, #tpu.memory_space<vmem>>) target(%dma_start3A_25 : memref<80x128xf32, #tpu.memory_space<hbm>>) target_semaphore(%run_scoped3A : memref<!tpu.dma_semaphore, #tpu.memory_space<semaphore_mem>>)
        %dma_wait3A_26 = arith.constant 0 : i32
        %dma_wait3A_27 = tpu.memref_slice %arg5[%add3A_11, %dma_wait3A_26] : memref<320000x128xf32, #tpu.memory_space<hbm>> -> memref<80x128xf32, #tpu.memory_space<hbm>>
        %dma_wait3A_28 = arith.constant 0 : i32
        %dma_wait3A_29 = tpu.memref_slice %arg5[%add3A_11, %dma_wait3A_28] : memref<320000x128xf32, #tpu.memory_space<hbm>> -> memref<80x128xf32, #tpu.memory_space<hbm>>
        tpu.wait_dma2 semaphore(%run_scoped3A : memref<!tpu.dma_semaphore, #tpu.memory_space<semaphore_mem>>) src(%arg9 : memref<80x128xf32, #tpu.memory_space<vmem>>) dst(%dma_wait3A_29 : memref<80x128xf32, #tpu.memory_space<hbm>>)
        tpu.yield
      }) : () -> ()
    }
    %scan3A_5 = arith.constant 125 : i32
    return
  }
}

#map = affine_map<(d0, d1) -> (0, 0)>
#map1 = affine_map<(d0, d1) -> (0)>
module attributes {stable_mosaic.version = 14 : i64} {
  func.func @sc_emb_gather(%arg0: i32, %arg1: i32, %arg2: memref<101x128xf32, #tpu.memory_space<hbm>>, %arg3: memref<10000xi32, #tpu.memory_space<hbm>>, %arg4: memref<10000x128xf32, #tpu.memory_space<hbm>>, %arg5: memref<80xi32, #tpu.memory_space<vmem>>, %arg6: memref<80x128xf32, #tpu.memory_space<vmem>>, %arg7: memref<!tpu.dma_semaphore, #tpu.memory_space<semaphore_mem>>) attributes {dimension_semantics = [#tpu.dimension_semantics<core_parallel>, #tpu.dimension_semantics<subcore_parallel>], iteration_bounds = array<i64: 2, 16>, scalar_prefetch = 0 : i64, scratch_operands = 3 : i64, tpu.core_type = #tpu.core_type<sc_vector_subcore>, window_params = [{transform_indices = #map}, {transform_indices = #map1}, {transform_indices = #map}]} {
    %mul3A = arith.constant 16 : i32
    %mul3A_0 = arith.muli %arg0, %mul3A : i32
    %add3A = arith.addi %mul3A_0, %arg1 : i32
    %lt3A = arith.constant 25 : i32
    %lt3A_1 = arith.cmpi slt, %add3A, %lt3A : i32
    %convert_element_type3A = arith.extui %lt3A_1 : i1 to i32
    %cond3A = arith.constant 0 : i32
    %cond3A_2 = arith.cmpi ne, %convert_element_type3A, %cond3A : i32
    scf.if %cond3A_2 {
      %scan3A = arith.constant 0 : i32
      %scan3A_3 = arith.constant 0 : i32
      %scan3A_4 = arith.constant 5 : i32
      %scan3A_5 = arith.addi %scan3A_3, %scan3A_4 : i32
      %scan3A_6 = arith.constant 1 : i32
      scf.for %scan3A_8 = %scan3A_3 to %scan3A_5 step %scan3A_6  : i32 {
        %mul3A_9 = arith.constant 400 : i32
        %mul3A_10 = arith.muli %add3A, %mul3A_9 : i32
        %mul3A_11 = arith.constant 80 : i32
        %mul3A_12 = arith.muli %scan3A_8, %mul3A_11 : i32
        %add3A_13 = arith.addi %mul3A_10, %mul3A_12 : i32
        "tpu.region"() ({
          %run_scoped3A = tpu.sem_alloc : memref<!tpu.dma_semaphore, #tpu.memory_space<semaphore_mem>>
          %dma_start3A_18 = tpu.memref_slice %arg3[%add3A_13] : memref<10000xi32, #tpu.memory_space<hbm>> -> memref<80xi32, #tpu.memory_space<hbm>>
          %dma_start3A_19 = tpu.memref_slice %arg3[%add3A_13] : memref<10000xi32, #tpu.memory_space<hbm>> -> memref<80xi32, #tpu.memory_space<hbm>>
          tpu.enqueue_dma source(%dma_start3A_19 : memref<80xi32, #tpu.memory_space<hbm>>) target(%arg5 : memref<80xi32, #tpu.memory_space<vmem>>) target_semaphore(%run_scoped3A : memref<!tpu.dma_semaphore, #tpu.memory_space<semaphore_mem>>)
          %dma_wait3A_20 = tpu.memref_slice %arg3[%add3A_13] : memref<10000xi32, #tpu.memory_space<hbm>> -> memref<80xi32, #tpu.memory_space<hbm>>
          %dma_wait3A_21 = tpu.memref_slice %arg3[%add3A_13] : memref<10000xi32, #tpu.memory_space<hbm>> -> memref<80xi32, #tpu.memory_space<hbm>>
          tpu.wait_dma2 semaphore(%run_scoped3A : memref<!tpu.dma_semaphore, #tpu.memory_space<semaphore_mem>>) src(%dma_wait3A_21 : memref<80xi32, #tpu.memory_space<hbm>>) dst(%arg5 : memref<80xi32, #tpu.memory_space<vmem>>)
          tpu.yield
        }) : () -> ()
        %dma_start3A = arith.constant 0 : i32
        %dma_start3A_14 = arith.constant 0 : i32
        %dma_start3A_15 = tpu.memref_slice %arg2[%dma_start3A, %dma_start3A_14] : memref<101x128xf32, #tpu.memory_space<hbm>> -> memref<101x128xf32, #tpu.memory_space<hbm>>
        tpu.enqueue_indirect_dma source(%dma_start3A_15 : memref<101x128xf32, #tpu.memory_space<hbm>>) target(%arg6 : memref<80x128xf32, #tpu.memory_space<vmem>>) offsets(%arg5 : memref<80xi32, #tpu.memory_space<vmem>>) semaphore(%arg7 : memref<!tpu.dma_semaphore, #tpu.memory_space<semaphore_mem>>)
        %dma_wait3A = arith.constant 0 : i32
        %dma_wait3A_16 = arith.constant 0 : i32
        %dma_wait3A_17 = tpu.memref_slice %arg2[%dma_wait3A, %dma_wait3A_16] : memref<101x128xf32, #tpu.memory_space<hbm>> -> memref<101x128xf32, #tpu.memory_space<hbm>>
        tpu.wait_indirect_dma semaphore(%arg7 : memref<!tpu.dma_semaphore, #tpu.memory_space<semaphore_mem>>) src(%dma_wait3A_17 : memref<101x128xf32, #tpu.memory_space<hbm>>) dst(%arg6 : memref<80x128xf32, #tpu.memory_space<vmem>>)
        "tpu.region"() ({
          %run_scoped3A = tpu.sem_alloc : memref<!tpu.dma_semaphore, #tpu.memory_space<semaphore_mem>>
          %dma_start3A_18 = arith.constant 0 : i32
          %dma_start3A_19 = tpu.memref_slice %arg4[%add3A_13, %dma_start3A_18] : memref<10000x128xf32, #tpu.memory_space<hbm>> -> memref<80x128xf32, #tpu.memory_space<hbm>>
          %dma_start3A_20 = arith.constant 0 : i32
          %dma_start3A_21 = tpu.memref_slice %arg4[%add3A_13, %dma_start3A_20] : memref<10000x128xf32, #tpu.memory_space<hbm>> -> memref<80x128xf32, #tpu.memory_space<hbm>>
          tpu.enqueue_dma source(%arg6 : memref<80x128xf32, #tpu.memory_space<vmem>>) target(%dma_start3A_21 : memref<80x128xf32, #tpu.memory_space<hbm>>) target_semaphore(%run_scoped3A : memref<!tpu.dma_semaphore, #tpu.memory_space<semaphore_mem>>)
          %dma_wait3A_22 = arith.constant 0 : i32
          %dma_wait3A_23 = tpu.memref_slice %arg4[%add3A_13, %dma_wait3A_22] : memref<10000x128xf32, #tpu.memory_space<hbm>> -> memref<80x128xf32, #tpu.memory_space<hbm>>
          %dma_wait3A_24 = arith.constant 0 : i32
          %dma_wait3A_25 = tpu.memref_slice %arg4[%add3A_13, %dma_wait3A_24] : memref<10000x128xf32, #tpu.memory_space<hbm>> -> memref<80x128xf32, #tpu.memory_space<hbm>>
          tpu.wait_dma2 semaphore(%run_scoped3A : memref<!tpu.dma_semaphore, #tpu.memory_space<semaphore_mem>>) src(%arg6 : memref<80x128xf32, #tpu.memory_space<vmem>>) dst(%dma_wait3A_25 : memref<80x128xf32, #tpu.memory_space<hbm>>)
          tpu.yield
        }) : () -> ()
      }
      %scan3A_7 = arith.constant 5 : i32
    } else {
    }
    return
  }
}

#map = affine_map<(d0, d1) -> (0, 0)>
#map1 = affine_map<(d0, d1) -> (0)>
module attributes {stable_mosaic.version = 14 : i64} {
  func.func @sc_scatter(%arg0: i32, %arg1: i32, %arg2: memref<320000x128xf32, #tpu.memory_space<hbm>>, %arg3: memref<320000xi32, #tpu.memory_space<hbm>>, %arg4: memref<10240x128xf32, #tpu.memory_space<hbm>>, %arg5: memref<20480x128xf32, #tpu.memory_space<hbm>>, %arg6: memref<5016xi32, #tpu.memory_space<vmem>>, %arg7: memref<5016xi32, #tpu.memory_space<vmem>>, %arg8: memref<80x128xf32, #tpu.memory_space<vmem>>, %arg9: memref<640x128xf32, #tpu.memory_space<vmem>>, %arg10: memref<!tpu.dma_semaphore, #tpu.memory_space<semaphore_mem>>) attributes {dimension_semantics = [#tpu.dimension_semantics<core_parallel>, #tpu.dimension_semantics<subcore_parallel>], iteration_bounds = array<i64: 2, 16>, scalar_prefetch = 0 : i64, scratch_operands = 5 : i64, tpu.core_type = #tpu.core_type<sc_vector_subcore>, window_params = [{transform_indices = #map}, {transform_indices = #map1}, {transform_indices = #map}, {transform_indices = #map}]} {
    %mul3A = arith.constant 640 : i32
    %mul3A_0 = arith.muli %arg1, %mul3A : i32
    %mul3A_1 = arith.constant 160000 : i32
    %mul3A_2 = arith.muli %arg0, %mul3A_1 : i32
    "tpu.region"() ({
      %run_scoped3A = tpu.sem_alloc : memref<!tpu.dma_semaphore, #tpu.memory_space<semaphore_mem>>
      %dma_start3A = arith.constant 0 : i32
      %dma_start3A_17 = tpu.memref_slice %arg4[%mul3A_0, %dma_start3A] : memref<10240x128xf32, #tpu.memory_space<hbm>> -> memref<640x128xf32, #tpu.memory_space<hbm>>
      %dma_start3A_18 = arith.constant 0 : i32
      %dma_start3A_19 = tpu.memref_slice %arg4[%mul3A_0, %dma_start3A_18] : memref<10240x128xf32, #tpu.memory_space<hbm>> -> memref<640x128xf32, #tpu.memory_space<hbm>>
      tpu.enqueue_dma source(%dma_start3A_19 : memref<640x128xf32, #tpu.memory_space<hbm>>) target(%arg9 : memref<640x128xf32, #tpu.memory_space<vmem>>) target_semaphore(%run_scoped3A : memref<!tpu.dma_semaphore, #tpu.memory_space<semaphore_mem>>)
      %dma_wait3A = arith.constant 0 : i32
      %dma_wait3A_20 = tpu.memref_slice %arg4[%mul3A_0, %dma_wait3A] : memref<10240x128xf32, #tpu.memory_space<hbm>> -> memref<640x128xf32, #tpu.memory_space<hbm>>
      %dma_wait3A_21 = arith.constant 0 : i32
      %dma_wait3A_22 = tpu.memref_slice %arg4[%mul3A_0, %dma_wait3A_21] : memref<10240x128xf32, #tpu.memory_space<hbm>> -> memref<640x128xf32, #tpu.memory_space<hbm>>
      tpu.wait_dma2 semaphore(%run_scoped3A : memref<!tpu.dma_semaphore, #tpu.memory_space<semaphore_mem>>) src(%dma_wait3A_22 : memref<640x128xf32, #tpu.memory_space<hbm>>) dst(%arg9 : memref<640x128xf32, #tpu.memory_space<vmem>>)
      tpu.yield
    }) : () -> ()
    %broadcast_in_dim3A = arith.constant 0 : i32
    %broadcast_in_dim3A_3 = vector.broadcast %broadcast_in_dim3A : i32 to vector<16xi32>
    %scan3A = arith.constant 0 : i32
    %scan3A_4 = arith.constant 0 : i32
    %scan3A_5 = arith.constant 313 : i32
    %scan3A_6 = arith.addi %scan3A_4, %scan3A_5 : i32
    %scan3A_7 = arith.constant 1 : i32
    scf.for %scan3A_17 = %scan3A_4 to %scan3A_6 step %scan3A_7  : i32 {
      %mul3A_18 = arith.constant 16 : i32
      %mul3A_19 = arith.muli %scan3A_17, %mul3A_18 : i32
      %swap3A = arith.index_cast %mul3A_19 : i32 to index
      %swap3A_20 = tpu.vector_load %arg7[%swap3A] {strides = array<i32>} : memref<5016xi32, #tpu.memory_space<vmem>>, vector<16xi32>,
      %swap3A_21 = vector.shape_cast %swap3A_20 : vector<16xi32> to vector<16xi32>
      %swap3A_22 = vector.shape_cast %broadcast_in_dim3A_3 : vector<16xi32> to vector<16xi32>
      tpu.vector_store %arg7[%swap3A], %swap3A_22 {strides = array<i32>} : memref<5016xi32, #tpu.memory_space<vmem>>, vector<16xi32>,
    }
    %scan3A_8 = arith.constant 313 : i32
    %scan3A_9 = arith.constant 0 : i32
    %scan3A_10 = arith.constant 0 : i32
    %scan3A_11 = arith.constant 32 : i32
    %scan3A_12 = arith.addi %scan3A_10, %scan3A_11 : i32
    %scan3A_13 = arith.constant 1 : i32
    scf.for %scan3A_17 = %scan3A_10 to %scan3A_12 step %scan3A_13  : i32 {
      %mul3A_18 = arith.constant 5000 : i32
      %mul3A_19 = arith.muli %scan3A_17, %mul3A_18 : i32
      %add3A_20 = arith.addi %mul3A_2, %mul3A_19 : i32
      "tpu.region"() ({
        %run_scoped3A = tpu.sem_alloc : memref<!tpu.dma_semaphore, #tpu.memory_space<semaphore_mem>>
        %dma_start3A = arith.constant 0 : i32
        %dma_start3A_57 = tpu.memref_slice %arg6[%dma_start3A] : memref<5016xi32, #tpu.memory_space<vmem>> -> memref<5000xi32, #tpu.memory_space<vmem>>
        %dma_start3A_58 = tpu.memref_slice %arg3[%add3A_20] : memref<320000xi32, #tpu.memory_space<hbm>> -> memref<5000xi32, #tpu.memory_space<hbm>>
        %dma_start3A_59 = arith.constant 0 : i32
        %dma_start3A_60 = tpu.memref_slice %arg6[%dma_start3A_59] : memref<5016xi32, #tpu.memory_space<vmem>> -> memref<5000xi32, #tpu.memory_space<vmem>>
        %dma_start3A_61 = tpu.memref_slice %arg3[%add3A_20] : memref<320000xi32, #tpu.memory_space<hbm>> -> memref<5000xi32, #tpu.memory_space<hbm>>
        tpu.enqueue_dma source(%dma_start3A_61 : memref<5000xi32, #tpu.memory_space<hbm>>) target(%dma_start3A_60 : memref<5000xi32, #tpu.memory_space<vmem>>) target_semaphore(%run_scoped3A : memref<!tpu.dma_semaphore, #tpu.memory_space<semaphore_mem>>)
        %dma_wait3A = arith.constant 0 : i32
        %dma_wait3A_62 = tpu.memref_slice %arg6[%dma_wait3A] : memref<5016xi32, #tpu.memory_space<vmem>> -> memref<5000xi32, #tpu.memory_space<vmem>>
        %dma_wait3A_63 = tpu.memref_slice %arg3[%add3A_20] : memref<320000xi32, #tpu.memory_space<hbm>> -> memref<5000xi32, #tpu.memory_space<hbm>>
        %dma_wait3A_64 = arith.constant 0 : i32
        %dma_wait3A_65 = tpu.memref_slice %arg6[%dma_wait3A_64] : memref<5016xi32, #tpu.memory_space<vmem>> -> memref<5000xi32, #tpu.memory_space<vmem>>
        %dma_wait3A_66 = tpu.memref_slice %arg3[%add3A_20] : memref<320000xi32, #tpu.memory_space<hbm>> -> memref<5000xi32, #tpu.memory_space<hbm>>
        tpu.wait_dma2 semaphore(%run_scoped3A : memref<!tpu.dma_semaphore, #tpu.memory_space<semaphore_mem>>) src(%dma_wait3A_66 : memref<5000xi32, #tpu.memory_space<hbm>>) dst(%dma_wait3A_65 : memref<5000xi32, #tpu.memory_space<vmem>>)
        tpu.yield
      }) : () -> ()
      %scan3A_21 = arith.constant 0 : i32
      %scan3A_22 = arith.constant 0 : i32
      %scan3A_23 = arith.constant 312 : i32
      %scan3A_24 = arith.addi %scan3A_22, %scan3A_23 : i32
      %scan3A_25 = arith.constant 1 : i32
      %scan3A_26 = scf.for %scan3A_57 = %scan3A_22 to %scan3A_24 step %scan3A_25 iter_args(%scan3A_58 = %scan3A_21) -> (i32)  : i32 {
        %mul3A_59 = arith.constant 16 : i32
        %mul3A_60 = arith.muli %scan3A_57, %mul3A_59 : i32
        %get3A = arith.index_cast %mul3A_60 : i32 to index
        %get3A_61 = tpu.vector_load %arg6[%get3A] {strides = array<i32>} : memref<5016xi32, #tpu.memory_space<vmem>>, vector<16xi32>,
        %get3A_62 = vector.shape_cast %get3A_61 : vector<16xi32> to vector<16xi32>
        %sub3A_63 = vector.broadcast %mul3A_0 : i32 to vector<16xi32>
        %sub3A_64 = arith.subi %get3A_62, %sub3A_63 : vector<16xi32>
        %ge3A = arith.constant 0 : i32
        %ge3A_65 = vector.broadcast %ge3A : i32 to vector<16xi32>
        %ge3A_66 = arith.cmpi sge, %sub3A_64, %ge3A_65 : vector<16xi32>
        %lt3A = arith.constant 640 : i32
        %lt3A_67 = vector.broadcast %lt3A : i32 to vector<16xi32>
        %lt3A_68 = arith.cmpi slt, %sub3A_64, %lt3A_67 : vector<16xi32>
        %and3A_69 = arith.andi %ge3A_66, %lt3A_68 : vector<16xi1>
        %jit3A_70 = arith.constant 1 : i32
        %jit3A_71 = arith.constant 0 : i32
        %broadcast_in_dim3A_72 = vector.broadcast %jit3A_70 : i32 to vector<16xi32>
        %broadcast_in_dim3A_73 = vector.broadcast %jit3A_71 : i32 to vector<16xi32>
        %select_n3A_74 = arith.select %and3A_69, %broadcast_in_dim3A_72, %broadcast_in_dim3A_73 : vector<16xi1>, vector<16xi32>
        %mul3A_75 = arith.constant 16 : i32
        %mul3A_76 = arith.muli %scan3A_57, %mul3A_75 : i32
        %add3A_77 = arith.addi %add3A_20, %mul3A_76 : i32
        %slice3A = vector.extract_strided_slice %select_n3A_74 {offsets = [0], sizes = [1], strides = [1]} : vector<16xi32> to vector<1xi32>
        %squeeze3A = vector.extract %slice3A[0] : i32 from vector<1xi32>
        %eq3A = arith.constant 1 : i32
        %eq3A_78 = arith.cmpi eq, %squeeze3A, %eq3A : i32
        %convert_element_type3A = arith.extui %eq3A_78 : i1 to i32
        %cond3A = arith.constant 0 : i32
        %cond3A_79 = arith.cmpi ne, %convert_element_type3A, %cond3A : i32
        scf.if %cond3A_79 {
          %add3A_201 = arith.constant 0 : i32
          %add3A_202 = arith.addi %add3A_77, %add3A_201 : i32
          %broadcast_in_dim3A_203 = vector.broadcast %add3A_202 : i32 to vector<16xi32>
          %swap3A = arith.index_cast %scan3A_58 : i32 to index
          %swap3A_204 = tpu.vector_load %arg7[%swap3A] {strides = array<i32>} : memref<5016xi32, #tpu.memory_space<vmem>>, vector<16xi32>,
          %swap3A_205 = vector.shape_cast %swap3A_204 : vector<16xi32> to vector<16xi32>
          %swap3A_206 = vector.shape_cast %broadcast_in_dim3A_203 : vector<16xi32> to vector<16xi32>
          tpu.vector_store %arg7[%swap3A], %swap3A_206 {strides = array<i32>} : memref<5016xi32, #tpu.memory_space<vmem>>, vector<16xi32>,
        } else {
        }
        %add3A_80 = arith.addi %scan3A_58, %squeeze3A : i32
        %slice3A_81 = vector.extract_strided_slice %select_n3A_74 {offsets = [1], sizes = [1], strides = [1]} : vector<16xi32> to vector<1xi32>
        %squeeze3A_82 = vector.extract %slice3A_81[0] : i32 from vector<1xi32>
        %eq3A_83 = arith.constant 1 : i32
        %eq3A_84 = arith.cmpi eq, %squeeze3A_82, %eq3A_83 : i32
        %convert_element_type3A_85 = arith.extui %eq3A_84 : i1 to i32
        %cond3A_86 = arith.constant 0 : i32
        %cond3A_87 = arith.cmpi ne, %convert_element_type3A_85, %cond3A_86 : i32
        scf.if %cond3A_87 {
          %add3A_201 = arith.constant 1 : i32
          %add3A_202 = arith.addi %add3A_77, %add3A_201 : i32
          %broadcast_in_dim3A_203 = vector.broadcast %add3A_202 : i32 to vector<16xi32>
          %swap3A = arith.index_cast %add3A_80 : i32 to index
          %swap3A_204 = tpu.vector_load %arg7[%swap3A] {strides = array<i32>} : memref<5016xi32, #tpu.memory_space<vmem>>, vector<16xi32>,
          %swap3A_205 = vector.shape_cast %swap3A_204 : vector<16xi32> to vector<16xi32>
          %swap3A_206 = vector.shape_cast %broadcast_in_dim3A_203 : vector<16xi32> to vector<16xi32>
          tpu.vector_store %arg7[%swap3A], %swap3A_206 {strides = array<i32>} : memref<5016xi32, #tpu.memory_space<vmem>>, vector<16xi32>,
        } else {
        }
        %add3A_88 = arith.addi %add3A_80, %squeeze3A_82 : i32
        %slice3A_89 = vector.extract_strided_slice %select_n3A_74 {offsets = [2], sizes = [1], strides = [1]} : vector<16xi32> to vector<1xi32>
        %squeeze3A_90 = vector.extract %slice3A_89[0] : i32 from vector<1xi32>
        %eq3A_91 = arith.constant 1 : i32
        %eq3A_92 = arith.cmpi eq, %squeeze3A_90, %eq3A_91 : i32
        %convert_element_type3A_93 = arith.extui %eq3A_92 : i1 to i32
        %cond3A_94 = arith.constant 0 : i32
        %cond3A_95 = arith.cmpi ne, %convert_element_type3A_93, %cond3A_94 : i32
        scf.if %cond3A_95 {
          %add3A_201 = arith.constant 2 : i32
          %add3A_202 = arith.addi %add3A_77, %add3A_201 : i32
          %broadcast_in_dim3A_203 = vector.broadcast %add3A_202 : i32 to vector<16xi32>
          %swap3A = arith.index_cast %add3A_88 : i32 to index
          %swap3A_204 = tpu.vector_load %arg7[%swap3A] {strides = array<i32>} : memref<5016xi32, #tpu.memory_space<vmem>>, vector<16xi32>,
          %swap3A_205 = vector.shape_cast %swap3A_204 : vector<16xi32> to vector<16xi32>
          %swap3A_206 = vector.shape_cast %broadcast_in_dim3A_203 : vector<16xi32> to vector<16xi32>
          tpu.vector_store %arg7[%swap3A], %swap3A_206 {strides = array<i32>} : memref<5016xi32, #tpu.memory_space<vmem>>, vector<16xi32>,
        } else {
        }
        %add3A_96 = arith.addi %add3A_88, %squeeze3A_90 : i32
        %slice3A_97 = vector.extract_strided_slice %select_n3A_74 {offsets = [3], sizes = [1], strides = [1]} : vector<16xi32> to vector<1xi32>
        %squeeze3A_98 = vector.extract %slice3A_97[0] : i32 from vector<1xi32>
        %eq3A_99 = arith.constant 1 : i32
        %eq3A_100 = arith.cmpi eq, %squeeze3A_98, %eq3A_99 : i32
        %convert_element_type3A_101 = arith.extui %eq3A_100 : i1 to i32
        %cond3A_102 = arith.constant 0 : i32
        %cond3A_103 = arith.cmpi ne, %convert_element_type3A_101, %cond3A_102 : i32
        scf.if %cond3A_103 {
          %add3A_201 = arith.constant 3 : i32
          %add3A_202 = arith.addi %add3A_77, %add3A_201 : i32
          %broadcast_in_dim3A_203 = vector.broadcast %add3A_202 : i32 to vector<16xi32>
          %swap3A = arith.index_cast %add3A_96 : i32 to index
          %swap3A_204 = tpu.vector_load %arg7[%swap3A] {strides = array<i32>} : memref<5016xi32, #tpu.memory_space<vmem>>, vector<16xi32>,
          %swap3A_205 = vector.shape_cast %swap3A_204 : vector<16xi32> to vector<16xi32>
          %swap3A_206 = vector.shape_cast %broadcast_in_dim3A_203 : vector<16xi32> to vector<16xi32>
          tpu.vector_store %arg7[%swap3A], %swap3A_206 {strides = array<i32>} : memref<5016xi32, #tpu.memory_space<vmem>>, vector<16xi32>,
        } else {
        }
        %add3A_104 = arith.addi %add3A_96, %squeeze3A_98 : i32
        %slice3A_105 = vector.extract_strided_slice %select_n3A_74 {offsets = [4], sizes = [1], strides = [1]} : vector<16xi32> to vector<1xi32>
        %squeeze3A_106 = vector.extract %slice3A_105[0] : i32 from vector<1xi32>
        %eq3A_107 = arith.constant 1 : i32
        %eq3A_108 = arith.cmpi eq, %squeeze3A_106, %eq3A_107 : i32
        %convert_element_type3A_109 = arith.extui %eq3A_108 : i1 to i32
        %cond3A_110 = arith.constant 0 : i32
        %cond3A_111 = arith.cmpi ne, %convert_element_type3A_109, %cond3A_110 : i32
        scf.if %cond3A_111 {
          %add3A_201 = arith.constant 4 : i32
          %add3A_202 = arith.addi %add3A_77, %add3A_201 : i32
          %broadcast_in_dim3A_203 = vector.broadcast %add3A_202 : i32 to vector<16xi32>
          %swap3A = arith.index_cast %add3A_104 : i32 to index
          %swap3A_204 = tpu.vector_load %arg7[%swap3A] {strides = array<i32>} : memref<5016xi32, #tpu.memory_space<vmem>>, vector<16xi32>,
          %swap3A_205 = vector.shape_cast %swap3A_204 : vector<16xi32> to vector<16xi32>
          %swap3A_206 = vector.shape_cast %broadcast_in_dim3A_203 : vector<16xi32> to vector<16xi32>
          tpu.vector_store %arg7[%swap3A], %swap3A_206 {strides = array<i32>} : memref<5016xi32, #tpu.memory_space<vmem>>, vector<16xi32>,
        } else {
        }
        %add3A_112 = arith.addi %add3A_104, %squeeze3A_106 : i32
        %slice3A_113 = vector.extract_strided_slice %select_n3A_74 {offsets = [5], sizes = [1], strides = [1]} : vector<16xi32> to vector<1xi32>
        %squeeze3A_114 = vector.extract %slice3A_113[0] : i32 from vector<1xi32>
        %eq3A_115 = arith.constant 1 : i32
        %eq3A_116 = arith.cmpi eq, %squeeze3A_114, %eq3A_115 : i32
        %convert_element_type3A_117 = arith.extui %eq3A_116 : i1 to i32
        %cond3A_118 = arith.constant 0 : i32
        %cond3A_119 = arith.cmpi ne, %convert_element_type3A_117, %cond3A_118 : i32
        scf.if %cond3A_119 {
          %add3A_201 = arith.constant 5 : i32
          %add3A_202 = arith.addi %add3A_77, %add3A_201 : i32
          %broadcast_in_dim3A_203 = vector.broadcast %add3A_202 : i32 to vector<16xi32>
          %swap3A = arith.index_cast %add3A_112 : i32 to index
          %swap3A_204 = tpu.vector_load %arg7[%swap3A] {strides = array<i32>} : memref<5016xi32, #tpu.memory_space<vmem>>, vector<16xi32>,
          %swap3A_205 = vector.shape_cast %swap3A_204 : vector<16xi32> to vector<16xi32>
          %swap3A_206 = vector.shape_cast %broadcast_in_dim3A_203 : vector<16xi32> to vector<16xi32>
          tpu.vector_store %arg7[%swap3A], %swap3A_206 {strides = array<i32>} : memref<5016xi32, #tpu.memory_space<vmem>>, vector<16xi32>,
        } else {
        }
        %add3A_120 = arith.addi %add3A_112, %squeeze3A_114 : i32
        %slice3A_121 = vector.extract_strided_slice %select_n3A_74 {offsets = [6], sizes = [1], strides = [1]} : vector<16xi32> to vector<1xi32>
        %squeeze3A_122 = vector.extract %slice3A_121[0] : i32 from vector<1xi32>
        %eq3A_123 = arith.constant 1 : i32
        %eq3A_124 = arith.cmpi eq, %squeeze3A_122, %eq3A_123 : i32
        %convert_element_type3A_125 = arith.extui %eq3A_124 : i1 to i32
        %cond3A_126 = arith.constant 0 : i32
        %cond3A_127 = arith.cmpi ne, %convert_element_type3A_125, %cond3A_126 : i32
        scf.if %cond3A_127 {
          %add3A_201 = arith.constant 6 : i32
          %add3A_202 = arith.addi %add3A_77, %add3A_201 : i32
          %broadcast_in_dim3A_203 = vector.broadcast %add3A_202 : i32 to vector<16xi32>
          %swap3A = arith.index_cast %add3A_120 : i32 to index
          %swap3A_204 = tpu.vector_load %arg7[%swap3A] {strides = array<i32>} : memref<5016xi32, #tpu.memory_space<vmem>>, vector<16xi32>,
          %swap3A_205 = vector.shape_cast %swap3A_204 : vector<16xi32> to vector<16xi32>
          %swap3A_206 = vector.shape_cast %broadcast_in_dim3A_203 : vector<16xi32> to vector<16xi32>
          tpu.vector_store %arg7[%swap3A], %swap3A_206 {strides = array<i32>} : memref<5016xi32, #tpu.memory_space<vmem>>, vector<16xi32>,
        } else {
        }
        %add3A_128 = arith.addi %add3A_120, %squeeze3A_122 : i32
        %slice3A_129 = vector.extract_strided_slice %select_n3A_74 {offsets = [7], sizes = [1], strides = [1]} : vector<16xi32> to vector<1xi32>
        %squeeze3A_130 = vector.extract %slice3A_129[0] : i32 from vector<1xi32>
        %eq3A_131 = arith.constant 1 : i32
        %eq3A_132 = arith.cmpi eq, %squeeze3A_130, %eq3A_131 : i32
        %convert_element_type3A_133 = arith.extui %eq3A_132 : i1 to i32
        %cond3A_134 = arith.constant 0 : i32
        %cond3A_135 = arith.cmpi ne, %convert_element_type3A_133, %cond3A_134 : i32
        scf.if %cond3A_135 {
          %add3A_201 = arith.constant 7 : i32
          %add3A_202 = arith.addi %add3A_77, %add3A_201 : i32
          %broadcast_in_dim3A_203 = vector.broadcast %add3A_202 : i32 to vector<16xi32>
          %swap3A = arith.index_cast %add3A_128 : i32 to index
          %swap3A_204 = tpu.vector_load %arg7[%swap3A] {strides = array<i32>} : memref<5016xi32, #tpu.memory_space<vmem>>, vector<16xi32>,
          %swap3A_205 = vector.shape_cast %swap3A_204 : vector<16xi32> to vector<16xi32>
          %swap3A_206 = vector.shape_cast %broadcast_in_dim3A_203 : vector<16xi32> to vector<16xi32>
          tpu.vector_store %arg7[%swap3A], %swap3A_206 {strides = array<i32>} : memref<5016xi32, #tpu.memory_space<vmem>>, vector<16xi32>,
        } else {
        }
        %add3A_136 = arith.addi %add3A_128, %squeeze3A_130 : i32
        %slice3A_137 = vector.extract_strided_slice %select_n3A_74 {offsets = [8], sizes = [1], strides = [1]} : vector<16xi32> to vector<1xi32>
        %squeeze3A_138 = vector.extract %slice3A_137[0] : i32 from vector<1xi32>
        %eq3A_139 = arith.constant 1 : i32
        %eq3A_140 = arith.cmpi eq, %squeeze3A_138, %eq3A_139 : i32
        %convert_element_type3A_141 = arith.extui %eq3A_140 : i1 to i32
        %cond3A_142 = arith.constant 0 : i32
        %cond3A_143 = arith.cmpi ne, %convert_element_type3A_141, %cond3A_142 : i32
        scf.if %cond3A_143 {
          %add3A_201 = arith.constant 8 : i32
          %add3A_202 = arith.addi %add3A_77, %add3A_201 : i32
          %broadcast_in_dim3A_203 = vector.broadcast %add3A_202 : i32 to vector<16xi32>
          %swap3A = arith.index_cast %add3A_136 : i32 to index
          %swap3A_204 = tpu.vector_load %arg7[%swap3A] {strides = array<i32>} : memref<5016xi32, #tpu.memory_space<vmem>>, vector<16xi32>,
          %swap3A_205 = vector.shape_cast %swap3A_204 : vector<16xi32> to vector<16xi32>
          %swap3A_206 = vector.shape_cast %broadcast_in_dim3A_203 : vector<16xi32> to vector<16xi32>
          tpu.vector_store %arg7[%swap3A], %swap3A_206 {strides = array<i32>} : memref<5016xi32, #tpu.memory_space<vmem>>, vector<16xi32>,
        } else {
        }
        %add3A_144 = arith.addi %add3A_136, %squeeze3A_138 : i32
        %slice3A_145 = vector.extract_strided_slice %select_n3A_74 {offsets = [9], sizes = [1], strides = [1]} : vector<16xi32> to vector<1xi32>
        %squeeze3A_146 = vector.extract %slice3A_145[0] : i32 from vector<1xi32>
        %eq3A_147 = arith.constant 1 : i32
        %eq3A_148 = arith.cmpi eq, %squeeze3A_146, %eq3A_147 : i32
        %convert_element_type3A_149 = arith.extui %eq3A_148 : i1 to i32
        %cond3A_150 = arith.constant 0 : i32
        %cond3A_151 = arith.cmpi ne, %convert_element_type3A_149, %cond3A_150 : i32
        scf.if %cond3A_151 {
          %add3A_201 = arith.constant 9 : i32
          %add3A_202 = arith.addi %add3A_77, %add3A_201 : i32
          %broadcast_in_dim3A_203 = vector.broadcast %add3A_202 : i32 to vector<16xi32>
          %swap3A = arith.index_cast %add3A_144 : i32 to index
          %swap3A_204 = tpu.vector_load %arg7[%swap3A] {strides = array<i32>} : memref<5016xi32, #tpu.memory_space<vmem>>, vector<16xi32>,
          %swap3A_205 = vector.shape_cast %swap3A_204 : vector<16xi32> to vector<16xi32>
          %swap3A_206 = vector.shape_cast %broadcast_in_dim3A_203 : vector<16xi32> to vector<16xi32>
          tpu.vector_store %arg7[%swap3A], %swap3A_206 {strides = array<i32>} : memref<5016xi32, #tpu.memory_space<vmem>>, vector<16xi32>,
        } else {
        }
        %add3A_152 = arith.addi %add3A_144, %squeeze3A_146 : i32
        %slice3A_153 = vector.extract_strided_slice %select_n3A_74 {offsets = [10], sizes = [1], strides = [1]} : vector<16xi32> to vector<1xi32>
        %squeeze3A_154 = vector.extract %slice3A_153[0] : i32 from vector<1xi32>
        %eq3A_155 = arith.constant 1 : i32
        %eq3A_156 = arith.cmpi eq, %squeeze3A_154, %eq3A_155 : i32
        %convert_element_type3A_157 = arith.extui %eq3A_156 : i1 to i32
        %cond3A_158 = arith.constant 0 : i32
        %cond3A_159 = arith.cmpi ne, %convert_element_type3A_157, %cond3A_158 : i32
        scf.if %cond3A_159 {
          %add3A_201 = arith.constant 10 : i32
          %add3A_202 = arith.addi %add3A_77, %add3A_201 : i32
          %broadcast_in_dim3A_203 = vector.broadcast %add3A_202 : i32 to vector<16xi32>
          %swap3A = arith.index_cast %add3A_152 : i32 to index
          %swap3A_204 = tpu.vector_load %arg7[%swap3A] {strides = array<i32>} : memref<5016xi32, #tpu.memory_space<vmem>>, vector<16xi32>,
          %swap3A_205 = vector.shape_cast %swap3A_204 : vector<16xi32> to vector<16xi32>
          %swap3A_206 = vector.shape_cast %broadcast_in_dim3A_203 : vector<16xi32> to vector<16xi32>
          tpu.vector_store %arg7[%swap3A], %swap3A_206 {strides = array<i32>} : memref<5016xi32, #tpu.memory_space<vmem>>, vector<16xi32>,
        } else {
        }
        %add3A_160 = arith.addi %add3A_152, %squeeze3A_154 : i32
        %slice3A_161 = vector.extract_strided_slice %select_n3A_74 {offsets = [11], sizes = [1], strides = [1]} : vector<16xi32> to vector<1xi32>
        %squeeze3A_162 = vector.extract %slice3A_161[0] : i32 from vector<1xi32>
        %eq3A_163 = arith.constant 1 : i32
        %eq3A_164 = arith.cmpi eq, %squeeze3A_162, %eq3A_163 : i32
        %convert_element_type3A_165 = arith.extui %eq3A_164 : i1 to i32
        %cond3A_166 = arith.constant 0 : i32
        %cond3A_167 = arith.cmpi ne, %convert_element_type3A_165, %cond3A_166 : i32
        scf.if %cond3A_167 {
          %add3A_201 = arith.constant 11 : i32
          %add3A_202 = arith.addi %add3A_77, %add3A_201 : i32
          %broadcast_in_dim3A_203 = vector.broadcast %add3A_202 : i32 to vector<16xi32>
          %swap3A = arith.index_cast %add3A_160 : i32 to index
          %swap3A_204 = tpu.vector_load %arg7[%swap3A] {strides = array<i32>} : memref<5016xi32, #tpu.memory_space<vmem>>, vector<16xi32>,
          %swap3A_205 = vector.shape_cast %swap3A_204 : vector<16xi32> to vector<16xi32>
          %swap3A_206 = vector.shape_cast %broadcast_in_dim3A_203 : vector<16xi32> to vector<16xi32>
          tpu.vector_store %arg7[%swap3A], %swap3A_206 {strides = array<i32>} : memref<5016xi32, #tpu.memory_space<vmem>>, vector<16xi32>,
        } else {
        }
        %add3A_168 = arith.addi %add3A_160, %squeeze3A_162 : i32
        %slice3A_169 = vector.extract_strided_slice %select_n3A_74 {offsets = [12], sizes = [1], strides = [1]} : vector<16xi32> to vector<1xi32>
        %squeeze3A_170 = vector.extract %slice3A_169[0] : i32 from vector<1xi32>
        %eq3A_171 = arith.constant 1 : i32
        %eq3A_172 = arith.cmpi eq, %squeeze3A_170, %eq3A_171 : i32
        %convert_element_type3A_173 = arith.extui %eq3A_172 : i1 to i32
        %cond3A_174 = arith.constant 0 : i32
        %cond3A_175 = arith.cmpi ne, %convert_element_type3A_173, %cond3A_174 : i32
        scf.if %cond3A_175 {
          %add3A_201 = arith.constant 12 : i32
          %add3A_202 = arith.addi %add3A_77, %add3A_201 : i32
          %broadcast_in_dim3A_203 = vector.broadcast %add3A_202 : i32 to vector<16xi32>
          %swap3A = arith.index_cast %add3A_168 : i32 to index
          %swap3A_204 = tpu.vector_load %arg7[%swap3A] {strides = array<i32>} : memref<5016xi32, #tpu.memory_space<vmem>>, vector<16xi32>,
          %swap3A_205 = vector.shape_cast %swap3A_204 : vector<16xi32> to vector<16xi32>
          %swap3A_206 = vector.shape_cast %broadcast_in_dim3A_203 : vector<16xi32> to vector<16xi32>
          tpu.vector_store %arg7[%swap3A], %swap3A_206 {strides = array<i32>} : memref<5016xi32, #tpu.memory_space<vmem>>, vector<16xi32>,
        } else {
        }
        %add3A_176 = arith.addi %add3A_168, %squeeze3A_170 : i32
        %slice3A_177 = vector.extract_strided_slice %select_n3A_74 {offsets = [13], sizes = [1], strides = [1]} : vector<16xi32> to vector<1xi32>
        %squeeze3A_178 = vector.extract %slice3A_177[0] : i32 from vector<1xi32>
        %eq3A_179 = arith.constant 1 : i32
        %eq3A_180 = arith.cmpi eq, %squeeze3A_178, %eq3A_179 : i32
        %convert_element_type3A_181 = arith.extui %eq3A_180 : i1 to i32
        %cond3A_182 = arith.constant 0 : i32
        %cond3A_183 = arith.cmpi ne, %convert_element_type3A_181, %cond3A_182 : i32
        scf.if %cond3A_183 {
          %add3A_201 = arith.constant 13 : i32
          %add3A_202 = arith.addi %add3A_77, %add3A_201 : i32
          %broadcast_in_dim3A_203 = vector.broadcast %add3A_202 : i32 to vector<16xi32>
          %swap3A = arith.index_cast %add3A_176 : i32 to index
          %swap3A_204 = tpu.vector_load %arg7[%swap3A] {strides = array<i32>} : memref<5016xi32, #tpu.memory_space<vmem>>, vector<16xi32>,
          %swap3A_205 = vector.shape_cast %swap3A_204 : vector<16xi32> to vector<16xi32>
          %swap3A_206 = vector.shape_cast %broadcast_in_dim3A_203 : vector<16xi32> to vector<16xi32>
          tpu.vector_store %arg7[%swap3A], %swap3A_206 {strides = array<i32>} : memref<5016xi32, #tpu.memory_space<vmem>>, vector<16xi32>,
        } else {
        }
        %add3A_184 = arith.addi %add3A_176, %squeeze3A_178 : i32
        %slice3A_185 = vector.extract_strided_slice %select_n3A_74 {offsets = [14], sizes = [1], strides = [1]} : vector<16xi32> to vector<1xi32>
        %squeeze3A_186 = vector.extract %slice3A_185[0] : i32 from vector<1xi32>
        %eq3A_187 = arith.constant 1 : i32
        %eq3A_188 = arith.cmpi eq, %squeeze3A_186, %eq3A_187 : i32
        %convert_element_type3A_189 = arith.extui %eq3A_188 : i1 to i32
        %cond3A_190 = arith.constant 0 : i32
        %cond3A_191 = arith.cmpi ne, %convert_element_type3A_189, %cond3A_190 : i32
        scf.if %cond3A_191 {
          %add3A_201 = arith.constant 14 : i32
          %add3A_202 = arith.addi %add3A_77, %add3A_201 : i32
          %broadcast_in_dim3A_203 = vector.broadcast %add3A_202 : i32 to vector<16xi32>
          %swap3A = arith.index_cast %add3A_184 : i32 to index
          %swap3A_204 = tpu.vector_load %arg7[%swap3A] {strides = array<i32>} : memref<5016xi32, #tpu.memory_space<vmem>>, vector<16xi32>,
          %swap3A_205 = vector.shape_cast %swap3A_204 : vector<16xi32> to vector<16xi32>
          %swap3A_206 = vector.shape_cast %broadcast_in_dim3A_203 : vector<16xi32> to vector<16xi32>
          tpu.vector_store %arg7[%swap3A], %swap3A_206 {strides = array<i32>} : memref<5016xi32, #tpu.memory_space<vmem>>, vector<16xi32>,
        } else {
        }
        %add3A_192 = arith.addi %add3A_184, %squeeze3A_186 : i32
        %slice3A_193 = vector.extract_strided_slice %select_n3A_74 {offsets = [15], sizes = [1], strides = [1]} : vector<16xi32> to vector<1xi32>
        %squeeze3A_194 = vector.extract %slice3A_193[0] : i32 from vector<1xi32>
        %eq3A_195 = arith.constant 1 : i32
        %eq3A_196 = arith.cmpi eq, %squeeze3A_194, %eq3A_195 : i32
        %convert_element_type3A_197 = arith.extui %eq3A_196 : i1 to i32
        %cond3A_198 = arith.constant 0 : i32
        %cond3A_199 = arith.cmpi ne, %convert_element_type3A_197, %cond3A_198 : i32
        scf.if %cond3A_199 {
          %add3A_201 = arith.constant 15 : i32
          %add3A_202 = arith.addi %add3A_77, %add3A_201 : i32
          %broadcast_in_dim3A_203 = vector.broadcast %add3A_202 : i32 to vector<16xi32>
          %swap3A = arith.index_cast %add3A_192 : i32 to index
          %swap3A_204 = tpu.vector_load %arg7[%swap3A] {strides = array<i32>} : memref<5016xi32, #tpu.memory_space<vmem>>, vector<16xi32>,
          %swap3A_205 = vector.shape_cast %swap3A_204 : vector<16xi32> to vector<16xi32>
          %swap3A_206 = vector.shape_cast %broadcast_in_dim3A_203 : vector<16xi32> to vector<16xi32>
          tpu.vector_store %arg7[%swap3A], %swap3A_206 {strides = array<i32>} : memref<5016xi32, #tpu.memory_space<vmem>>, vector<16xi32>,
        } else {
        }
        %add3A_200 = arith.addi %add3A_192, %squeeze3A_194 : i32
        scf.yield %add3A_200 : i32
      }
      %scan3A_27 = arith.constant 312 : i32
      %add3A_28 = arith.constant 80 : i32
      %add3A_29 = arith.addi %scan3A_26, %add3A_28 : i32
      %sub3A = arith.constant 1 : i32
      %sub3A_30 = arith.subi %add3A_29, %sub3A : i32
      %jit3A = arith.constant 80 : i32
      %div3A = arith.divsi %sub3A_30, %jit3A : i32
      %sign3A = arith.constant 0 : i32
      %sign3A_31 = arith.cmpi sgt, %sub3A_30, %sign3A : i32
      %sign3A_32 = arith.extui %sign3A_31 : i1 to i32
      %sign3A_33 = arith.constant 0 : i32
      %sign3A_34 = arith.cmpi slt, %sub3A_30, %sign3A_33 : i32
      %sign3A_35 = arith.extui %sign3A_34 : i1 to i32
      %sign3A_36 = arith.subi %sign3A_32, %sign3A_35 : i32
      %sign3A_37 = arith.constant 0 : i32
      %sign3A_38 = arith.cmpi sgt, %jit3A, %sign3A_37 : i32
      %sign3A_39 = arith.extui %sign3A_38 : i1 to i32
      %sign3A_40 = arith.constant 0 : i32
      %sign3A_41 = arith.cmpi slt, %jit3A, %sign3A_40 : i32
      %sign3A_42 = arith.extui %sign3A_41 : i1 to i32
      %sign3A_43 = arith.subi %sign3A_39, %sign3A_42 : i32
      %ne3A = arith.cmpi ne, %sign3A_36, %sign3A_43 : i32
      %rem3A = arith.remsi %sub3A_30, %jit3A : i32
      %ne3A_44 = arith.constant 0 : i32
      %ne3A_45 = arith.cmpi ne, %rem3A, %ne3A_44 : i32
      %and3A = arith.andi %ne3A, %ne3A_45 : i1
      %sub3A_46 = arith.constant 1 : i32
      %sub3A_47 = arith.subi %div3A, %sub3A_46 : i32
      %select_n3A = arith.select %and3A, %sub3A_47, %div3A : i32
      %while3A = arith.constant 0 : i32
      %while3A_48 = arith.constant 0 : i32
      %while3A_49 = arith.subi %select_n3A, %while3A_48 : i32
      %while3A_50 = arith.addi %while3A_48, %while3A_49 : i32
      %while3A_51 = arith.constant 1 : i32
      %while3A_52 = arith.divsi %while3A_49, %while3A_51 : i32
      %while3A_53 = arith.muli %while3A_52, %while3A_51 : i32
      %while3A_54 = arith.addi %while3A_48, %while3A_53 : i32
      %while3A_55 = arith.constant 1 : i32
      scf.for %while3A_57 = %while3A_48 to %while3A_54 step %while3A_55  : i32 {
        %mul3A_58 = arith.constant 80 : i32
        %mul3A_59 = arith.muli %while3A_57, %mul3A_58 : i32
        %dma_start3A = tpu.memref_slice %arg7[%mul3A_59] : memref<5016xi32, #tpu.memory_space<vmem>> -> memref<80xi32, #tpu.memory_space<vmem>>
        %dma_start3A_60 = arith.constant 0 : i32
        %dma_start3A_61 = arith.constant 0 : i32
        %dma_start3A_62 = tpu.memref_slice %arg2[%dma_start3A_60, %dma_start3A_61] : memref<320000x128xf32, #tpu.memory_space<hbm>> -> memref<320000x128xf32, #tpu.memory_space<hbm>>
        tpu.enqueue_indirect_dma source(%dma_start3A_62 : memref<320000x128xf32, #tpu.memory_space<hbm>>) target(%arg8 : memref<80x128xf32, #tpu.memory_space<vmem>>) offsets(%dma_start3A : memref<80xi32, #tpu.memory_space<vmem>>) semaphore(%arg10 : memref<!tpu.dma_semaphore, #tpu.memory_space<semaphore_mem>>)
        %dma_wait3A = tpu.memref_slice %arg7[%mul3A_59] : memref<5016xi32, #tpu.memory_space<vmem>> -> memref<80xi32, #tpu.memory_space<vmem>>
        %dma_wait3A_63 = arith.constant 0 : i32
        %dma_wait3A_64 = arith.constant 0 : i32
        %dma_wait3A_65 = tpu.memref_slice %arg2[%dma_wait3A_63, %dma_wait3A_64] : memref<320000x128xf32, #tpu.memory_space<hbm>> -> memref<320000x128xf32, #tpu.memory_space<hbm>>
        tpu.wait_indirect_dma semaphore(%arg10 : memref<!tpu.dma_semaphore, #tpu.memory_space<semaphore_mem>>) src(%dma_wait3A_65 : memref<320000x128xf32, #tpu.memory_space<hbm>>) dst(%arg8 : memref<80x128xf32, #tpu.memory_space<vmem>>)
        %mul3A_66 = arith.constant 80 : i32
        %mul3A_67 = arith.muli %while3A_57, %mul3A_66 : i32
        %sub3A_68 = arith.subi %scan3A_26, %mul3A_67 : i32
        %min3A = arith.constant 80 : i32
        %min3A_69 = arith.minsi %sub3A_68, %min3A : i32
        %while3A_70 = arith.constant 0 : i32
        %while3A_71 = arith.constant 0 : i32
        %while3A_72 = arith.subi %min3A_69, %while3A_71 : i32
        %while3A_73 = arith.addi %while3A_71, %while3A_72 : i32
        %while3A_74 = arith.constant 1 : i32
        %while3A_75 = arith.divsi %while3A_72, %while3A_74 : i32
        %while3A_76 = arith.muli %while3A_75, %while3A_74 : i32
        %while3A_77 = arith.addi %while3A_71, %while3A_76 : i32
        %while3A_78 = arith.constant 1 : i32
        scf.for %while3A_80 = %while3A_71 to %while3A_77 step %while3A_78  : i32 {
          %add3A_81 = arith.addi %mul3A_67, %while3A_80 : i32
          %get3A = arith.index_cast %add3A_81 : i32 to index
          %get3A_82 = tpu.vector_load %arg7[%get3A] {strides = array<i32>} : memref<5016xi32, #tpu.memory_space<vmem>>, vector<16xi32>,
          %get3A_83 = vector.shape_cast %get3A_82 : vector<16xi32> to vector<16xi32>
          %slice3A = vector.extract_strided_slice %get3A_83 {offsets = [0], sizes = [1], strides = [1]} : vector<16xi32> to vector<1xi32>
          %squeeze3A = vector.extract %slice3A[0] : i32 from vector<1xi32>
          %sub3A_84 = arith.subi %squeeze3A, %add3A_20 : i32
          %get3A_85 = arith.index_cast %sub3A_84 : i32 to index
          %get3A_86 = tpu.vector_load %arg6[%get3A_85] {strides = array<i32>} : memref<5016xi32, #tpu.memory_space<vmem>>, vector<16xi32>,
          %get3A_87 = vector.shape_cast %get3A_86 : vector<16xi32> to vector<16xi32>
          %slice3A_88 = vector.extract_strided_slice %get3A_87 {offsets = [0], sizes = [1], strides = [1]} : vector<16xi32> to vector<1xi32>
          %squeeze3A_89 = vector.extract %slice3A_88[0] : i32 from vector<1xi32>
          %sub3A_90 = arith.subi %squeeze3A_89, %mul3A_0 : i32
          %get3A_91 = arith.index_cast %sub3A_90 : i32 to index
          %get3A_92 = arith.constant 0 : index
          %get3A_93 = tpu.vector_load %arg9[%get3A_91, %get3A_92] {strides = array<i32>} : memref<640x128xf32, #tpu.memory_space<vmem>>, vector<1x16xf32>,
          %get3A_94 = vector.shape_cast %get3A_93 : vector<1x16xf32> to vector<16xf32>
          %get3A_95 = arith.index_cast %while3A_80 : i32 to index
          %get3A_96 = arith.constant 0 : index
          %get3A_97 = tpu.vector_load %arg8[%get3A_95, %get3A_96] {strides = array<i32>} : memref<80x128xf32, #tpu.memory_space<vmem>>, vector<1x16xf32>,
          %get3A_98 = vector.shape_cast %get3A_97 : vector<1x16xf32> to vector<16xf32>
          %add3A_99 = arith.addf %get3A_94, %get3A_98 : vector<16xf32>
          %swap3A = arith.index_cast %sub3A_90 : i32 to index
          %swap3A_100 = arith.constant 0 : index
          %swap3A_101 = tpu.vector_load %arg9[%swap3A, %swap3A_100] {strides = array<i32>} : memref<640x128xf32, #tpu.memory_space<vmem>>, vector<1x16xf32>,
          %swap3A_102 = vector.shape_cast %swap3A_101 : vector<1x16xf32> to vector<16xf32>
          %swap3A_103 = vector.shape_cast %add3A_99 : vector<16xf32> to vector<1x16xf32>
          tpu.vector_store %arg9[%swap3A, %swap3A_100], %swap3A_103 {strides = array<i32>} : memref<640x128xf32, #tpu.memory_space<vmem>>, vector<1x16xf32>,
          %get3A_104 = arith.index_cast %sub3A_90 : i32 to index
          %get3A_105 = arith.constant 16 : index
          %get3A_106 = tpu.vector_load %arg9[%get3A_104, %get3A_105] {strides = array<i32>} : memref<640x128xf32, #tpu.memory_space<vmem>>, vector<1x16xf32>,
          %get3A_107 = vector.shape_cast %get3A_106 : vector<1x16xf32> to vector<16xf32>
          %get3A_108 = arith.index_cast %while3A_80 : i32 to index
          %get3A_109 = arith.constant 16 : index
          %get3A_110 = tpu.vector_load %arg8[%get3A_108, %get3A_109] {strides = array<i32>} : memref<80x128xf32, #tpu.memory_space<vmem>>, vector<1x16xf32>,
          %get3A_111 = vector.shape_cast %get3A_110 : vector<1x16xf32> to vector<16xf32>
          %add3A_112 = arith.addf %get3A_107, %get3A_111 : vector<16xf32>
          %swap3A_113 = arith.index_cast %sub3A_90 : i32 to index
          %swap3A_114 = arith.constant 16 : index
          %swap3A_115 = tpu.vector_load %arg9[%swap3A_113, %swap3A_114] {strides = array<i32>} : memref<640x128xf32, #tpu.memory_space<vmem>>, vector<1x16xf32>,
          %swap3A_116 = vector.shape_cast %swap3A_115 : vector<1x16xf32> to vector<16xf32>
          %swap3A_117 = vector.shape_cast %add3A_112 : vector<16xf32> to vector<1x16xf32>
          tpu.vector_store %arg9[%swap3A_113, %swap3A_114], %swap3A_117 {strides = array<i32>} : memref<640x128xf32, #tpu.memory_space<vmem>>, vector<1x16xf32>,
          %get3A_118 = arith.index_cast %sub3A_90 : i32 to index
          %get3A_119 = arith.constant 32 : index
          %get3A_120 = tpu.vector_load %arg9[%get3A_118, %get3A_119] {strides = array<i32>} : memref<640x128xf32, #tpu.memory_space<vmem>>, vector<1x16xf32>,
          %get3A_121 = vector.shape_cast %get3A_120 : vector<1x16xf32> to vector<16xf32>
          %get3A_122 = arith.index_cast %while3A_80 : i32 to index
          %get3A_123 = arith.constant 32 : index
          %get3A_124 = tpu.vector_load %arg8[%get3A_122, %get3A_123] {strides = array<i32>} : memref<80x128xf32, #tpu.memory_space<vmem>>, vector<1x16xf32>,
          %get3A_125 = vector.shape_cast %get3A_124 : vector<1x16xf32> to vector<16xf32>
          %add3A_126 = arith.addf %get3A_121, %get3A_125 : vector<16xf32>
          %swap3A_127 = arith.index_cast %sub3A_90 : i32 to index
          %swap3A_128 = arith.constant 32 : index
          %swap3A_129 = tpu.vector_load %arg9[%swap3A_127, %swap3A_128] {strides = array<i32>} : memref<640x128xf32, #tpu.memory_space<vmem>>, vector<1x16xf32>,
          %swap3A_130 = vector.shape_cast %swap3A_129 : vector<1x16xf32> to vector<16xf32>
          %swap3A_131 = vector.shape_cast %add3A_126 : vector<16xf32> to vector<1x16xf32>
          tpu.vector_store %arg9[%swap3A_127, %swap3A_128], %swap3A_131 {strides = array<i32>} : memref<640x128xf32, #tpu.memory_space<vmem>>, vector<1x16xf32>,
          %get3A_132 = arith.index_cast %sub3A_90 : i32 to index
          %get3A_133 = arith.constant 48 : index
          %get3A_134 = tpu.vector_load %arg9[%get3A_132, %get3A_133] {strides = array<i32>} : memref<640x128xf32, #tpu.memory_space<vmem>>, vector<1x16xf32>,
          %get3A_135 = vector.shape_cast %get3A_134 : vector<1x16xf32> to vector<16xf32>
          %get3A_136 = arith.index_cast %while3A_80 : i32 to index
          %get3A_137 = arith.constant 48 : index
          %get3A_138 = tpu.vector_load %arg8[%get3A_136, %get3A_137] {strides = array<i32>} : memref<80x128xf32, #tpu.memory_space<vmem>>, vector<1x16xf32>,
          %get3A_139 = vector.shape_cast %get3A_138 : vector<1x16xf32> to vector<16xf32>
          %add3A_140 = arith.addf %get3A_135, %get3A_139 : vector<16xf32>
          %swap3A_141 = arith.index_cast %sub3A_90 : i32 to index
          %swap3A_142 = arith.constant 48 : index
          %swap3A_143 = tpu.vector_load %arg9[%swap3A_141, %swap3A_142] {strides = array<i32>} : memref<640x128xf32, #tpu.memory_space<vmem>>, vector<1x16xf32>,
          %swap3A_144 = vector.shape_cast %swap3A_143 : vector<1x16xf32> to vector<16xf32>
          %swap3A_145 = vector.shape_cast %add3A_140 : vector<16xf32> to vector<1x16xf32>
          tpu.vector_store %arg9[%swap3A_141, %swap3A_142], %swap3A_145 {strides = array<i32>} : memref<640x128xf32, #tpu.memory_space<vmem>>, vector<1x16xf32>,
          %get3A_146 = arith.index_cast %sub3A_90 : i32 to index
          %get3A_147 = arith.constant 64 : index
          %get3A_148 = tpu.vector_load %arg9[%get3A_146, %get3A_147] {strides = array<i32>} : memref<640x128xf32, #tpu.memory_space<vmem>>, vector<1x16xf32>,
          %get3A_149 = vector.shape_cast %get3A_148 : vector<1x16xf32> to vector<16xf32>
          %get3A_150 = arith.index_cast %while3A_80 : i32 to index
          %get3A_151 = arith.constant 64 : index
          %get3A_152 = tpu.vector_load %arg8[%get3A_150, %get3A_151] {strides = array<i32>} : memref<80x128xf32, #tpu.memory_space<vmem>>, vector<1x16xf32>,
          %get3A_153 = vector.shape_cast %get3A_152 : vector<1x16xf32> to vector<16xf32>
          %add3A_154 = arith.addf %get3A_149, %get3A_153 : vector<16xf32>
          %swap3A_155 = arith.index_cast %sub3A_90 : i32 to index
          %swap3A_156 = arith.constant 64 : index
          %swap3A_157 = tpu.vector_load %arg9[%swap3A_155, %swap3A_156] {strides = array<i32>} : memref<640x128xf32, #tpu.memory_space<vmem>>, vector<1x16xf32>,
          %swap3A_158 = vector.shape_cast %swap3A_157 : vector<1x16xf32> to vector<16xf32>
          %swap3A_159 = vector.shape_cast %add3A_154 : vector<16xf32> to vector<1x16xf32>
          tpu.vector_store %arg9[%swap3A_155, %swap3A_156], %swap3A_159 {strides = array<i32>} : memref<640x128xf32, #tpu.memory_space<vmem>>, vector<1x16xf32>,
          %get3A_160 = arith.index_cast %sub3A_90 : i32 to index
          %get3A_161 = arith.constant 80 : index
          %get3A_162 = tpu.vector_load %arg9[%get3A_160, %get3A_161] {strides = array<i32>} : memref<640x128xf32, #tpu.memory_space<vmem>>, vector<1x16xf32>,
          %get3A_163 = vector.shape_cast %get3A_162 : vector<1x16xf32> to vector<16xf32>
          %get3A_164 = arith.index_cast %while3A_80 : i32 to index
          %get3A_165 = arith.constant 80 : index
          %get3A_166 = tpu.vector_load %arg8[%get3A_164, %get3A_165] {strides = array<i32>} : memref<80x128xf32, #tpu.memory_space<vmem>>, vector<1x16xf32>,
          %get3A_167 = vector.shape_cast %get3A_166 : vector<1x16xf32> to vector<16xf32>
          %add3A_168 = arith.addf %get3A_163, %get3A_167 : vector<16xf32>
          %swap3A_169 = arith.index_cast %sub3A_90 : i32 to index
          %swap3A_170 = arith.constant 80 : index
          %swap3A_171 = tpu.vector_load %arg9[%swap3A_169, %swap3A_170] {strides = array<i32>} : memref<640x128xf32, #tpu.memory_space<vmem>>, vector<1x16xf32>,
          %swap3A_172 = vector.shape_cast %swap3A_171 : vector<1x16xf32> to vector<16xf32>
          %swap3A_173 = vector.shape_cast %add3A_168 : vector<16xf32> to vector<1x16xf32>
          tpu.vector_store %arg9[%swap3A_169, %swap3A_170], %swap3A_173 {strides = array<i32>} : memref<640x128xf32, #tpu.memory_space<vmem>>, vector<1x16xf32>,
          %get3A_174 = arith.index_cast %sub3A_90 : i32 to index
          %get3A_175 = arith.constant 96 : index
          %get3A_176 = tpu.vector_load %arg9[%get3A_174, %get3A_175] {strides = array<i32>} : memref<640x128xf32, #tpu.memory_space<vmem>>, vector<1x16xf32>,
          %get3A_177 = vector.shape_cast %get3A_176 : vector<1x16xf32> to vector<16xf32>
          %get3A_178 = arith.index_cast %while3A_80 : i32 to index
          %get3A_179 = arith.constant 96 : index
          %get3A_180 = tpu.vector_load %arg8[%get3A_178, %get3A_179] {strides = array<i32>} : memref<80x128xf32, #tpu.memory_space<vmem>>, vector<1x16xf32>,
          %get3A_181 = vector.shape_cast %get3A_180 : vector<1x16xf32> to vector<16xf32>
          %add3A_182 = arith.addf %get3A_177, %get3A_181 : vector<16xf32>
          %swap3A_183 = arith.index_cast %sub3A_90 : i32 to index
          %swap3A_184 = arith.constant 96 : index
          %swap3A_185 = tpu.vector_load %arg9[%swap3A_183, %swap3A_184] {strides = array<i32>} : memref<640x128xf32, #tpu.memory_space<vmem>>, vector<1x16xf32>,
          %swap3A_186 = vector.shape_cast %swap3A_185 : vector<1x16xf32> to vector<16xf32>
          %swap3A_187 = vector.shape_cast %add3A_182 : vector<16xf32> to vector<1x16xf32>
          tpu.vector_store %arg9[%swap3A_183, %swap3A_184], %swap3A_187 {strides = array<i32>} : memref<640x128xf32, #tpu.memory_space<vmem>>, vector<1x16xf32>,
          %get3A_188 = arith.index_cast %sub3A_90 : i32 to index
          %get3A_189 = arith.constant 112 : index
          %get3A_190 = tpu.vector_load %arg9[%get3A_188, %get3A_189] {strides = array<i32>} : memref<640x128xf32, #tpu.memory_space<vmem>>, vector<1x16xf32>,
          %get3A_191 = vector.shape_cast %get3A_190 : vector<1x16xf32> to vector<16xf32>
          %get3A_192 = arith.index_cast %while3A_80 : i32 to index
          %get3A_193 = arith.constant 112 : index
          %get3A_194 = tpu.vector_load %arg8[%get3A_192, %get3A_193] {strides = array<i32>} : memref<80x128xf32, #tpu.memory_space<vmem>>, vector<1x16xf32>,
          %get3A_195 = vector.shape_cast %get3A_194 : vector<1x16xf32> to vector<16xf32>
          %add3A_196 = arith.addf %get3A_191, %get3A_195 : vector<16xf32>
          %swap3A_197 = arith.index_cast %sub3A_90 : i32 to index
          %swap3A_198 = arith.constant 112 : index
          %swap3A_199 = tpu.vector_load %arg9[%swap3A_197, %swap3A_198] {strides = array<i32>} : memref<640x128xf32, #tpu.memory_space<vmem>>, vector<1x16xf32>,
          %swap3A_200 = vector.shape_cast %swap3A_199 : vector<1x16xf32> to vector<16xf32>
          %swap3A_201 = vector.shape_cast %add3A_196 : vector<16xf32> to vector<1x16xf32>
          tpu.vector_store %arg9[%swap3A_197, %swap3A_198], %swap3A_201 {strides = array<i32>} : memref<640x128xf32, #tpu.memory_space<vmem>>, vector<1x16xf32>,
        }
        %while3A_79 = arith.constant 1 : i32
        scf.for %while3A_80 = %while3A_77 to %while3A_73 step %while3A_79  : i32 {
          %add3A_81 = arith.addi %mul3A_67, %while3A_80 : i32
          %get3A = arith.index_cast %add3A_81 : i32 to index
          %get3A_82 = tpu.vector_load %arg7[%get3A] {strides = array<i32>} : memref<5016xi32, #tpu.memory_space<vmem>>, vector<16xi32>,
          %get3A_83 = vector.shape_cast %get3A_82 : vector<16xi32> to vector<16xi32>
          %slice3A = vector.extract_strided_slice %get3A_83 {offsets = [0], sizes = [1], strides = [1]} : vector<16xi32> to vector<1xi32>
          %squeeze3A = vector.extract %slice3A[0] : i32 from vector<1xi32>
          %sub3A_84 = arith.subi %squeeze3A, %add3A_20 : i32
          %get3A_85 = arith.index_cast %sub3A_84 : i32 to index
          %get3A_86 = tpu.vector_load %arg6[%get3A_85] {strides = array<i32>} : memref<5016xi32, #tpu.memory_space<vmem>>, vector<16xi32>,
          %get3A_87 = vector.shape_cast %get3A_86 : vector<16xi32> to vector<16xi32>
          %slice3A_88 = vector.extract_strided_slice %get3A_87 {offsets = [0], sizes = [1], strides = [1]} : vector<16xi32> to vector<1xi32>
          %squeeze3A_89 = vector.extract %slice3A_88[0] : i32 from vector<1xi32>
          %sub3A_90 = arith.subi %squeeze3A_89, %mul3A_0 : i32
          %get3A_91 = arith.index_cast %sub3A_90 : i32 to index
          %get3A_92 = arith.constant 0 : index
          %get3A_93 = tpu.vector_load %arg9[%get3A_91, %get3A_92] {strides = array<i32>} : memref<640x128xf32, #tpu.memory_space<vmem>>, vector<1x16xf32>,
          %get3A_94 = vector.shape_cast %get3A_93 : vector<1x16xf32> to vector<16xf32>
          %get3A_95 = arith.index_cast %while3A_80 : i32 to index
          %get3A_96 = arith.constant 0 : index
          %get3A_97 = tpu.vector_load %arg8[%get3A_95, %get3A_96] {strides = array<i32>} : memref<80x128xf32, #tpu.memory_space<vmem>>, vector<1x16xf32>,
          %get3A_98 = vector.shape_cast %get3A_97 : vector<1x16xf32> to vector<16xf32>
          %add3A_99 = arith.addf %get3A_94, %get3A_98 : vector<16xf32>
          %swap3A = arith.index_cast %sub3A_90 : i32 to index
          %swap3A_100 = arith.constant 0 : index
          %swap3A_101 = tpu.vector_load %arg9[%swap3A, %swap3A_100] {strides = array<i32>} : memref<640x128xf32, #tpu.memory_space<vmem>>, vector<1x16xf32>,
          %swap3A_102 = vector.shape_cast %swap3A_101 : vector<1x16xf32> to vector<16xf32>
          %swap3A_103 = vector.shape_cast %add3A_99 : vector<16xf32> to vector<1x16xf32>
          tpu.vector_store %arg9[%swap3A, %swap3A_100], %swap3A_103 {strides = array<i32>} : memref<640x128xf32, #tpu.memory_space<vmem>>, vector<1x16xf32>,
          %get3A_104 = arith.index_cast %sub3A_90 : i32 to index
          %get3A_105 = arith.constant 16 : index
          %get3A_106 = tpu.vector_load %arg9[%get3A_104, %get3A_105] {strides = array<i32>} : memref<640x128xf32, #tpu.memory_space<vmem>>, vector<1x16xf32>,
          %get3A_107 = vector.shape_cast %get3A_106 : vector<1x16xf32> to vector<16xf32>
          %get3A_108 = arith.index_cast %while3A_80 : i32 to index
          %get3A_109 = arith.constant 16 : index
          %get3A_110 = tpu.vector_load %arg8[%get3A_108, %get3A_109] {strides = array<i32>} : memref<80x128xf32, #tpu.memory_space<vmem>>, vector<1x16xf32>,
          %get3A_111 = vector.shape_cast %get3A_110 : vector<1x16xf32> to vector<16xf32>
          %add3A_112 = arith.addf %get3A_107, %get3A_111 : vector<16xf32>
          %swap3A_113 = arith.index_cast %sub3A_90 : i32 to index
          %swap3A_114 = arith.constant 16 : index
          %swap3A_115 = tpu.vector_load %arg9[%swap3A_113, %swap3A_114] {strides = array<i32>} : memref<640x128xf32, #tpu.memory_space<vmem>>, vector<1x16xf32>,
          %swap3A_116 = vector.shape_cast %swap3A_115 : vector<1x16xf32> to vector<16xf32>
          %swap3A_117 = vector.shape_cast %add3A_112 : vector<16xf32> to vector<1x16xf32>
          tpu.vector_store %arg9[%swap3A_113, %swap3A_114], %swap3A_117 {strides = array<i32>} : memref<640x128xf32, #tpu.memory_space<vmem>>, vector<1x16xf32>,
          %get3A_118 = arith.index_cast %sub3A_90 : i32 to index
          %get3A_119 = arith.constant 32 : index
          %get3A_120 = tpu.vector_load %arg9[%get3A_118, %get3A_119] {strides = array<i32>} : memref<640x128xf32, #tpu.memory_space<vmem>>, vector<1x16xf32>,
          %get3A_121 = vector.shape_cast %get3A_120 : vector<1x16xf32> to vector<16xf32>
          %get3A_122 = arith.index_cast %while3A_80 : i32 to index
          %get3A_123 = arith.constant 32 : index
          %get3A_124 = tpu.vector_load %arg8[%get3A_122, %get3A_123] {strides = array<i32>} : memref<80x128xf32, #tpu.memory_space<vmem>>, vector<1x16xf32>,
          %get3A_125 = vector.shape_cast %get3A_124 : vector<1x16xf32> to vector<16xf32>
          %add3A_126 = arith.addf %get3A_121, %get3A_125 : vector<16xf32>
          %swap3A_127 = arith.index_cast %sub3A_90 : i32 to index
          %swap3A_128 = arith.constant 32 : index
          %swap3A_129 = tpu.vector_load %arg9[%swap3A_127, %swap3A_128] {strides = array<i32>} : memref<640x128xf32, #tpu.memory_space<vmem>>, vector<1x16xf32>,
          %swap3A_130 = vector.shape_cast %swap3A_129 : vector<1x16xf32> to vector<16xf32>
          %swap3A_131 = vector.shape_cast %add3A_126 : vector<16xf32> to vector<1x16xf32>
          tpu.vector_store %arg9[%swap3A_127, %swap3A_128], %swap3A_131 {strides = array<i32>} : memref<640x128xf32, #tpu.memory_space<vmem>>, vector<1x16xf32>,
          %get3A_132 = arith.index_cast %sub3A_90 : i32 to index
          %get3A_133 = arith.constant 48 : index
          %get3A_134 = tpu.vector_load %arg9[%get3A_132, %get3A_133] {strides = array<i32>} : memref<640x128xf32, #tpu.memory_space<vmem>>, vector<1x16xf32>,
          %get3A_135 = vector.shape_cast %get3A_134 : vector<1x16xf32> to vector<16xf32>
          %get3A_136 = arith.index_cast %while3A_80 : i32 to index
          %get3A_137 = arith.constant 48 : index
          %get3A_138 = tpu.vector_load %arg8[%get3A_136, %get3A_137] {strides = array<i32>} : memref<80x128xf32, #tpu.memory_space<vmem>>, vector<1x16xf32>,
          %get3A_139 = vector.shape_cast %get3A_138 : vector<1x16xf32> to vector<16xf32>
          %add3A_140 = arith.addf %get3A_135, %get3A_139 : vector<16xf32>
          %swap3A_141 = arith.index_cast %sub3A_90 : i32 to index
          %swap3A_142 = arith.constant 48 : index
          %swap3A_143 = tpu.vector_load %arg9[%swap3A_141, %swap3A_142] {strides = array<i32>} : memref<640x128xf32, #tpu.memory_space<vmem>>, vector<1x16xf32>,
          %swap3A_144 = vector.shape_cast %swap3A_143 : vector<1x16xf32> to vector<16xf32>
          %swap3A_145 = vector.shape_cast %add3A_140 : vector<16xf32> to vector<1x16xf32>
          tpu.vector_store %arg9[%swap3A_141, %swap3A_142], %swap3A_145 {strides = array<i32>} : memref<640x128xf32, #tpu.memory_space<vmem>>, vector<1x16xf32>,
          %get3A_146 = arith.index_cast %sub3A_90 : i32 to index
          %get3A_147 = arith.constant 64 : index
          %get3A_148 = tpu.vector_load %arg9[%get3A_146, %get3A_147] {strides = array<i32>} : memref<640x128xf32, #tpu.memory_space<vmem>>, vector<1x16xf32>,
          %get3A_149 = vector.shape_cast %get3A_148 : vector<1x16xf32> to vector<16xf32>
          %get3A_150 = arith.index_cast %while3A_80 : i32 to index
          %get3A_151 = arith.constant 64 : index
          %get3A_152 = tpu.vector_load %arg8[%get3A_150, %get3A_151] {strides = array<i32>} : memref<80x128xf32, #tpu.memory_space<vmem>>, vector<1x16xf32>,
          %get3A_153 = vector.shape_cast %get3A_152 : vector<1x16xf32> to vector<16xf32>
          %add3A_154 = arith.addf %get3A_149, %get3A_153 : vector<16xf32>
          %swap3A_155 = arith.index_cast %sub3A_90 : i32 to index
          %swap3A_156 = arith.constant 64 : index
          %swap3A_157 = tpu.vector_load %arg9[%swap3A_155, %swap3A_156] {strides = array<i32>} : memref<640x128xf32, #tpu.memory_space<vmem>>, vector<1x16xf32>,
          %swap3A_158 = vector.shape_cast %swap3A_157 : vector<1x16xf32> to vector<16xf32>
          %swap3A_159 = vector.shape_cast %add3A_154 : vector<16xf32> to vector<1x16xf32>
          tpu.vector_store %arg9[%swap3A_155, %swap3A_156], %swap3A_159 {strides = array<i32>} : memref<640x128xf32, #tpu.memory_space<vmem>>, vector<1x16xf32>,
          %get3A_160 = arith.index_cast %sub3A_90 : i32 to index
          %get3A_161 = arith.constant 80 : index
          %get3A_162 = tpu.vector_load %arg9[%get3A_160, %get3A_161] {strides = array<i32>} : memref<640x128xf32, #tpu.memory_space<vmem>>, vector<1x16xf32>,
          %get3A_163 = vector.shape_cast %get3A_162 : vector<1x16xf32> to vector<16xf32>
          %get3A_164 = arith.index_cast %while3A_80 : i32 to index
          %get3A_165 = arith.constant 80 : index
          %get3A_166 = tpu.vector_load %arg8[%get3A_164, %get3A_165] {strides = array<i32>} : memref<80x128xf32, #tpu.memory_space<vmem>>, vector<1x16xf32>,
          %get3A_167 = vector.shape_cast %get3A_166 : vector<1x16xf32> to vector<16xf32>
          %add3A_168 = arith.addf %get3A_163, %get3A_167 : vector<16xf32>
          %swap3A_169 = arith.index_cast %sub3A_90 : i32 to index
          %swap3A_170 = arith.constant 80 : index
          %swap3A_171 = tpu.vector_load %arg9[%swap3A_169, %swap3A_170] {strides = array<i32>} : memref<640x128xf32, #tpu.memory_space<vmem>>, vector<1x16xf32>,
          %swap3A_172 = vector.shape_cast %swap3A_171 : vector<1x16xf32> to vector<16xf32>
          %swap3A_173 = vector.shape_cast %add3A_168 : vector<16xf32> to vector<1x16xf32>
          tpu.vector_store %arg9[%swap3A_169, %swap3A_170], %swap3A_173 {strides = array<i32>} : memref<640x128xf32, #tpu.memory_space<vmem>>, vector<1x16xf32>,
          %get3A_174 = arith.index_cast %sub3A_90 : i32 to index
          %get3A_175 = arith.constant 96 : index
          %get3A_176 = tpu.vector_load %arg9[%get3A_174, %get3A_175] {strides = array<i32>} : memref<640x128xf32, #tpu.memory_space<vmem>>, vector<1x16xf32>,
          %get3A_177 = vector.shape_cast %get3A_176 : vector<1x16xf32> to vector<16xf32>
          %get3A_178 = arith.index_cast %while3A_80 : i32 to index
          %get3A_179 = arith.constant 96 : index
          %get3A_180 = tpu.vector_load %arg8[%get3A_178, %get3A_179] {strides = array<i32>} : memref<80x128xf32, #tpu.memory_space<vmem>>, vector<1x16xf32>,
          %get3A_181 = vector.shape_cast %get3A_180 : vector<1x16xf32> to vector<16xf32>
          %add3A_182 = arith.addf %get3A_177, %get3A_181 : vector<16xf32>
          %swap3A_183 = arith.index_cast %sub3A_90 : i32 to index
          %swap3A_184 = arith.constant 96 : index
          %swap3A_185 = tpu.vector_load %arg9[%swap3A_183, %swap3A_184] {strides = array<i32>} : memref<640x128xf32, #tpu.memory_space<vmem>>, vector<1x16xf32>,
          %swap3A_186 = vector.shape_cast %swap3A_185 : vector<1x16xf32> to vector<16xf32>
          %swap3A_187 = vector.shape_cast %add3A_182 : vector<16xf32> to vector<1x16xf32>
          tpu.vector_store %arg9[%swap3A_183, %swap3A_184], %swap3A_187 {strides = array<i32>} : memref<640x128xf32, #tpu.memory_space<vmem>>, vector<1x16xf32>,
          %get3A_188 = arith.index_cast %sub3A_90 : i32 to index
          %get3A_189 = arith.constant 112 : index
          %get3A_190 = tpu.vector_load %arg9[%get3A_188, %get3A_189] {strides = array<i32>} : memref<640x128xf32, #tpu.memory_space<vmem>>, vector<1x16xf32>,
          %get3A_191 = vector.shape_cast %get3A_190 : vector<1x16xf32> to vector<16xf32>
          %get3A_192 = arith.index_cast %while3A_80 : i32 to index
          %get3A_193 = arith.constant 112 : index
          %get3A_194 = tpu.vector_load %arg8[%get3A_192, %get3A_193] {strides = array<i32>} : memref<80x128xf32, #tpu.memory_space<vmem>>, vector<1x16xf32>,
          %get3A_195 = vector.shape_cast %get3A_194 : vector<1x16xf32> to vector<16xf32>
          %add3A_196 = arith.addf %get3A_191, %get3A_195 : vector<16xf32>
          %swap3A_197 = arith.index_cast %sub3A_90 : i32 to index
          %swap3A_198 = arith.constant 112 : index
          %swap3A_199 = tpu.vector_load %arg9[%swap3A_197, %swap3A_198] {strides = array<i32>} : memref<640x128xf32, #tpu.memory_space<vmem>>, vector<1x16xf32>,
          %swap3A_200 = vector.shape_cast %swap3A_199 : vector<1x16xf32> to vector<16xf32>
          %swap3A_201 = vector.shape_cast %add3A_196 : vector<16xf32> to vector<1x16xf32>
          tpu.vector_store %arg9[%swap3A_197, %swap3A_198], %swap3A_201 {strides = array<i32>} : memref<640x128xf32, #tpu.memory_space<vmem>>, vector<1x16xf32>,
        }
      }
      %while3A_56 = arith.constant 1 : i32
      scf.for %while3A_57 = %while3A_54 to %while3A_50 step %while3A_56  : i32 {
        %mul3A_58 = arith.constant 80 : i32
        %mul3A_59 = arith.muli %while3A_57, %mul3A_58 : i32
        %dma_start3A = tpu.memref_slice %arg7[%mul3A_59] : memref<5016xi32, #tpu.memory_space<vmem>> -> memref<80xi32, #tpu.memory_space<vmem>>
        %dma_start3A_60 = arith.constant 0 : i32
        %dma_start3A_61 = arith.constant 0 : i32
        %dma_start3A_62 = tpu.memref_slice %arg2[%dma_start3A_60, %dma_start3A_61] : memref<320000x128xf32, #tpu.memory_space<hbm>> -> memref<320000x128xf32, #tpu.memory_space<hbm>>
        tpu.enqueue_indirect_dma source(%dma_start3A_62 : memref<320000x128xf32, #tpu.memory_space<hbm>>) target(%arg8 : memref<80x128xf32, #tpu.memory_space<vmem>>) offsets(%dma_start3A : memref<80xi32, #tpu.memory_space<vmem>>) semaphore(%arg10 : memref<!tpu.dma_semaphore, #tpu.memory_space<semaphore_mem>>)
        %dma_wait3A = tpu.memref_slice %arg7[%mul3A_59] : memref<5016xi32, #tpu.memory_space<vmem>> -> memref<80xi32, #tpu.memory_space<vmem>>
        %dma_wait3A_63 = arith.constant 0 : i32
        %dma_wait3A_64 = arith.constant 0 : i32
        %dma_wait3A_65 = tpu.memref_slice %arg2[%dma_wait3A_63, %dma_wait3A_64] : memref<320000x128xf32, #tpu.memory_space<hbm>> -> memref<320000x128xf32, #tpu.memory_space<hbm>>
        tpu.wait_indirect_dma semaphore(%arg10 : memref<!tpu.dma_semaphore, #tpu.memory_space<semaphore_mem>>) src(%dma_wait3A_65 : memref<320000x128xf32, #tpu.memory_space<hbm>>) dst(%arg8 : memref<80x128xf32, #tpu.memory_space<vmem>>)
        %mul3A_66 = arith.constant 80 : i32
        %mul3A_67 = arith.muli %while3A_57, %mul3A_66 : i32
        %sub3A_68 = arith.subi %scan3A_26, %mul3A_67 : i32
        %min3A = arith.constant 80 : i32
        %min3A_69 = arith.minsi %sub3A_68, %min3A : i32
        %while3A_70 = arith.constant 0 : i32
        %while3A_71 = arith.constant 0 : i32
        %while3A_72 = arith.subi %min3A_69, %while3A_71 : i32
        %while3A_73 = arith.addi %while3A_71, %while3A_72 : i32
        %while3A_74 = arith.constant 1 : i32
        %while3A_75 = arith.divsi %while3A_72, %while3A_74 : i32
        %while3A_76 = arith.muli %while3A_75, %while3A_74 : i32
        %while3A_77 = arith.addi %while3A_71, %while3A_76 : i32
        %while3A_78 = arith.constant 1 : i32
        scf.for %while3A_80 = %while3A_71 to %while3A_77 step %while3A_78  : i32 {
          %add3A_81 = arith.addi %mul3A_67, %while3A_80 : i32
          %get3A = arith.index_cast %add3A_81 : i32 to index
          %get3A_82 = tpu.vector_load %arg7[%get3A] {strides = array<i32>} : memref<5016xi32, #tpu.memory_space<vmem>>, vector<16xi32>,
          %get3A_83 = vector.shape_cast %get3A_82 : vector<16xi32> to vector<16xi32>
          %slice3A = vector.extract_strided_slice %get3A_83 {offsets = [0], sizes = [1], strides = [1]} : vector<16xi32> to vector<1xi32>
          %squeeze3A = vector.extract %slice3A[0] : i32 from vector<1xi32>
          %sub3A_84 = arith.subi %squeeze3A, %add3A_20 : i32
          %get3A_85 = arith.index_cast %sub3A_84 : i32 to index
          %get3A_86 = tpu.vector_load %arg6[%get3A_85] {strides = array<i32>} : memref<5016xi32, #tpu.memory_space<vmem>>, vector<16xi32>,
          %get3A_87 = vector.shape_cast %get3A_86 : vector<16xi32> to vector<16xi32>
          %slice3A_88 = vector.extract_strided_slice %get3A_87 {offsets = [0], sizes = [1], strides = [1]} : vector<16xi32> to vector<1xi32>
          %squeeze3A_89 = vector.extract %slice3A_88[0] : i32 from vector<1xi32>
          %sub3A_90 = arith.subi %squeeze3A_89, %mul3A_0 : i32
          %get3A_91 = arith.index_cast %sub3A_90 : i32 to index
          %get3A_92 = arith.constant 0 : index
          %get3A_93 = tpu.vector_load %arg9[%get3A_91, %get3A_92] {strides = array<i32>} : memref<640x128xf32, #tpu.memory_space<vmem>>, vector<1x16xf32>,
          %get3A_94 = vector.shape_cast %get3A_93 : vector<1x16xf32> to vector<16xf32>
          %get3A_95 = arith.index_cast %while3A_80 : i32 to index
          %get3A_96 = arith.constant 0 : index
          %get3A_97 = tpu.vector_load %arg8[%get3A_95, %get3A_96] {strides = array<i32>} : memref<80x128xf32, #tpu.memory_space<vmem>>, vector<1x16xf32>,
          %get3A_98 = vector.shape_cast %get3A_97 : vector<1x16xf32> to vector<16xf32>
          %add3A_99 = arith.addf %get3A_94, %get3A_98 : vector<16xf32>
          %swap3A = arith.index_cast %sub3A_90 : i32 to index
          %swap3A_100 = arith.constant 0 : index
          %swap3A_101 = tpu.vector_load %arg9[%swap3A, %swap3A_100] {strides = array<i32>} : memref<640x128xf32, #tpu.memory_space<vmem>>, vector<1x16xf32>,
          %swap3A_102 = vector.shape_cast %swap3A_101 : vector<1x16xf32> to vector<16xf32>
          %swap3A_103 = vector.shape_cast %add3A_99 : vector<16xf32> to vector<1x16xf32>
          tpu.vector_store %arg9[%swap3A, %swap3A_100], %swap3A_103 {strides = array<i32>} : memref<640x128xf32, #tpu.memory_space<vmem>>, vector<1x16xf32>,
          %get3A_104 = arith.index_cast %sub3A_90 : i32 to index
          %get3A_105 = arith.constant 16 : index
          %get3A_106 = tpu.vector_load %arg9[%get3A_104, %get3A_105] {strides = array<i32>} : memref<640x128xf32, #tpu.memory_space<vmem>>, vector<1x16xf32>,
          %get3A_107 = vector.shape_cast %get3A_106 : vector<1x16xf32> to vector<16xf32>
          %get3A_108 = arith.index_cast %while3A_80 : i32 to index
          %get3A_109 = arith.constant 16 : index
          %get3A_110 = tpu.vector_load %arg8[%get3A_108, %get3A_109] {strides = array<i32>} : memref<80x128xf32, #tpu.memory_space<vmem>>, vector<1x16xf32>,
          %get3A_111 = vector.shape_cast %get3A_110 : vector<1x16xf32> to vector<16xf32>
          %add3A_112 = arith.addf %get3A_107, %get3A_111 : vector<16xf32>
          %swap3A_113 = arith.index_cast %sub3A_90 : i32 to index
          %swap3A_114 = arith.constant 16 : index
          %swap3A_115 = tpu.vector_load %arg9[%swap3A_113, %swap3A_114] {strides = array<i32>} : memref<640x128xf32, #tpu.memory_space<vmem>>, vector<1x16xf32>,
          %swap3A_116 = vector.shape_cast %swap3A_115 : vector<1x16xf32> to vector<16xf32>
          %swap3A_117 = vector.shape_cast %add3A_112 : vector<16xf32> to vector<1x16xf32>
          tpu.vector_store %arg9[%swap3A_113, %swap3A_114], %swap3A_117 {strides = array<i32>} : memref<640x128xf32, #tpu.memory_space<vmem>>, vector<1x16xf32>,
          %get3A_118 = arith.index_cast %sub3A_90 : i32 to index
          %get3A_119 = arith.constant 32 : index
          %get3A_120 = tpu.vector_load %arg9[%get3A_118, %get3A_119] {strides = array<i32>} : memref<640x128xf32, #tpu.memory_space<vmem>>, vector<1x16xf32>,
          %get3A_121 = vector.shape_cast %get3A_120 : vector<1x16xf32> to vector<16xf32>
          %get3A_122 = arith.index_cast %while3A_80 : i32 to index
          %get3A_123 = arith.constant 32 : index
          %get3A_124 = tpu.vector_load %arg8[%get3A_122, %get3A_123] {strides = array<i32>} : memref<80x128xf32, #tpu.memory_space<vmem>>, vector<1x16xf32>,
          %get3A_125 = vector.shape_cast %get3A_124 : vector<1x16xf32> to vector<16xf32>
          %add3A_126 = arith.addf %get3A_121, %get3A_125 : vector<16xf32>
          %swap3A_127 = arith.index_cast %sub3A_90 : i32 to index
          %swap3A_128 = arith.constant 32 : index
          %swap3A_129 = tpu.vector_load %arg9[%swap3A_127, %swap3A_128] {strides = array<i32>} : memref<640x128xf32, #tpu.memory_space<vmem>>, vector<1x16xf32>,
          %swap3A_130 = vector.shape_cast %swap3A_129 : vector<1x16xf32> to vector<16xf32>
          %swap3A_131 = vector.shape_cast %add3A_126 : vector<16xf32> to vector<1x16xf32>
          tpu.vector_store %arg9[%swap3A_127, %swap3A_128], %swap3A_131 {strides = array<i32>} : memref<640x128xf32, #tpu.memory_space<vmem>>, vector<1x16xf32>,
          %get3A_132 = arith.index_cast %sub3A_90 : i32 to index
          %get3A_133 = arith.constant 48 : index
          %get3A_134 = tpu.vector_load %arg9[%get3A_132, %get3A_133] {strides = array<i32>} : memref<640x128xf32, #tpu.memory_space<vmem>>, vector<1x16xf32>,
          %get3A_135 = vector.shape_cast %get3A_134 : vector<1x16xf32> to vector<16xf32>
          %get3A_136 = arith.index_cast %while3A_80 : i32 to index
          %get3A_137 = arith.constant 48 : index
          %get3A_138 = tpu.vector_load %arg8[%get3A_136, %get3A_137] {strides = array<i32>} : memref<80x128xf32, #tpu.memory_space<vmem>>, vector<1x16xf32>,
          %get3A_139 = vector.shape_cast %get3A_138 : vector<1x16xf32> to vector<16xf32>
          %add3A_140 = arith.addf %get3A_135, %get3A_139 : vector<16xf32>
          %swap3A_141 = arith.index_cast %sub3A_90 : i32 to index
          %swap3A_142 = arith.constant 48 : index
          %swap3A_143 = tpu.vector_load %arg9[%swap3A_141, %swap3A_142] {strides = array<i32>} : memref<640x128xf32, #tpu.memory_space<vmem>>, vector<1x16xf32>,
          %swap3A_144 = vector.shape_cast %swap3A_143 : vector<1x16xf32> to vector<16xf32>
          %swap3A_145 = vector.shape_cast %add3A_140 : vector<16xf32> to vector<1x16xf32>
          tpu.vector_store %arg9[%swap3A_141, %swap3A_142], %swap3A_145 {strides = array<i32>} : memref<640x128xf32, #tpu.memory_space<vmem>>, vector<1x16xf32>,
          %get3A_146 = arith.index_cast %sub3A_90 : i32 to index
          %get3A_147 = arith.constant 64 : index
          %get3A_148 = tpu.vector_load %arg9[%get3A_146, %get3A_147] {strides = array<i32>} : memref<640x128xf32, #tpu.memory_space<vmem>>, vector<1x16xf32>,
          %get3A_149 = vector.shape_cast %get3A_148 : vector<1x16xf32> to vector<16xf32>
          %get3A_150 = arith.index_cast %while3A_80 : i32 to index
          %get3A_151 = arith.constant 64 : index
          %get3A_152 = tpu.vector_load %arg8[%get3A_150, %get3A_151] {strides = array<i32>} : memref<80x128xf32, #tpu.memory_space<vmem>>, vector<1x16xf32>,
          %get3A_153 = vector.shape_cast %get3A_152 : vector<1x16xf32> to vector<16xf32>
          %add3A_154 = arith.addf %get3A_149, %get3A_153 : vector<16xf32>
          %swap3A_155 = arith.index_cast %sub3A_90 : i32 to index
          %swap3A_156 = arith.constant 64 : index
          %swap3A_157 = tpu.vector_load %arg9[%swap3A_155, %swap3A_156] {strides = array<i32>} : memref<640x128xf32, #tpu.memory_space<vmem>>, vector<1x16xf32>,
          %swap3A_158 = vector.shape_cast %swap3A_157 : vector<1x16xf32> to vector<16xf32>
          %swap3A_159 = vector.shape_cast %add3A_154 : vector<16xf32> to vector<1x16xf32>
          tpu.vector_store %arg9[%swap3A_155, %swap3A_156], %swap3A_159 {strides = array<i32>} : memref<640x128xf32, #tpu.memory_space<vmem>>, vector<1x16xf32>,
          %get3A_160 = arith.index_cast %sub3A_90 : i32 to index
          %get3A_161 = arith.constant 80 : index
          %get3A_162 = tpu.vector_load %arg9[%get3A_160, %get3A_161] {strides = array<i32>} : memref<640x128xf32, #tpu.memory_space<vmem>>, vector<1x16xf32>,
          %get3A_163 = vector.shape_cast %get3A_162 : vector<1x16xf32> to vector<16xf32>
          %get3A_164 = arith.index_cast %while3A_80 : i32 to index
          %get3A_165 = arith.constant 80 : index
          %get3A_166 = tpu.vector_load %arg8[%get3A_164, %get3A_165] {strides = array<i32>} : memref<80x128xf32, #tpu.memory_space<vmem>>, vector<1x16xf32>,
          %get3A_167 = vector.shape_cast %get3A_166 : vector<1x16xf32> to vector<16xf32>
          %add3A_168 = arith.addf %get3A_163, %get3A_167 : vector<16xf32>
          %swap3A_169 = arith.index_cast %sub3A_90 : i32 to index
          %swap3A_170 = arith.constant 80 : index
          %swap3A_171 = tpu.vector_load %arg9[%swap3A_169, %swap3A_170] {strides = array<i32>} : memref<640x128xf32, #tpu.memory_space<vmem>>, vector<1x16xf32>,
          %swap3A_172 = vector.shape_cast %swap3A_171 : vector<1x16xf32> to vector<16xf32>
          %swap3A_173 = vector.shape_cast %add3A_168 : vector<16xf32> to vector<1x16xf32>
          tpu.vector_store %arg9[%swap3A_169, %swap3A_170], %swap3A_173 {strides = array<i32>} : memref<640x128xf32, #tpu.memory_space<vmem>>, vector<1x16xf32>,
          %get3A_174 = arith.index_cast %sub3A_90 : i32 to index
          %get3A_175 = arith.constant 96 : index
          %get3A_176 = tpu.vector_load %arg9[%get3A_174, %get3A_175] {strides = array<i32>} : memref<640x128xf32, #tpu.memory_space<vmem>>, vector<1x16xf32>,
          %get3A_177 = vector.shape_cast %get3A_176 : vector<1x16xf32> to vector<16xf32>
          %get3A_178 = arith.index_cast %while3A_80 : i32 to index
          %get3A_179 = arith.constant 96 : index
          %get3A_180 = tpu.vector_load %arg8[%get3A_178, %get3A_179] {strides = array<i32>} : memref<80x128xf32, #tpu.memory_space<vmem>>, vector<1x16xf32>,
          %get3A_181 = vector.shape_cast %get3A_180 : vector<1x16xf32> to vector<16xf32>
          %add3A_182 = arith.addf %get3A_177, %get3A_181 : vector<16xf32>
          %swap3A_183 = arith.index_cast %sub3A_90 : i32 to index
          %swap3A_184 = arith.constant 96 : index
          %swap3A_185 = tpu.vector_load %arg9[%swap3A_183, %swap3A_184] {strides = array<i32>} : memref<640x128xf32, #tpu.memory_space<vmem>>, vector<1x16xf32>,
          %swap3A_186 = vector.shape_cast %swap3A_185 : vector<1x16xf32> to vector<16xf32>
          %swap3A_187 = vector.shape_cast %add3A_182 : vector<16xf32> to vector<1x16xf32>
          tpu.vector_store %arg9[%swap3A_183, %swap3A_184], %swap3A_187 {strides = array<i32>} : memref<640x128xf32, #tpu.memory_space<vmem>>, vector<1x16xf32>,
          %get3A_188 = arith.index_cast %sub3A_90 : i32 to index
          %get3A_189 = arith.constant 112 : index
          %get3A_190 = tpu.vector_load %arg9[%get3A_188, %get3A_189] {strides = array<i32>} : memref<640x128xf32, #tpu.memory_space<vmem>>, vector<1x16xf32>,
          %get3A_191 = vector.shape_cast %get3A_190 : vector<1x16xf32> to vector<16xf32>
          %get3A_192 = arith.index_cast %while3A_80 : i32 to index
          %get3A_193 = arith.constant 112 : index
          %get3A_194 = tpu.vector_load %arg8[%get3A_192, %get3A_193] {strides = array<i32>} : memref<80x128xf32, #tpu.memory_space<vmem>>, vector<1x16xf32>,
          %get3A_195 = vector.shape_cast %get3A_194 : vector<1x16xf32> to vector<16xf32>
          %add3A_196 = arith.addf %get3A_191, %get3A_195 : vector<16xf32>
          %swap3A_197 = arith.index_cast %sub3A_90 : i32 to index
          %swap3A_198 = arith.constant 112 : index
          %swap3A_199 = tpu.vector_load %arg9[%swap3A_197, %swap3A_198] {strides = array<i32>} : memref<640x128xf32, #tpu.memory_space<vmem>>, vector<1x16xf32>,
          %swap3A_200 = vector.shape_cast %swap3A_199 : vector<1x16xf32> to vector<16xf32>
          %swap3A_201 = vector.shape_cast %add3A_196 : vector<16xf32> to vector<1x16xf32>
          tpu.vector_store %arg9[%swap3A_197, %swap3A_198], %swap3A_201 {strides = array<i32>} : memref<640x128xf32, #tpu.memory_space<vmem>>, vector<1x16xf32>,
        }
        %while3A_79 = arith.constant 1 : i32
        scf.for %while3A_80 = %while3A_77 to %while3A_73 step %while3A_79  : i32 {
          %add3A_81 = arith.addi %mul3A_67, %while3A_80 : i32
          %get3A = arith.index_cast %add3A_81 : i32 to index
          %get3A_82 = tpu.vector_load %arg7[%get3A] {strides = array<i32>} : memref<5016xi32, #tpu.memory_space<vmem>>, vector<16xi32>,
          %get3A_83 = vector.shape_cast %get3A_82 : vector<16xi32> to vector<16xi32>
          %slice3A = vector.extract_strided_slice %get3A_83 {offsets = [0], sizes = [1], strides = [1]} : vector<16xi32> to vector<1xi32>
          %squeeze3A = vector.extract %slice3A[0] : i32 from vector<1xi32>
          %sub3A_84 = arith.subi %squeeze3A, %add3A_20 : i32
          %get3A_85 = arith.index_cast %sub3A_84 : i32 to index
          %get3A_86 = tpu.vector_load %arg6[%get3A_85] {strides = array<i32>} : memref<5016xi32, #tpu.memory_space<vmem>>, vector<16xi32>,
          %get3A_87 = vector.shape_cast %get3A_86 : vector<16xi32> to vector<16xi32>
          %slice3A_88 = vector.extract_strided_slice %get3A_87 {offsets = [0], sizes = [1], strides = [1]} : vector<16xi32> to vector<1xi32>
          %squeeze3A_89 = vector.extract %slice3A_88[0] : i32 from vector<1xi32>
          %sub3A_90 = arith.subi %squeeze3A_89, %mul3A_0 : i32
          %get3A_91 = arith.index_cast %sub3A_90 : i32 to index
          %get3A_92 = arith.constant 0 : index
          %get3A_93 = tpu.vector_load %arg9[%get3A_91, %get3A_92] {strides = array<i32>} : memref<640x128xf32, #tpu.memory_space<vmem>>, vector<1x16xf32>,
          %get3A_94 = vector.shape_cast %get3A_93 : vector<1x16xf32> to vector<16xf32>
          %get3A_95 = arith.index_cast %while3A_80 : i32 to index
          %get3A_96 = arith.constant 0 : index
          %get3A_97 = tpu.vector_load %arg8[%get3A_95, %get3A_96] {strides = array<i32>} : memref<80x128xf32, #tpu.memory_space<vmem>>, vector<1x16xf32>,
          %get3A_98 = vector.shape_cast %get3A_97 : vector<1x16xf32> to vector<16xf32>
          %add3A_99 = arith.addf %get3A_94, %get3A_98 : vector<16xf32>
          %swap3A = arith.index_cast %sub3A_90 : i32 to index
          %swap3A_100 = arith.constant 0 : index
          %swap3A_101 = tpu.vector_load %arg9[%swap3A, %swap3A_100] {strides = array<i32>} : memref<640x128xf32, #tpu.memory_space<vmem>>, vector<1x16xf32>,
          %swap3A_102 = vector.shape_cast %swap3A_101 : vector<1x16xf32> to vector<16xf32>
          %swap3A_103 = vector.shape_cast %add3A_99 : vector<16xf32> to vector<1x16xf32>
          tpu.vector_store %arg9[%swap3A, %swap3A_100], %swap3A_103 {strides = array<i32>} : memref<640x128xf32, #tpu.memory_space<vmem>>, vector<1x16xf32>,
          %get3A_104 = arith.index_cast %sub3A_90 : i32 to index
          %get3A_105 = arith.constant 16 : index
          %get3A_106 = tpu.vector_load %arg9[%get3A_104, %get3A_105] {strides = array<i32>} : memref<640x128xf32, #tpu.memory_space<vmem>>, vector<1x16xf32>,
          %get3A_107 = vector.shape_cast %get3A_106 : vector<1x16xf32> to vector<16xf32>
          %get3A_108 = arith.index_cast %while3A_80 : i32 to index
          %get3A_109 = arith.constant 16 : index
          %get3A_110 = tpu.vector_load %arg8[%get3A_108, %get3A_109] {strides = array<i32>} : memref<80x128xf32, #tpu.memory_space<vmem>>, vector<1x16xf32>,
          %get3A_111 = vector.shape_cast %get3A_110 : vector<1x16xf32> to vector<16xf32>
          %add3A_112 = arith.addf %get3A_107, %get3A_111 : vector<16xf32>
          %swap3A_113 = arith.index_cast %sub3A_90 : i32 to index
          %swap3A_114 = arith.constant 16 : index
          %swap3A_115 = tpu.vector_load %arg9[%swap3A_113, %swap3A_114] {strides = array<i32>} : memref<640x128xf32, #tpu.memory_space<vmem>>, vector<1x16xf32>,
          %swap3A_116 = vector.shape_cast %swap3A_115 : vector<1x16xf32> to vector<16xf32>
          %swap3A_117 = vector.shape_cast %add3A_112 : vector<16xf32> to vector<1x16xf32>
          tpu.vector_store %arg9[%swap3A_113, %swap3A_114], %swap3A_117 {strides = array<i32>} : memref<640x128xf32, #tpu.memory_space<vmem>>, vector<1x16xf32>,
          %get3A_118 = arith.index_cast %sub3A_90 : i32 to index
          %get3A_119 = arith.constant 32 : index
          %get3A_120 = tpu.vector_load %arg9[%get3A_118, %get3A_119] {strides = array<i32>} : memref<640x128xf32, #tpu.memory_space<vmem>>, vector<1x16xf32>,
          %get3A_121 = vector.shape_cast %get3A_120 : vector<1x16xf32> to vector<16xf32>
          %get3A_122 = arith.index_cast %while3A_80 : i32 to index
          %get3A_123 = arith.constant 32 : index
          %get3A_124 = tpu.vector_load %arg8[%get3A_122, %get3A_123] {strides = array<i32>} : memref<80x128xf32, #tpu.memory_space<vmem>>, vector<1x16xf32>,
          %get3A_125 = vector.shape_cast %get3A_124 : vector<1x16xf32> to vector<16xf32>
          %add3A_126 = arith.addf %get3A_121, %get3A_125 : vector<16xf32>
          %swap3A_127 = arith.index_cast %sub3A_90 : i32 to index
          %swap3A_128 = arith.constant 32 : index
          %swap3A_129 = tpu.vector_load %arg9[%swap3A_127, %swap3A_128] {strides = array<i32>} : memref<640x128xf32, #tpu.memory_space<vmem>>, vector<1x16xf32>,
          %swap3A_130 = vector.shape_cast %swap3A_129 : vector<1x16xf32> to vector<16xf32>
          %swap3A_131 = vector.shape_cast %add3A_126 : vector<16xf32> to vector<1x16xf32>
          tpu.vector_store %arg9[%swap3A_127, %swap3A_128], %swap3A_131 {strides = array<i32>} : memref<640x128xf32, #tpu.memory_space<vmem>>, vector<1x16xf32>,
          %get3A_132 = arith.index_cast %sub3A_90 : i32 to index
          %get3A_133 = arith.constant 48 : index
          %get3A_134 = tpu.vector_load %arg9[%get3A_132, %get3A_133] {strides = array<i32>} : memref<640x128xf32, #tpu.memory_space<vmem>>, vector<1x16xf32>,
          %get3A_135 = vector.shape_cast %get3A_134 : vector<1x16xf32> to vector<16xf32>
          %get3A_136 = arith.index_cast %while3A_80 : i32 to index
          %get3A_137 = arith.constant 48 : index
          %get3A_138 = tpu.vector_load %arg8[%get3A_136, %get3A_137] {strides = array<i32>} : memref<80x128xf32, #tpu.memory_space<vmem>>, vector<1x16xf32>,
          %get3A_139 = vector.shape_cast %get3A_138 : vector<1x16xf32> to vector<16xf32>
          %add3A_140 = arith.addf %get3A_135, %get3A_139 : vector<16xf32>
          %swap3A_141 = arith.index_cast %sub3A_90 : i32 to index
          %swap3A_142 = arith.constant 48 : index
          %swap3A_143 = tpu.vector_load %arg9[%swap3A_141, %swap3A_142] {strides = array<i32>} : memref<640x128xf32, #tpu.memory_space<vmem>>, vector<1x16xf32>,
          %swap3A_144 = vector.shape_cast %swap3A_143 : vector<1x16xf32> to vector<16xf32>
          %swap3A_145 = vector.shape_cast %add3A_140 : vector<16xf32> to vector<1x16xf32>
          tpu.vector_store %arg9[%swap3A_141, %swap3A_142], %swap3A_145 {strides = array<i32>} : memref<640x128xf32, #tpu.memory_space<vmem>>, vector<1x16xf32>,
          %get3A_146 = arith.index_cast %sub3A_90 : i32 to index
          %get3A_147 = arith.constant 64 : index
          %get3A_148 = tpu.vector_load %arg9[%get3A_146, %get3A_147] {strides = array<i32>} : memref<640x128xf32, #tpu.memory_space<vmem>>, vector<1x16xf32>,
          %get3A_149 = vector.shape_cast %get3A_148 : vector<1x16xf32> to vector<16xf32>
          %get3A_150 = arith.index_cast %while3A_80 : i32 to index
          %get3A_151 = arith.constant 64 : index
          %get3A_152 = tpu.vector_load %arg8[%get3A_150, %get3A_151] {strides = array<i32>} : memref<80x128xf32, #tpu.memory_space<vmem>>, vector<1x16xf32>,
          %get3A_153 = vector.shape_cast %get3A_152 : vector<1x16xf32> to vector<16xf32>
          %add3A_154 = arith.addf %get3A_149, %get3A_153 : vector<16xf32>
          %swap3A_155 = arith.index_cast %sub3A_90 : i32 to index
          %swap3A_156 = arith.constant 64 : index
          %swap3A_157 = tpu.vector_load %arg9[%swap3A_155, %swap3A_156] {strides = array<i32>} : memref<640x128xf32, #tpu.memory_space<vmem>>, vector<1x16xf32>,
          %swap3A_158 = vector.shape_cast %swap3A_157 : vector<1x16xf32> to vector<16xf32>
          %swap3A_159 = vector.shape_cast %add3A_154 : vector<16xf32> to vector<1x16xf32>
          tpu.vector_store %arg9[%swap3A_155, %swap3A_156], %swap3A_159 {strides = array<i32>} : memref<640x128xf32, #tpu.memory_space<vmem>>, vector<1x16xf32>,
          %get3A_160 = arith.index_cast %sub3A_90 : i32 to index
          %get3A_161 = arith.constant 80 : index
          %get3A_162 = tpu.vector_load %arg9[%get3A_160, %get3A_161] {strides = array<i32>} : memref<640x128xf32, #tpu.memory_space<vmem>>, vector<1x16xf32>,
          %get3A_163 = vector.shape_cast %get3A_162 : vector<1x16xf32> to vector<16xf32>
          %get3A_164 = arith.index_cast %while3A_80 : i32 to index
          %get3A_165 = arith.constant 80 : index
          %get3A_166 = tpu.vector_load %arg8[%get3A_164, %get3A_165] {strides = array<i32>} : memref<80x128xf32, #tpu.memory_space<vmem>>, vector<1x16xf32>,
          %get3A_167 = vector.shape_cast %get3A_166 : vector<1x16xf32> to vector<16xf32>
          %add3A_168 = arith.addf %get3A_163, %get3A_167 : vector<16xf32>
          %swap3A_169 = arith.index_cast %sub3A_90 : i32 to index
          %swap3A_170 = arith.constant 80 : index
          %swap3A_171 = tpu.vector_load %arg9[%swap3A_169, %swap3A_170] {strides = array<i32>} : memref<640x128xf32, #tpu.memory_space<vmem>>, vector<1x16xf32>,
          %swap3A_172 = vector.shape_cast %swap3A_171 : vector<1x16xf32> to vector<16xf32>
          %swap3A_173 = vector.shape_cast %add3A_168 : vector<16xf32> to vector<1x16xf32>
          tpu.vector_store %arg9[%swap3A_169, %swap3A_170], %swap3A_173 {strides = array<i32>} : memref<640x128xf32, #tpu.memory_space<vmem>>, vector<1x16xf32>,
          %get3A_174 = arith.index_cast %sub3A_90 : i32 to index
          %get3A_175 = arith.constant 96 : index
          %get3A_176 = tpu.vector_load %arg9[%get3A_174, %get3A_175] {strides = array<i32>} : memref<640x128xf32, #tpu.memory_space<vmem>>, vector<1x16xf32>,
          %get3A_177 = vector.shape_cast %get3A_176 : vector<1x16xf32> to vector<16xf32>
          %get3A_178 = arith.index_cast %while3A_80 : i32 to index
          %get3A_179 = arith.constant 96 : index
          %get3A_180 = tpu.vector_load %arg8[%get3A_178, %get3A_179] {strides = array<i32>} : memref<80x128xf32, #tpu.memory_space<vmem>>, vector<1x16xf32>,
          %get3A_181 = vector.shape_cast %get3A_180 : vector<1x16xf32> to vector<16xf32>
          %add3A_182 = arith.addf %get3A_177, %get3A_181 : vector<16xf32>
          %swap3A_183 = arith.index_cast %sub3A_90 : i32 to index
          %swap3A_184 = arith.constant 96 : index
          %swap3A_185 = tpu.vector_load %arg9[%swap3A_183, %swap3A_184] {strides = array<i32>} : memref<640x128xf32, #tpu.memory_space<vmem>>, vector<1x16xf32>,
          %swap3A_186 = vector.shape_cast %swap3A_185 : vector<1x16xf32> to vector<16xf32>
          %swap3A_187 = vector.shape_cast %add3A_182 : vector<16xf32> to vector<1x16xf32>
          tpu.vector_store %arg9[%swap3A_183, %swap3A_184], %swap3A_187 {strides = array<i32>} : memref<640x128xf32, #tpu.memory_space<vmem>>, vector<1x16xf32>,
          %get3A_188 = arith.index_cast %sub3A_90 : i32 to index
          %get3A_189 = arith.constant 112 : index
          %get3A_190 = tpu.vector_load %arg9[%get3A_188, %get3A_189] {strides = array<i32>} : memref<640x128xf32, #tpu.memory_space<vmem>>, vector<1x16xf32>,
          %get3A_191 = vector.shape_cast %get3A_190 : vector<1x16xf32> to vector<16xf32>
          %get3A_192 = arith.index_cast %while3A_80 : i32 to index
          %get3A_193 = arith.constant 112 : index
          %get3A_194 = tpu.vector_load %arg8[%get3A_192, %get3A_193] {strides = array<i32>} : memref<80x128xf32, #tpu.memory_space<vmem>>, vector<1x16xf32>,
          %get3A_195 = vector.shape_cast %get3A_194 : vector<1x16xf32> to vector<16xf32>
          %add3A_196 = arith.addf %get3A_191, %get3A_195 : vector<16xf32>
          %swap3A_197 = arith.index_cast %sub3A_90 : i32 to index
          %swap3A_198 = arith.constant 112 : index
          %swap3A_199 = tpu.vector_load %arg9[%swap3A_197, %swap3A_198] {strides = array<i32>} : memref<640x128xf32, #tpu.memory_space<vmem>>, vector<1x16xf32>,
          %swap3A_200 = vector.shape_cast %swap3A_199 : vector<1x16xf32> to vector<16xf32>
          %swap3A_201 = vector.shape_cast %add3A_196 : vector<16xf32> to vector<1x16xf32>
          tpu.vector_store %arg9[%swap3A_197, %swap3A_198], %swap3A_201 {strides = array<i32>} : memref<640x128xf32, #tpu.memory_space<vmem>>, vector<1x16xf32>,
        }
      }
    }
    %scan3A_14 = arith.constant 32 : i32
    %mul3A_15 = arith.constant 10240 : i32
    %mul3A_16 = arith.muli %arg0, %mul3A_15 : i32
    %add3A = arith.addi %mul3A_16, %mul3A_0 : i32
    "tpu.region"() ({
      %run_scoped3A = tpu.sem_alloc : memref<!tpu.dma_semaphore, #tpu.memory_space<semaphore_mem>>
      %dma_start3A = arith.constant 0 : i32
      %dma_start3A_17 = tpu.memref_slice %arg5[%add3A, %dma_start3A] : memref<20480x128xf32, #tpu.memory_space<hbm>> -> memref<640x128xf32, #tpu.memory_space<hbm>>
      %dma_start3A_18 = arith.constant 0 : i32
      %dma_start3A_19 = tpu.memref_slice %arg5[%add3A, %dma_start3A_18] : memref<20480x128xf32, #tpu.memory_space<hbm>> -> memref<640x128xf32, #tpu.memory_space<hbm>>
      tpu.enqueue_dma source(%arg9 : memref<640x128xf32, #tpu.memory_space<vmem>>) target(%dma_start3A_19 : memref<640x128xf32, #tpu.memory_space<hbm>>) target_semaphore(%run_scoped3A : memref<!tpu.dma_semaphore, #tpu.memory_space<semaphore_mem>>)
      %dma_wait3A = arith.constant 0 : i32
      %dma_wait3A_20 = tpu.memref_slice %arg5[%add3A, %dma_wait3A] : memref<20480x128xf32, #tpu.memory_space<hbm>> -> memref<640x128xf32, #tpu.memory_space<hbm>>
      %dma_wait3A_21 = arith.constant 0 : i32
      %dma_wait3A_22 = tpu.memref_slice %arg5[%add3A, %dma_wait3A_21] : memref<20480x128xf32, #tpu.memory_space<hbm>> -> memref<640x128xf32, #tpu.memory_space<hbm>>
      tpu.wait_dma2 semaphore(%run_scoped3A : memref<!tpu.dma_semaphore, #tpu.memory_space<semaphore_mem>>) src(%arg9 : memref<640x128xf32, #tpu.memory_space<vmem>>) dst(%dma_wait3A_22 : memref<640x128xf32, #tpu.memory_space<hbm>>)
      tpu.yield
    }) : () -> ()
    return
  }
}

module attributes {stable_mosaic.version = 14 : i64} {
  func.func @_efstat_body(%arg0: i32, %arg1: memref<3200x16xf32, #tpu.memory_space<vmem>>, %arg2: memref<16x16xf32, #tpu.memory_space<vmem>>, %arg3: memref<1x16xf32, #tpu.memory_space<vmem>>) attributes {dimension_semantics = [#tpu.dimension_semantics<arbitrary>], iteration_bounds = array<i64: 100>, scalar_prefetch = 0 : i64, scratch_operands = 0 : i64, tpu.core_type = #tpu.core_type<tc>, window_params = [{transform_indices = @transform_0, window_bounds = array<i64: 3200, 16>}, {pipeline_mode = #tpu.pipeline_mode<synchronous>, transform_indices = @transform_1, window_bounds = array<i64: 16, 16>}, {pipeline_mode = #tpu.pipeline_mode<synchronous>, transform_indices = @transform_2, window_bounds = array<i64: 1, 16>}]} {
    %eq3A = arith.constant 0 : i32
    %eq3A_0 = arith.cmpi eq, %arg0, %eq3A : i32
    %convert_element_type3A = arith.extui %eq3A_0 : i1 to i32
    %cond3A = arith.constant 0 : i32
    %cond3A_1 = arith.cmpi ne, %convert_element_type3A, %cond3A : i32
    scf.if %cond3A_1 {
      %broadcast_in_dim3A_18 = arith.constant 0.000000e+00 : f32
      %broadcast_in_dim3A_19 = vector.broadcast %broadcast_in_dim3A_18 : f32 to vector<16x16xf32>
      %swap3A_20 = arith.constant 0 : index
      %swap3A_21 = arith.constant 0 : index
      %swap3A_22 = vector.load %arg2[%swap3A_20, %swap3A_21] : memref<16x16xf32, #tpu.memory_space<vmem>>, vector<16x16xf32>
      tpu.vector_store %arg2[%swap3A_20, %swap3A_21], %broadcast_in_dim3A_19 {strides = array<i32>} : memref<16x16xf32, #tpu.memory_space<vmem>>, vector<16x16xf32>,
      %broadcast_in_dim3A_23 = arith.constant 0.000000e+00 : f32
      %broadcast_in_dim3A_24 = vector.broadcast %broadcast_in_dim3A_23 : f32 to vector<1x16xf32>
      %swap3A_25 = arith.constant 0 : index
      %swap3A_26 = arith.constant 0 : index
      %swap3A_27 = vector.load %arg3[%swap3A_25, %swap3A_26] : memref<1x16xf32, #tpu.memory_space<vmem>>, vector<1x16xf32>
      tpu.vector_store %arg3[%swap3A_25, %swap3A_26], %broadcast_in_dim3A_24 {strides = array<i32>} : memref<1x16xf32, #tpu.memory_space<vmem>>, vector<1x16xf32>,
    } else {
    }
    %get3A = arith.constant 0 : index
    %get3A_2 = arith.constant 0 : index
    %get3A_3 = vector.load %arg1[%get3A, %get3A_2] : memref<3200x16xf32, #tpu.memory_space<vmem>>, vector<3200x16xf32>
    %get3A_4 = arith.constant 0 : index
    %get3A_5 = arith.constant 0 : index
    %get3A_6 = vector.load %arg2[%get3A_4, %get3A_5] : memref<16x16xf32, #tpu.memory_space<vmem>>, vector<16x16xf32>
    %transpose3A = tpu.transpose %get3A_3, [1, 0] : vector<3200x16xf32> -> vector<16x3200xf32>
    %dot_general3A = arith.constant dense<0.000000e+00> : vector<16x16xf32>
    %dot_general3A_7 = tpu.matmul %transpose3A, %get3A_3, %dot_general3A {dimension_numbers = #tpu.dot_dimension_numbers<[1], [0], [0], [1], [0, 0, 1, 1], [], []>, transpose_lhs_hint = false} : vector<16x3200xf32>, vector<3200x16xf32>, vector<16x16xf32> -> vector<16x16xf32>
    %add3A = arith.addf %get3A_6, %dot_general3A_7 : vector<16x16xf32>
    %swap3A = arith.constant 0 : index
    %swap3A_8 = arith.constant 0 : index
    %swap3A_9 = vector.load %arg2[%swap3A, %swap3A_8] : memref<16x16xf32, #tpu.memory_space<vmem>>, vector<16x16xf32>
    tpu.vector_store %arg2[%swap3A, %swap3A_8], %add3A {strides = array<i32>} : memref<16x16xf32, #tpu.memory_space<vmem>>, vector<16x16xf32>,
    %get3A_10 = arith.constant 0 : index
    %get3A_11 = arith.constant 0 : index
    %get3A_12 = vector.load %arg3[%get3A_10, %get3A_11] : memref<1x16xf32, #tpu.memory_space<vmem>>, vector<1x16xf32>
    %reduce_sum3A = arith.constant dense<0.000000e+00> : vector<16xf32>
    %reduce_sum3A_13 = vector.multi_reduction <add>, %get3A_3, %reduce_sum3A [0] : vector<3200x16xf32> to vector<16xf32>
    %broadcast_in_dim3A = vector.shape_cast %reduce_sum3A_13 : vector<16xf32> to vector<1x16xf32>
    %add3A_14 = arith.addf %get3A_12, %broadcast_in_dim3A : vector<1x16xf32>
    %swap3A_15 = arith.constant 0 : index
    %swap3A_16 = arith.constant 0 : index
    %swap3A_17 = vector.load %arg3[%swap3A_15, %swap3A_16] : memref<1x16xf32, #tpu.memory_space<vmem>>, vector<1x16xf32>
    tpu.vector_store %arg3[%swap3A_15, %swap3A_16], %add3A_14 {strides = array<i32>} : memref<1x16xf32, #tpu.memory_space<vmem>>, vector<1x16xf32>,
    return
  }
  func.func @transform_0(%arg0: i32) -> (i32, i32) {
    %c0_i32 = arith.constant 0 : i32
    %c0_i32_0 = arith.constant 0 : i32
    return %arg0, %c0_i32 : i32, i32
  }
  func.func @transform_1(%arg0: i32) -> (i32, i32) {
    %c0_i32 = arith.constant 0 : i32
    %c0_i32_0 = arith.constant 0 : i32
    %c0_i32_1 = arith.constant 0 : i32
    return %c0_i32, %c0_i32_0 : i32, i32
  }
  func.func @transform_2(%arg0: i32) -> (i32, i32) {
    %c0_i32 = arith.constant 0 : i32
    %c0_i32_0 = arith.constant 0 : i32
    %c0_i32_1 = arith.constant 0 : i32
    return %c0_i32, %c0_i32_0 : i32, i32
  }
}

module attributes {stable_mosaic.version = 14 : i64} {
  func.func @_corr_body(%arg0: i32, %arg1: memref<3200x128xf32, #tpu.memory_space<vmem>>, %arg2: memref<3200x128xf32, #tpu.memory_space<vmem>>, %arg3: memref<3200x16xf32, #tpu.memory_space<vmem>>, %arg4: memref<128x128xf32, #tpu.memory_space<vmem>>, %arg5: memref<128x128xf32, #tpu.memory_space<vmem>>, %arg6: memref<128x128xf32, #tpu.memory_space<vmem>>, %arg7: memref<16x128xf32, #tpu.memory_space<vmem>>, %arg8: memref<16x128xf32, #tpu.memory_space<vmem>>, %arg9: memref<1x128xf32, #tpu.memory_space<vmem>>, %arg10: memref<1x128xf32, #tpu.memory_space<vmem>>) attributes {dimension_semantics = [#tpu.dimension_semantics<arbitrary>], iteration_bounds = array<i64: 100>, scalar_prefetch = 0 : i64, scratch_operands = 0 : i64, tpu.core_type = #tpu.core_type<tc>, window_params = [{transform_indices = @transform_0, window_bounds = array<i64: 3200, 128>}, {transform_indices = @transform_1, window_bounds = array<i64: 3200, 128>}, {transform_indices = @transform_2, window_bounds = array<i64: 3200, 16>}, {pipeline_mode = #tpu.pipeline_mode<synchronous>, transform_indices = @transform_3, window_bounds = array<i64: 128, 128>}, {pipeline_mode = #tpu.pipeline_mode<synchronous>, transform_indices = @transform_4, window_bounds = array<i64: 128, 128>}, {pipeline_mode = #tpu.pipeline_mode<synchronous>, transform_indices = @transform_5, window_bounds = array<i64: 128, 128>}, {pipeline_mode = #tpu.pipeline_mode<synchronous>, transform_indices = @transform_6, window_bounds = array<i64: 16, 128>}, {pipeline_mode = #tpu.pipeline_mode<synchronous>, transform_indices = @transform_7, window_bounds = array<i64: 16, 128>}, {pipeline_mode = #tpu.pipeline_mode<synchronous>, transform_indices = @transform_8, window_bounds = array<i64: 1, 128>}, {pipeline_mode = #tpu.pipeline_mode<synchronous>, transform_indices = @transform_9, window_bounds = array<i64: 1, 128>}]} {
    %eq3A = arith.constant 0 : i32
    %eq3A_0 = arith.cmpi eq, %arg0, %eq3A : i32
    %convert_element_type3A = arith.extui %eq3A_0 : i1 to i32
    %cond3A = arith.constant 0 : i32
    %cond3A_1 = arith.cmpi ne, %convert_element_type3A, %cond3A : i32
    scf.if %cond3A_1 {
      %broadcast_in_dim3A_74 = arith.constant 0.000000e+00 : f32
      %broadcast_in_dim3A_75 = vector.broadcast %broadcast_in_dim3A_74 : f32 to vector<128x128xf32>
      %swap3A_76 = arith.constant 0 : index
      %swap3A_77 = arith.constant 0 : index
      %swap3A_78 = vector.load %arg4[%swap3A_76, %swap3A_77] : memref<128x128xf32, #tpu.memory_space<vmem>>, vector<128x128xf32>
      tpu.vector_store %arg4[%swap3A_76, %swap3A_77], %broadcast_in_dim3A_75 {strides = array<i32>} : memref<128x128xf32, #tpu.memory_space<vmem>>, vector<128x128xf32>,
      %broadcast_in_dim3A_79 = arith.constant 0.000000e+00 : f32
      %broadcast_in_dim3A_80 = vector.broadcast %broadcast_in_dim3A_79 : f32 to vector<128x128xf32>
      %swap3A_81 = arith.constant 0 : index
      %swap3A_82 = arith.constant 0 : index
      %swap3A_83 = vector.load %arg5[%swap3A_81, %swap3A_82] : memref<128x128xf32, #tpu.memory_space<vmem>>, vector<128x128xf32>
      tpu.vector_store %arg5[%swap3A_81, %swap3A_82], %broadcast_in_dim3A_80 {strides = array<i32>} : memref<128x128xf32, #tpu.memory_space<vmem>>, vector<128x128xf32>,
      %broadcast_in_dim3A_84 = arith.constant 0.000000e+00 : f32
      %broadcast_in_dim3A_85 = vector.broadcast %broadcast_in_dim3A_84 : f32 to vector<128x128xf32>
      %swap3A_86 = arith.constant 0 : index
      %swap3A_87 = arith.constant 0 : index
      %swap3A_88 = vector.load %arg6[%swap3A_86, %swap3A_87] : memref<128x128xf32, #tpu.memory_space<vmem>>, vector<128x128xf32>
      tpu.vector_store %arg6[%swap3A_86, %swap3A_87], %broadcast_in_dim3A_85 {strides = array<i32>} : memref<128x128xf32, #tpu.memory_space<vmem>>, vector<128x128xf32>,
      %broadcast_in_dim3A_89 = arith.constant 0.000000e+00 : f32
      %broadcast_in_dim3A_90 = vector.broadcast %broadcast_in_dim3A_89 : f32 to vector<16x128xf32>
      %swap3A_91 = arith.constant 0 : index
      %swap3A_92 = arith.constant 0 : index
      %swap3A_93 = vector.load %arg7[%swap3A_91, %swap3A_92] : memref<16x128xf32, #tpu.memory_space<vmem>>, vector<16x128xf32>
      tpu.vector_store %arg7[%swap3A_91, %swap3A_92], %broadcast_in_dim3A_90 {strides = array<i32>} : memref<16x128xf32, #tpu.memory_space<vmem>>, vector<16x128xf32>,
      %broadcast_in_dim3A_94 = arith.constant 0.000000e+00 : f32
      %broadcast_in_dim3A_95 = vector.broadcast %broadcast_in_dim3A_94 : f32 to vector<16x128xf32>
      %swap3A_96 = arith.constant 0 : index
      %swap3A_97 = arith.constant 0 : index
      %swap3A_98 = vector.load %arg8[%swap3A_96, %swap3A_97] : memref<16x128xf32, #tpu.memory_space<vmem>>, vector<16x128xf32>
      tpu.vector_store %arg8[%swap3A_96, %swap3A_97], %broadcast_in_dim3A_95 {strides = array<i32>} : memref<16x128xf32, #tpu.memory_space<vmem>>, vector<16x128xf32>,
      %broadcast_in_dim3A_99 = arith.constant 0.000000e+00 : f32
      %broadcast_in_dim3A_100 = vector.broadcast %broadcast_in_dim3A_99 : f32 to vector<1x128xf32>
      %swap3A_101 = arith.constant 0 : index
      %swap3A_102 = arith.constant 0 : index
      %swap3A_103 = vector.load %arg9[%swap3A_101, %swap3A_102] : memref<1x128xf32, #tpu.memory_space<vmem>>, vector<1x128xf32>
      tpu.vector_store %arg9[%swap3A_101, %swap3A_102], %broadcast_in_dim3A_100 {strides = array<i32>} : memref<1x128xf32, #tpu.memory_space<vmem>>, vector<1x128xf32>,
      %broadcast_in_dim3A_104 = arith.constant 0.000000e+00 : f32
      %broadcast_in_dim3A_105 = vector.broadcast %broadcast_in_dim3A_104 : f32 to vector<1x128xf32>
      %swap3A_106 = arith.constant 0 : index
      %swap3A_107 = arith.constant 0 : index
      %swap3A_108 = vector.load %arg10[%swap3A_106, %swap3A_107] : memref<1x128xf32, #tpu.memory_space<vmem>>, vector<1x128xf32>
      tpu.vector_store %arg10[%swap3A_106, %swap3A_107], %broadcast_in_dim3A_105 {strides = array<i32>} : memref<1x128xf32, #tpu.memory_space<vmem>>, vector<1x128xf32>,
    } else {
    }
    %get3A = arith.constant 0 : index
    %get3A_2 = arith.constant 0 : index
    %get3A_3 = vector.load %arg1[%get3A, %get3A_2] : memref<3200x128xf32, #tpu.memory_space<vmem>>, vector<3200x128xf32>
    %get3A_4 = arith.constant 0 : index
    %get3A_5 = arith.constant 0 : index
    %get3A_6 = vector.load %arg2[%get3A_4, %get3A_5] : memref<3200x128xf32, #tpu.memory_space<vmem>>, vector<3200x128xf32>
    %get3A_7 = arith.constant 0 : index
    %get3A_8 = arith.constant 0 : index
    %get3A_9 = vector.load %arg3[%get3A_7, %get3A_8] : memref<3200x16xf32, #tpu.memory_space<vmem>>, vector<3200x16xf32>
    %get3A_10 = arith.constant 0 : index
    %get3A_11 = arith.constant 0 : index
    %get3A_12 = vector.load %arg4[%get3A_10, %get3A_11] : memref<128x128xf32, #tpu.memory_space<vmem>>, vector<128x128xf32>
    %transpose3A = tpu.transpose %get3A_6, [1, 0] : vector<3200x128xf32> -> vector<128x3200xf32>
    %dot_general3A = arith.constant dense<0.000000e+00> : vector<128x128xf32>
    %dot_general3A_13 = tpu.matmul %transpose3A, %get3A_3, %dot_general3A {dimension_numbers = #tpu.dot_dimension_numbers<[1], [0], [0], [1], [0, 0, 1, 1], [], []>, transpose_lhs_hint = false} : vector<128x3200xf32>, vector<3200x128xf32>, vector<128x128xf32> -> vector<128x128xf32>
    %add3A = arith.addf %get3A_12, %dot_general3A_13 : vector<128x128xf32>
    %swap3A = arith.constant 0 : index
    %swap3A_14 = arith.constant 0 : index
    %swap3A_15 = vector.load %arg4[%swap3A, %swap3A_14] : memref<128x128xf32, #tpu.memory_space<vmem>>, vector<128x128xf32>
    tpu.vector_store %arg4[%swap3A, %swap3A_14], %add3A {strides = array<i32>} : memref<128x128xf32, #tpu.memory_space<vmem>>, vector<128x128xf32>,
    %get3A_16 = arith.constant 0 : index
    %get3A_17 = arith.constant 0 : index
    %get3A_18 = vector.load %arg5[%get3A_16, %get3A_17] : memref<128x128xf32, #tpu.memory_space<vmem>>, vector<128x128xf32>
    %transpose3A_19 = tpu.transpose %get3A_3, [1, 0] : vector<3200x128xf32> -> vector<128x3200xf32>
    %dot_general3A_20 = arith.constant dense<0.000000e+00> : vector<128x128xf32>
    %dot_general3A_21 = tpu.matmul %transpose3A_19, %get3A_3, %dot_general3A_20 {dimension_numbers = #tpu.dot_dimension_numbers<[1], [0], [0], [1], [0, 0, 1, 1], [], []>, transpose_lhs_hint = false} : vector<128x3200xf32>, vector<3200x128xf32>, vector<128x128xf32> -> vector<128x128xf32>
    %add3A_22 = arith.addf %get3A_18, %dot_general3A_21 : vector<128x128xf32>
    %swap3A_23 = arith.constant 0 : index
    %swap3A_24 = arith.constant 0 : index
    %swap3A_25 = vector.load %arg5[%swap3A_23, %swap3A_24] : memref<128x128xf32, #tpu.memory_space<vmem>>, vector<128x128xf32>
    tpu.vector_store %arg5[%swap3A_23, %swap3A_24], %add3A_22 {strides = array<i32>} : memref<128x128xf32, #tpu.memory_space<vmem>>, vector<128x128xf32>,
    %get3A_26 = arith.constant 0 : index
    %get3A_27 = arith.constant 0 : index
    %get3A_28 = vector.load %arg6[%get3A_26, %get3A_27] : memref<128x128xf32, #tpu.memory_space<vmem>>, vector<128x128xf32>
    %transpose3A_29 = tpu.transpose %get3A_6, [1, 0] : vector<3200x128xf32> -> vector<128x3200xf32>
    %dot_general3A_30 = arith.constant dense<0.000000e+00> : vector<128x128xf32>
    %dot_general3A_31 = tpu.matmul %transpose3A_29, %get3A_6, %dot_general3A_30 {dimension_numbers = #tpu.dot_dimension_numbers<[1], [0], [0], [1], [0, 0, 1, 1], [], []>, transpose_lhs_hint = false} : vector<128x3200xf32>, vector<3200x128xf32>, vector<128x128xf32> -> vector<128x128xf32>
    %add3A_32 = arith.addf %get3A_28, %dot_general3A_31 : vector<128x128xf32>
    %swap3A_33 = arith.constant 0 : index
    %swap3A_34 = arith.constant 0 : index
    %swap3A_35 = vector.load %arg6[%swap3A_33, %swap3A_34] : memref<128x128xf32, #tpu.memory_space<vmem>>, vector<128x128xf32>
    tpu.vector_store %arg6[%swap3A_33, %swap3A_34], %add3A_32 {strides = array<i32>} : memref<128x128xf32, #tpu.memory_space<vmem>>, vector<128x128xf32>,
    %get3A_36 = arith.constant 0 : index
    %get3A_37 = arith.constant 0 : index
    %get3A_38 = vector.load %arg7[%get3A_36, %get3A_37] : memref<16x128xf32, #tpu.memory_space<vmem>>, vector<16x128xf32>
    %transpose3A_39 = tpu.transpose %get3A_9, [1, 0] : vector<3200x16xf32> -> vector<16x3200xf32>
    %dot_general3A_40 = arith.constant dense<0.000000e+00> : vector<16x128xf32>
    %dot_general3A_41 = tpu.matmul %transpose3A_39, %get3A_3, %dot_general3A_40 {dimension_numbers = #tpu.dot_dimension_numbers<[1], [0], [0], [1], [0, 0, 1, 1], [], []>, transpose_lhs_hint = false} : vector<16x3200xf32>, vector<3200x128xf32>, vector<16x128xf32> -> vector<16x128xf32>
    %add3A_42 = arith.addf %get3A_38, %dot_general3A_41 : vector<16x128xf32>
    %swap3A_43 = arith.constant 0 : index
    %swap3A_44 = arith.constant 0 : index
    %swap3A_45 = vector.load %arg7[%swap3A_43, %swap3A_44] : memref<16x128xf32, #tpu.memory_space<vmem>>, vector<16x128xf32>
    tpu.vector_store %arg7[%swap3A_43, %swap3A_44], %add3A_42 {strides = array<i32>} : memref<16x128xf32, #tpu.memory_space<vmem>>, vector<16x128xf32>,
    %get3A_46 = arith.constant 0 : index
    %get3A_47 = arith.constant 0 : index
    %get3A_48 = vector.load %arg8[%get3A_46, %get3A_47] : memref<16x128xf32, #tpu.memory_space<vmem>>, vector<16x128xf32>
    %transpose3A_49 = tpu.transpose %get3A_9, [1, 0] : vector<3200x16xf32> -> vector<16x3200xf32>
    %dot_general3A_50 = arith.constant dense<0.000000e+00> : vector<16x128xf32>
    %dot_general3A_51 = tpu.matmul %transpose3A_49, %get3A_6, %dot_general3A_50 {dimension_numbers = #tpu.dot_dimension_numbers<[1], [0], [0], [1], [0, 0, 1, 1], [], []>, transpose_lhs_hint = false} : vector<16x3200xf32>, vector<3200x128xf32>, vector<16x128xf32> -> vector<16x128xf32>
    %add3A_52 = arith.addf %get3A_48, %dot_general3A_51 : vector<16x128xf32>
    %swap3A_53 = arith.constant 0 : index
    %swap3A_54 = arith.constant 0 : index
    %swap3A_55 = vector.load %arg8[%swap3A_53, %swap3A_54] : memref<16x128xf32, #tpu.memory_space<vmem>>, vector<16x128xf32>
    tpu.vector_store %arg8[%swap3A_53, %swap3A_54], %add3A_52 {strides = array<i32>} : memref<16x128xf32, #tpu.memory_space<vmem>>, vector<16x128xf32>,
    %get3A_56 = arith.constant 0 : index
    %get3A_57 = arith.constant 0 : index
    %get3A_58 = vector.load %arg9[%get3A_56, %get3A_57] : memref<1x128xf32, #tpu.memory_space<vmem>>, vector<1x128xf32>
    %reduce_sum3A = arith.constant dense<0.000000e+00> : vector<128xf32>
    %reduce_sum3A_59 = vector.multi_reduction <add>, %get3A_3, %reduce_sum3A [0] : vector<3200x128xf32> to vector<128xf32>
    %broadcast_in_dim3A = vector.shape_cast %reduce_sum3A_59 : vector<128xf32> to vector<1x128xf32>
    %add3A_60 = arith.addf %get3A_58, %broadcast_in_dim3A : vector<1x128xf32>
    %swap3A_61 = arith.constant 0 : index
    %swap3A_62 = arith.constant 0 : index
    %swap3A_63 = vector.load %arg9[%swap3A_61, %swap3A_62] : memref<1x128xf32, #tpu.memory_space<vmem>>, vector<1x128xf32>
    tpu.vector_store %arg9[%swap3A_61, %swap3A_62], %add3A_60 {strides = array<i32>} : memref<1x128xf32, #tpu.memory_space<vmem>>, vector<1x128xf32>,
    %get3A_64 = arith.constant 0 : index
    %get3A_65 = arith.constant 0 : index
    %get3A_66 = vector.load %arg10[%get3A_64, %get3A_65] : memref<1x128xf32, #tpu.memory_space<vmem>>, vector<1x128xf32>
    %reduce_sum3A_67 = arith.constant dense<0.000000e+00> : vector<128xf32>
    %reduce_sum3A_68 = vector.multi_reduction <add>, %get3A_6, %reduce_sum3A_67 [0] : vector<3200x128xf32> to vector<128xf32>
    %broadcast_in_dim3A_69 = vector.shape_cast %reduce_sum3A_68 : vector<128xf32> to vector<1x128xf32>
    %add3A_70 = arith.addf %get3A_66, %broadcast_in_dim3A_69 : vector<1x128xf32>
    %swap3A_71 = arith.constant 0 : index
    %swap3A_72 = arith.constant 0 : index
    %swap3A_73 = vector.load %arg10[%swap3A_71, %swap3A_72] : memref<1x128xf32, #tpu.memory_space<vmem>>, vector<1x128xf32>
    tpu.vector_store %arg10[%swap3A_71, %swap3A_72], %add3A_70 {strides = array<i32>} : memref<1x128xf32, #tpu.memory_space<vmem>>, vector<1x128xf32>,
    return
  }
  func.func @transform_0(%arg0: i32) -> (i32, i32) {
    %c0_i32 = arith.constant 0 : i32
    %c0_i32_0 = arith.constant 0 : i32
    return %arg0, %c0_i32 : i32, i32
  }
  func.func @transform_1(%arg0: i32) -> (i32, i32) {
    %c0_i32 = arith.constant 0 : i32
    %c0_i32_0 = arith.constant 0 : i32
    return %arg0, %c0_i32 : i32, i32
  }
  func.func @transform_2(%arg0: i32) -> (i32, i32) {
    %c0_i32 = arith.constant 0 : i32
    %c0_i32_0 = arith.constant 0 : i32
    return %arg0, %c0_i32 : i32, i32
  }
  func.func @transform_3(%arg0: i32) -> (i32, i32) {
    %c0_i32 = arith.constant 0 : i32
    %c0_i32_0 = arith.constant 0 : i32
    %c0_i32_1 = arith.constant 0 : i32
    return %c0_i32, %c0_i32_0 : i32, i32
  }
  func.func @transform_4(%arg0: i32) -> (i32, i32) {
    %c0_i32 = arith.constant 0 : i32
    %c0_i32_0 = arith.constant 0 : i32
    %c0_i32_1 = arith.constant 0 : i32
    return %c0_i32, %c0_i32_0 : i32, i32
  }
  func.func @transform_5(%arg0: i32) -> (i32, i32) {
    %c0_i32 = arith.constant 0 : i32
    %c0_i32_0 = arith.constant 0 : i32
    %c0_i32_1 = arith.constant 0 : i32
    return %c0_i32, %c0_i32_0 : i32, i32
  }
  func.func @transform_6(%arg0: i32) -> (i32, i32) {
    %c0_i32 = arith.constant 0 : i32
    %c0_i32_0 = arith.constant 0 : i32
    %c0_i32_1 = arith.constant 0 : i32
    return %c0_i32, %c0_i32_0 : i32, i32
  }
  func.func @transform_7(%arg0: i32) -> (i32, i32) {
    %c0_i32 = arith.constant 0 : i32
    %c0_i32_0 = arith.constant 0 : i32
    %c0_i32_1 = arith.constant 0 : i32
    return %c0_i32, %c0_i32_0 : i32, i32
  }
  func.func @transform_8(%arg0: i32) -> (i32, i32) {
    %c0_i32 = arith.constant 0 : i32
    %c0_i32_0 = arith.constant 0 : i32
    %c0_i32_1 = arith.constant 0 : i32
    return %c0_i32, %c0_i32_0 : i32, i32
  }
  func.func @transform_9(%arg0: i32) -> (i32, i32) {
    %c0_i32 = arith.constant 0 : i32
    %c0_i32_0 = arith.constant 0 : i32
    %c0_i32_1 = arith.constant 0 : i32
    return %c0_i32, %c0_i32_0 : i32, i32
  }
}

module attributes {stable_mosaic.version = 14 : i64} {
  func.func @_stats_body(%arg0: memref<128x128xf32, #tpu.memory_space<vmem>>, %arg1: memref<128x128xf32, #tpu.memory_space<vmem>>, %arg2: memref<128x128xf32, #tpu.memory_space<vmem>>, %arg3: memref<16x128xf32, #tpu.memory_space<vmem>>, %arg4: memref<16x128xf32, #tpu.memory_space<vmem>>, %arg5: memref<1x128xf32, #tpu.memory_space<vmem>>, %arg6: memref<1x128xf32, #tpu.memory_space<vmem>>, %arg7: memref<16x16xf32, #tpu.memory_space<vmem>>, %arg8: memref<1x16xf32, #tpu.memory_space<vmem>>, %arg9: memref<272x256xf32, #tpu.memory_space<vmem>>, %arg10: memref<1x256xf32, #tpu.memory_space<vmem>>, %arg11: memref<1x256xf32, #tpu.memory_space<vmem>>, %arg12: memref<1x256xf32, #tpu.memory_space<vmem>>, %arg13: memref<128x256xf32, #tpu.memory_space<vmem>>, %arg14: memref<128x256xf32, #tpu.memory_space<vmem>>, %arg15: memref<16x256xf32, #tpu.memory_space<vmem>>, %arg16: memref<1x256xf32, #tpu.memory_space<vmem>>) attributes {dimension_semantics = [], scalar_prefetch = 0 : i64, scratch_operands = 0 : i64, tpu.core_type = #tpu.core_type<tc>} {
    %get3A = arith.constant 0 : index
    %get3A_0 = arith.constant 0 : index
    %get3A_1 = vector.load %arg9[%get3A, %get3A_0] : memref<272x256xf32, #tpu.memory_space<vmem>>, vector<128x256xf32>
    %get3A_2 = arith.constant 128 : index
    %get3A_3 = arith.constant 0 : index
    %get3A_4 = vector.load %arg9[%get3A_2, %get3A_3] : memref<272x256xf32, #tpu.memory_space<vmem>>, vector<128x256xf32>
    %get3A_5 = arith.constant 256 : index
    %get3A_6 = arith.constant 0 : index
    %get3A_7 = vector.load %arg9[%get3A_5, %get3A_6] : memref<272x256xf32, #tpu.memory_space<vmem>>, vector<16x256xf32>
    %get3A_8 = arith.constant 0 : index
    %get3A_9 = arith.constant 0 : index
    %get3A_10 = vector.load %arg10[%get3A_8, %get3A_9] : memref<1x256xf32, #tpu.memory_space<vmem>>, vector<1x256xf32>
    %get3A_11 = arith.constant 0 : index
    %get3A_12 = arith.constant 0 : index
    %get3A_13 = vector.load %arg5[%get3A_11, %get3A_12] : memref<1x128xf32, #tpu.memory_space<vmem>>, vector<1x128xf32>
    %dot_general3A = arith.constant dense<0.000000e+00> : vector<1x256xf32>
    %dot_general3A_14 = tpu.matmul %get3A_13, %get3A_1, %dot_general3A {dimension_numbers = #tpu.dot_dimension_numbers<[1], [0], [0], [1], [0, 0, 1, 1], [], []>, transpose_lhs_hint = false} : vector<1x128xf32>, vector<128x256xf32>, vector<1x256xf32> -> vector<1x256xf32>
    %get3A_15 = arith.constant 0 : index
    %get3A_16 = arith.constant 0 : index
    %get3A_17 = vector.load %arg6[%get3A_15, %get3A_16] : memref<1x128xf32, #tpu.memory_space<vmem>>, vector<1x128xf32>
    %dot_general3A_18 = arith.constant dense<0.000000e+00> : vector<1x256xf32>
    %dot_general3A_19 = tpu.matmul %get3A_17, %get3A_4, %dot_general3A_18 {dimension_numbers = #tpu.dot_dimension_numbers<[1], [0], [0], [1], [0, 0, 1, 1], [], []>, transpose_lhs_hint = false} : vector<1x128xf32>, vector<128x256xf32>, vector<1x256xf32> -> vector<1x256xf32>
    %mul3A = arith.constant 3.125000e-06 : f32
    %mul3A_20 = vector.broadcast %mul3A : f32 to vector<1x256xf32>
    %mul3A_21 = arith.mulf %dot_general3A_14, %mul3A_20 : vector<1x256xf32>
    %add3A = arith.addf %mul3A_21, %get3A_10 : vector<1x256xf32>
    %mul3A_22 = arith.constant 3.125000e-06 : f32
    %mul3A_23 = vector.broadcast %mul3A_22 : f32 to vector<1x256xf32>
    %mul3A_24 = arith.mulf %dot_general3A_19, %mul3A_23 : vector<1x256xf32>
    %get3A_25 = arith.constant 0 : index
    %get3A_26 = arith.constant 0 : index
    %get3A_27 = vector.load %arg8[%get3A_25, %get3A_26] : memref<1x16xf32, #tpu.memory_space<vmem>>, vector<1x16xf32>
    %dot_general3A_28 = arith.constant dense<0.000000e+00> : vector<1x256xf32>
    %dot_general3A_29 = tpu.matmul %get3A_27, %get3A_7, %dot_general3A_28 {dimension_numbers = #tpu.dot_dimension_numbers<[1], [0], [0], [1], [0, 0, 1, 1], [], []>, transpose_lhs_hint = false} : vector<1x16xf32>, vector<16x256xf32>, vector<1x256xf32> -> vector<1x256xf32>
    %mul3A_30 = arith.constant 3.125000e-06 : f32
    %mul3A_31 = vector.broadcast %mul3A_30 : f32 to vector<1x256xf32>
    %mul3A_32 = arith.mulf %dot_general3A_29, %mul3A_31 : vector<1x256xf32>
    %add3A_33 = arith.addf %add3A, %mul3A_24 : vector<1x256xf32>
    %add3A_34 = arith.addf %add3A_33, %mul3A_32 : vector<1x256xf32>
    %get3A_35 = arith.constant 0 : index
    %get3A_36 = arith.constant 0 : index
    %get3A_37 = vector.load %arg1[%get3A_35, %get3A_36] : memref<128x128xf32, #tpu.memory_space<vmem>>, vector<128x128xf32>
    %dot_general3A_38 = arith.constant dense<0.000000e+00> : vector<128x256xf32>
    %dot_general3A_39 = tpu.matmul %get3A_37, %get3A_1, %dot_general3A_38 {dimension_numbers = #tpu.dot_dimension_numbers<[1], [0], [0], [1], [0, 0, 1, 1], [], []>, transpose_lhs_hint = false} : vector<128x128xf32>, vector<128x256xf32>, vector<128x256xf32> -> vector<128x256xf32>
    %mul3A_40 = arith.mulf %dot_general3A_39, %get3A_1 : vector<128x256xf32>
    %reduce_sum3A = arith.constant dense<0.000000e+00> : vector<256xf32>
    %reduce_sum3A_41 = vector.multi_reduction <add>, %mul3A_40, %reduce_sum3A [0] : vector<128x256xf32> to vector<256xf32>
    %broadcast_in_dim3A = vector.shape_cast %reduce_sum3A_41 : vector<256xf32> to vector<1x256xf32>
    %mul3A_42 = arith.constant 3.125000e-06 : f32
    %mul3A_43 = vector.broadcast %mul3A_42 : f32 to vector<1x256xf32>
    %mul3A_44 = arith.mulf %broadcast_in_dim3A, %mul3A_43 : vector<1x256xf32>
    %mul3A_45 = arith.constant 2.000000e+00 : f32
    %mul3A_46 = vector.broadcast %mul3A_45 : f32 to vector<1x256xf32>
    %mul3A_47 = arith.mulf %mul3A_46, %get3A_10 : vector<1x256xf32>
    %mul3A_48 = arith.mulf %mul3A_47, %dot_general3A_14 : vector<1x256xf32>
    %mul3A_49 = arith.constant 3.125000e-06 : f32
    %mul3A_50 = vector.broadcast %mul3A_49 : f32 to vector<1x256xf32>
    %mul3A_51 = arith.mulf %mul3A_48, %mul3A_50 : vector<1x256xf32>
    %add3A_52 = arith.addf %mul3A_44, %mul3A_51 : vector<1x256xf32>
    %mul3A_53 = arith.mulf %get3A_10, %get3A_10 : vector<1x256xf32>
    %add3A_54 = arith.addf %add3A_52, %mul3A_53 : vector<1x256xf32>
    %get3A_55 = arith.constant 0 : index
    %get3A_56 = arith.constant 0 : index
    %get3A_57 = vector.load %arg2[%get3A_55, %get3A_56] : memref<128x128xf32, #tpu.memory_space<vmem>>, vector<128x128xf32>
    %dot_general3A_58 = arith.constant dense<0.000000e+00> : vector<128x256xf32>
    %dot_general3A_59 = tpu.matmul %get3A_57, %get3A_4, %dot_general3A_58 {dimension_numbers = #tpu.dot_dimension_numbers<[1], [0], [0], [1], [0, 0, 1, 1], [], []>, transpose_lhs_hint = false} : vector<128x128xf32>, vector<128x256xf32>, vector<128x256xf32> -> vector<128x256xf32>
    %mul3A_60 = arith.mulf %dot_general3A_59, %get3A_4 : vector<128x256xf32>
    %reduce_sum3A_61 = arith.constant dense<0.000000e+00> : vector<256xf32>
    %reduce_sum3A_62 = vector.multi_reduction <add>, %mul3A_60, %reduce_sum3A_61 [0] : vector<128x256xf32> to vector<256xf32>
    %broadcast_in_dim3A_63 = vector.shape_cast %reduce_sum3A_62 : vector<256xf32> to vector<1x256xf32>
    %mul3A_64 = arith.constant 3.125000e-06 : f32
    %mul3A_65 = vector.broadcast %mul3A_64 : f32 to vector<1x256xf32>
    %mul3A_66 = arith.mulf %broadcast_in_dim3A_63, %mul3A_65 : vector<1x256xf32>
    %get3A_67 = arith.constant 0 : index
    %get3A_68 = arith.constant 0 : index
    %get3A_69 = vector.load %arg7[%get3A_67, %get3A_68] : memref<16x16xf32, #tpu.memory_space<vmem>>, vector<16x16xf32>
    %dot_general3A_70 = arith.constant dense<0.000000e+00> : vector<16x256xf32>
    %dot_general3A_71 = tpu.matmul %get3A_69, %get3A_7, %dot_general3A_70 {dimension_numbers = #tpu.dot_dimension_numbers<[1], [0], [0], [1], [0, 0, 1, 1], [], []>, transpose_lhs_hint = false} : vector<16x16xf32>, vector<16x256xf32>, vector<16x256xf32> -> vector<16x256xf32>
    %mul3A_72 = arith.mulf %get3A_7, %dot_general3A_71 : vector<16x256xf32>
    %reduce_sum3A_73 = arith.constant dense<0.000000e+00> : vector<256xf32>
    %reduce_sum3A_74 = vector.multi_reduction <add>, %mul3A_72, %reduce_sum3A_73 [0] : vector<16x256xf32> to vector<256xf32>
    %broadcast_in_dim3A_75 = vector.shape_cast %reduce_sum3A_74 : vector<256xf32> to vector<1x256xf32>
    %mul3A_76 = arith.constant 3.125000e-06 : f32
    %mul3A_77 = vector.broadcast %mul3A_76 : f32 to vector<1x256xf32>
    %mul3A_78 = arith.mulf %broadcast_in_dim3A_75, %mul3A_77 : vector<1x256xf32>
    %get3A_79 = arith.constant 0 : index
    %get3A_80 = arith.constant 0 : index
    %get3A_81 = vector.load %arg0[%get3A_79, %get3A_80] : memref<128x128xf32, #tpu.memory_space<vmem>>, vector<128x128xf32>
    %dot_general3A_82 = arith.constant dense<0.000000e+00> : vector<128x256xf32>
    %dot_general3A_83 = tpu.matmul %get3A_81, %get3A_1, %dot_general3A_82 {dimension_numbers = #tpu.dot_dimension_numbers<[1], [0], [0], [1], [0, 0, 1, 1], [], []>, transpose_lhs_hint = false} : vector<128x128xf32>, vector<128x256xf32>, vector<128x256xf32> -> vector<128x256xf32>
    %mul3A_84 = arith.mulf %dot_general3A_83, %get3A_4 : vector<128x256xf32>
    %reduce_sum3A_85 = arith.constant dense<0.000000e+00> : vector<256xf32>
    %reduce_sum3A_86 = vector.multi_reduction <add>, %mul3A_84, %reduce_sum3A_85 [0] : vector<128x256xf32> to vector<256xf32>
    %broadcast_in_dim3A_87 = vector.shape_cast %reduce_sum3A_86 : vector<256xf32> to vector<1x256xf32>
    %mul3A_88 = arith.constant 3.125000e-06 : f32
    %mul3A_89 = vector.broadcast %mul3A_88 : f32 to vector<1x256xf32>
    %mul3A_90 = arith.mulf %broadcast_in_dim3A_87, %mul3A_89 : vector<1x256xf32>
    %mul3A_91 = arith.mulf %get3A_10, %mul3A_24 : vector<1x256xf32>
    %add3A_92 = arith.addf %mul3A_90, %mul3A_91 : vector<1x256xf32>
    %get3A_93 = arith.constant 0 : index
    %get3A_94 = arith.constant 0 : index
    %get3A_95 = vector.load %arg3[%get3A_93, %get3A_94] : memref<16x128xf32, #tpu.memory_space<vmem>>, vector<16x128xf32>
    %dot_general3A_96 = arith.constant dense<0.000000e+00> : vector<16x256xf32>
    %dot_general3A_97 = tpu.matmul %get3A_95, %get3A_1, %dot_general3A_96 {dimension_numbers = #tpu.dot_dimension_numbers<[1], [0], [0], [1], [0, 0, 1, 1], [], []>, transpose_lhs_hint = false} : vector<16x128xf32>, vector<128x256xf32>, vector<16x256xf32> -> vector<16x256xf32>
    %mul3A_98 = arith.mulf %dot_general3A_97, %get3A_7 : vector<16x256xf32>
    %reduce_sum3A_99 = arith.constant dense<0.000000e+00> : vector<256xf32>
    %reduce_sum3A_100 = vector.multi_reduction <add>, %mul3A_98, %reduce_sum3A_99 [0] : vector<16x256xf32> to vector<256xf32>
    %broadcast_in_dim3A_101 = vector.shape_cast %reduce_sum3A_100 : vector<256xf32> to vector<1x256xf32>
    %mul3A_102 = arith.constant 3.125000e-06 : f32
    %mul3A_103 = vector.broadcast %mul3A_102 : f32 to vector<1x256xf32>
    %mul3A_104 = arith.mulf %broadcast_in_dim3A_101, %mul3A_103 : vector<1x256xf32>
    %mul3A_105 = arith.mulf %get3A_10, %mul3A_32 : vector<1x256xf32>
    %add3A_106 = arith.addf %mul3A_104, %mul3A_105 : vector<1x256xf32>
    %get3A_107 = arith.constant 0 : index
    %get3A_108 = arith.constant 0 : index
    %get3A_109 = vector.load %arg4[%get3A_107, %get3A_108] : memref<16x128xf32, #tpu.memory_space<vmem>>, vector<16x128xf32>
    %dot_general3A_110 = arith.constant dense<0.000000e+00> : vector<16x256xf32>
    %dot_general3A_111 = tpu.matmul %get3A_109, %get3A_4, %dot_general3A_110 {dimension_numbers = #tpu.dot_dimension_numbers<[1], [0], [0], [1], [0, 0, 1, 1], [], []>, transpose_lhs_hint = false} : vector<16x128xf32>, vector<128x256xf32>, vector<16x256xf32> -> vector<16x256xf32>
    %mul3A_112 = arith.mulf %dot_general3A_111, %get3A_7 : vector<16x256xf32>
    %reduce_sum3A_113 = arith.constant dense<0.000000e+00> : vector<256xf32>
    %reduce_sum3A_114 = vector.multi_reduction <add>, %mul3A_112, %reduce_sum3A_113 [0] : vector<16x256xf32> to vector<256xf32>
    %broadcast_in_dim3A_115 = vector.shape_cast %reduce_sum3A_114 : vector<256xf32> to vector<1x256xf32>
    %mul3A_116 = arith.constant 3.125000e-06 : f32
    %mul3A_117 = vector.broadcast %mul3A_116 : f32 to vector<1x256xf32>
    %mul3A_118 = arith.mulf %broadcast_in_dim3A_115, %mul3A_117 : vector<1x256xf32>
    %add3A_119 = arith.addf %add3A_54, %mul3A_66 : vector<1x256xf32>
    %add3A_120 = arith.addf %add3A_119, %mul3A_78 : vector<1x256xf32>
    %add3A_121 = arith.addf %add3A_92, %add3A_106 : vector<1x256xf32>
    %add3A_122 = arith.addf %add3A_121, %mul3A_118 : vector<1x256xf32>
    %mul3A_123 = arith.constant 2.000000e+00 : f32
    %mul3A_124 = vector.broadcast %mul3A_123 : f32 to vector<1x256xf32>
    %mul3A_125 = arith.mulf %mul3A_124, %add3A_122 : vector<1x256xf32>
    %add3A_126 = arith.addf %add3A_120, %mul3A_125 : vector<1x256xf32>
    %mul3A_127 = arith.mulf %add3A_34, %add3A_34 : vector<1x256xf32>
    %sub3A = arith.subf %add3A_126, %mul3A_127 : vector<1x256xf32>
    %get3A_128 = arith.constant 0 : index
    %get3A_129 = arith.constant 0 : index
    %get3A_130 = vector.load %arg11[%get3A_128, %get3A_129] : memref<1x256xf32, #tpu.memory_space<vmem>>, vector<1x256xf32>
    %add3A_131 = arith.constant 9.99999974E-6 : f32
    %add3A_132 = vector.broadcast %add3A_131 : f32 to vector<1x256xf32>
    %add3A_133 = arith.addf %sub3A, %add3A_132 : vector<1x256xf32>
    %sqrt3A = math.sqrt %add3A_133 : vector<1x256xf32>
    %div3A = arith.divf %get3A_130, %sqrt3A : vector<1x256xf32>
    %get3A_134 = arith.constant 0 : index
    %get3A_135 = arith.constant 0 : index
    %get3A_136 = vector.load %arg12[%get3A_134, %get3A_135] : memref<1x256xf32, #tpu.memory_space<vmem>>, vector<1x256xf32>
    %mul3A_137 = arith.mulf %add3A_34, %div3A : vector<1x256xf32>
    %sub3A_138 = arith.subf %get3A_136, %mul3A_137 : vector<1x256xf32>
    %mul3A_139 = vector.broadcast %div3A : vector<1x256xf32> to vector<128x256xf32>
    %mul3A_140 = arith.mulf %get3A_1, %mul3A_139 : vector<128x256xf32>
    %swap3A = arith.constant 0 : index
    %swap3A_141 = arith.constant 0 : index
    %swap3A_142 = vector.load %arg13[%swap3A, %swap3A_141] : memref<128x256xf32, #tpu.memory_space<vmem>>, vector<128x256xf32>
    tpu.vector_store %arg13[%swap3A, %swap3A_141], %mul3A_140 {strides = array<i32>} : memref<128x256xf32, #tpu.memory_space<vmem>>, vector<128x256xf32>,
    %mul3A_143 = vector.broadcast %div3A : vector<1x256xf32> to vector<128x256xf32>
    %mul3A_144 = arith.mulf %get3A_4, %mul3A_143 : vector<128x256xf32>
    %swap3A_145 = arith.constant 0 : index
    %swap3A_146 = arith.constant 0 : index
    %swap3A_147 = vector.load %arg14[%swap3A_145, %swap3A_146] : memref<128x256xf32, #tpu.memory_space<vmem>>, vector<128x256xf32>
    tpu.vector_store %arg14[%swap3A_145, %swap3A_146], %mul3A_144 {strides = array<i32>} : memref<128x256xf32, #tpu.memory_space<vmem>>, vector<128x256xf32>,
    %mul3A_148 = vector.broadcast %div3A : vector<1x256xf32> to vector<16x256xf32>
    %mul3A_149 = arith.mulf %get3A_7, %mul3A_148 : vector<16x256xf32>
    %swap3A_150 = arith.constant 0 : index
    %swap3A_151 = arith.constant 0 : index
    %swap3A_152 = vector.load %arg15[%swap3A_150, %swap3A_151] : memref<16x256xf32, #tpu.memory_space<vmem>>, vector<16x256xf32>
    tpu.vector_store %arg15[%swap3A_150, %swap3A_151], %mul3A_149 {strides = array<i32>} : memref<16x256xf32, #tpu.memory_space<vmem>>, vector<16x256xf32>,
    %mul3A_153 = arith.mulf %get3A_10, %div3A : vector<1x256xf32>
    %add3A_154 = arith.addf %sub3A_138, %mul3A_153 : vector<1x256xf32>
    %swap3A_155 = arith.constant 0 : index
    %swap3A_156 = arith.constant 0 : index
    %swap3A_157 = vector.load %arg16[%swap3A_155, %swap3A_156] : memref<1x256xf32, #tpu.memory_space<vmem>>, vector<1x256xf32>
    tpu.vector_store %arg16[%swap3A_155, %swap3A_156], %add3A_154 {strides = array<i32>} : memref<1x256xf32, #tpu.memory_space<vmem>>, vector<1x256xf32>,
    return
  }
}

module attributes {stable_mosaic.version = 14 : i64} {
  func.func @_edge_body(%arg0: i32, %arg1: memref<128x256xf32, #tpu.memory_space<vmem>>, %arg2: memref<128x256xf32, #tpu.memory_space<vmem>>, %arg3: memref<16x256xf32, #tpu.memory_space<vmem>>, %arg4: memref<1x256xf32, #tpu.memory_space<vmem>>, %arg5: memref<3200x128xf32, #tpu.memory_space<vmem>>, %arg6: memref<3200x128xf32, #tpu.memory_space<vmem>>, %arg7: memref<3200x16xf32, #tpu.memory_space<vmem>>, %arg8: memref<3200x128xf32, #tpu.memory_space<vmem>>) attributes {dimension_semantics = [#tpu.dimension_semantics<arbitrary>], iteration_bounds = array<i64: 100>, scalar_prefetch = 0 : i64, scratch_operands = 0 : i64, tpu.core_type = #tpu.core_type<tc>, window_params = [{pipeline_mode = #tpu.pipeline_mode<synchronous>, transform_indices = @transform_0, window_bounds = array<i64: 128, 256>}, {pipeline_mode = #tpu.pipeline_mode<synchronous>, transform_indices = @transform_1, window_bounds = array<i64: 128, 256>}, {pipeline_mode = #tpu.pipeline_mode<synchronous>, transform_indices = @transform_2, window_bounds = array<i64: 16, 256>}, {pipeline_mode = #tpu.pipeline_mode<synchronous>, transform_indices = @transform_3, window_bounds = array<i64: 1, 256>}, {transform_indices = @transform_4, window_bounds = array<i64: 3200, 128>}, {transform_indices = @transform_5, window_bounds = array<i64: 3200, 128>}, {transform_indices = @transform_6, window_bounds = array<i64: 3200, 16>}, {transform_indices = @transform_7, window_bounds = array<i64: 3200, 128>}]} {
    %get3A = arith.constant 0 : index
    %get3A_0 = arith.constant 0 : index
    %get3A_1 = vector.load %arg5[%get3A, %get3A_0] : memref<3200x128xf32, #tpu.memory_space<vmem>>, vector<3200x128xf32>
    %get3A_2 = arith.constant 0 : index
    %get3A_3 = arith.constant 0 : index
    %get3A_4 = vector.load %arg1[%get3A_2, %get3A_3] : memref<128x256xf32, #tpu.memory_space<vmem>>, vector<128x256xf32>
    %dot_general3A = arith.constant dense<0.000000e+00> : vector<3200x256xf32>
    %dot_general3A_5 = tpu.matmul %get3A_1, %get3A_4, %dot_general3A {dimension_numbers = #tpu.dot_dimension_numbers<[1], [0], [0], [1], [0, 0, 1, 1], [], []>, transpose_lhs_hint = false} : vector<3200x128xf32>, vector<128x256xf32>, vector<3200x256xf32> -> vector<3200x256xf32>
    %get3A_6 = arith.constant 0 : index
    %get3A_7 = arith.constant 0 : index
    %get3A_8 = vector.load %arg6[%get3A_6, %get3A_7] : memref<3200x128xf32, #tpu.memory_space<vmem>>, vector<3200x128xf32>
    %get3A_9 = arith.constant 0 : index
    %get3A_10 = arith.constant 0 : index
    %get3A_11 = vector.load %arg2[%get3A_9, %get3A_10] : memref<128x256xf32, #tpu.memory_space<vmem>>, vector<128x256xf32>
    %dot_general3A_12 = arith.constant dense<0.000000e+00> : vector<3200x256xf32>
    %dot_general3A_13 = tpu.matmul %get3A_8, %get3A_11, %dot_general3A_12 {dimension_numbers = #tpu.dot_dimension_numbers<[1], [0], [0], [1], [0, 0, 1, 1], [], []>, transpose_lhs_hint = false} : vector<3200x128xf32>, vector<128x256xf32>, vector<3200x256xf32> -> vector<3200x256xf32>
    %add3A = arith.addf %dot_general3A_5, %dot_general3A_13 : vector<3200x256xf32>
    %get3A_14 = arith.constant 0 : index
    %get3A_15 = arith.constant 0 : index
    %get3A_16 = vector.load %arg7[%get3A_14, %get3A_15] : memref<3200x16xf32, #tpu.memory_space<vmem>>, vector<3200x16xf32>
    %get3A_17 = arith.constant 0 : index
    %get3A_18 = arith.constant 0 : index
    %get3A_19 = vector.load %arg3[%get3A_17, %get3A_18] : memref<16x256xf32, #tpu.memory_space<vmem>>, vector<16x256xf32>
    %dot_general3A_20 = arith.constant dense<0.000000e+00> : vector<3200x256xf32>
    %dot_general3A_21 = tpu.matmul %get3A_16, %get3A_19, %dot_general3A_20 {dimension_numbers = #tpu.dot_dimension_numbers<[1], [0], [0], [1], [0, 0, 1, 1], [], []>, transpose_lhs_hint = false} : vector<3200x16xf32>, vector<16x256xf32>, vector<3200x256xf32> -> vector<3200x256xf32>
    %add3A_22 = arith.addf %add3A, %dot_general3A_21 : vector<3200x256xf32>
    %get3A_23 = arith.constant 0 : index
    %get3A_24 = arith.constant 0 : index
    %get3A_25 = vector.load %arg4[%get3A_23, %get3A_24] : memref<1x256xf32, #tpu.memory_space<vmem>>, vector<1x256xf32>
    %add3A_26 = vector.broadcast %get3A_25 : vector<1x256xf32> to vector<3200x256xf32>
    %add3A_27 = arith.addf %add3A_22, %add3A_26 : vector<3200x256xf32>
    %slice3A = vector.extract_strided_slice %add3A_27 {offsets = [0, 0], sizes = [3200, 128], strides = [1, 1]} : vector<3200x256xf32> to vector<3200x128xf32>
    %neg3A = arith.constant 0.000000e+00 : f32
    %neg3A_28 = vector.broadcast %neg3A : f32 to vector<3200x128xf32>
    %neg3A_29 = arith.subf %neg3A_28, %slice3A : vector<3200x128xf32>
    %exp3A = math.exp %neg3A_29 : vector<3200x128xf32>
    %add3A_30 = arith.constant 1.000000e+00 : f32
    %add3A_31 = vector.broadcast %add3A_30 : f32 to vector<3200x128xf32>
    %add3A_32 = arith.addf %add3A_31, %exp3A : vector<3200x128xf32>
    %div3A = arith.constant 1.000000e+00 : f32
    %div3A_33 = vector.broadcast %div3A : f32 to vector<3200x128xf32>
    %div3A_34 = arith.divf %div3A_33, %add3A_32 : vector<3200x128xf32>
    %slice3A_35 = vector.extract_strided_slice %add3A_27 {offsets = [0, 128], sizes = [3200, 128], strides = [1, 1]} : vector<3200x256xf32> to vector<3200x128xf32>
    %max3A = arith.constant 0.000000e+00 : f32
    %max3A_36 = vector.broadcast %max3A : f32 to vector<3200x128xf32>
    %max3A_37 = arith.maximumf %slice3A_35, %max3A_36 : vector<3200x128xf32>
    %abs3A = math.absf %slice3A_35 : vector<3200x128xf32>
    %neg3A_38 = arith.constant 0.000000e+00 : f32
    %neg3A_39 = vector.broadcast %neg3A_38 : f32 to vector<3200x128xf32>
    %neg3A_40 = arith.subf %neg3A_39, %abs3A : vector<3200x128xf32>
    %exp3A_41 = math.exp %neg3A_40 : vector<3200x128xf32>
    %log1p3A = math.log1p %exp3A_41 : vector<3200x128xf32>
    %add3A_42 = arith.addf %max3A_37, %log1p3A : vector<3200x128xf32>
    %mul3A = arith.mulf %div3A_34, %add3A_42 : vector<3200x128xf32>
    %swap3A = arith.constant 0 : index
    %swap3A_43 = arith.constant 0 : index
    %swap3A_44 = vector.load %arg8[%swap3A, %swap3A_43] : memref<3200x128xf32, #tpu.memory_space<vmem>>, vector<3200x128xf32>
    tpu.vector_store %arg8[%swap3A, %swap3A_43], %mul3A {strides = array<i32>} : memref<3200x128xf32, #tpu.memory_space<vmem>>, vector<3200x128xf32>,
    return
  }
  func.func @transform_0(%arg0: i32) -> (i32, i32) {
    %c0_i32 = arith.constant 0 : i32
    %c0_i32_0 = arith.constant 0 : i32
    %c0_i32_1 = arith.constant 0 : i32
    return %c0_i32, %c0_i32_0 : i32, i32
  }
  func.func @transform_1(%arg0: i32) -> (i32, i32) {
    %c0_i32 = arith.constant 0 : i32
    %c0_i32_0 = arith.constant 0 : i32
    %c0_i32_1 = arith.constant 0 : i32
    return %c0_i32, %c0_i32_0 : i32, i32
  }
  func.func @transform_2(%arg0: i32) -> (i32, i32) {
    %c0_i32 = arith.constant 0 : i32
    %c0_i32_0 = arith.constant 0 : i32
    %c0_i32_1 = arith.constant 0 : i32
    return %c0_i32, %c0_i32_0 : i32, i32
  }
  func.func @transform_3(%arg0: i32) -> (i32, i32) {
    %c0_i32 = arith.constant 0 : i32
    %c0_i32_0 = arith.constant 0 : i32
    %c0_i32_1 = arith.constant 0 : i32
    return %c0_i32, %c0_i32_0 : i32, i32
  }
  func.func @transform_4(%arg0: i32) -> (i32, i32) {
    %c0_i32 = arith.constant 0 : i32
    %c0_i32_0 = arith.constant 0 : i32
    return %arg0, %c0_i32 : i32, i32
  }
  func.func @transform_5(%arg0: i32) -> (i32, i32) {
    %c0_i32 = arith.constant 0 : i32
    %c0_i32_0 = arith.constant 0 : i32
    return %arg0, %c0_i32 : i32, i32
  }
  func.func @transform_6(%arg0: i32) -> (i32, i32) {
    %c0_i32 = arith.constant 0 : i32
    %c0_i32_0 = arith.constant 0 : i32
    return %arg0, %c0_i32 : i32, i32
  }
  func.func @transform_7(%arg0: i32) -> (i32, i32) {
    %c0_i32 = arith.constant 0 : i32
    %c0_i32_0 = arith.constant 0 : i32
    return %arg0, %c0_i32 : i32, i32
  }
}

module attributes {stable_mosaic.version = 14 : i64} {
  func.func @_bn2_body(%arg0: memref<10000x128xf32, #tpu.memory_space<vmem>>, %arg1: memref<10000x1xf32, #tpu.memory_space<vmem>>, %arg2: memref<10000x128xf32, #tpu.memory_space<vmem>>, %arg3: memref<1x128xf32, #tpu.memory_space<vmem>>, %arg4: memref<1x128xf32, #tpu.memory_space<vmem>>, %arg5: memref<10000x128xf32, #tpu.memory_space<vmem>>) attributes {dimension_semantics = [], scalar_prefetch = 0 : i64, scratch_operands = 0 : i64, tpu.core_type = #tpu.core_type<tc>} {
    %get3A = arith.constant 0 : index
    %get3A_0 = arith.constant 0 : index
    %get3A_1 = vector.load %arg0[%get3A, %get3A_0] : memref<10000x128xf32, #tpu.memory_space<vmem>>, vector<10000x128xf32>
    %get3A_2 = arith.constant 0 : index
    %get3A_3 = arith.constant 0 : index
    %get3A_4 = vector.load %arg1[%get3A_2, %get3A_3] : memref<10000x1xf32, #tpu.memory_space<vmem>>, vector<10000x1xf32>
    %max3A = arith.constant 1.000000e+00 : f32
    %max3A_5 = vector.broadcast %max3A : f32 to vector<10000x1xf32>
    %max3A_6 = arith.maximumf %get3A_4, %max3A_5 : vector<10000x1xf32>
    %div3A = vector.broadcast %max3A_6 : vector<10000x1xf32> to vector<10000x128xf32>
    %div3A_7 = arith.divf %get3A_1, %div3A : vector<10000x128xf32>
    %reduce_sum3A = arith.constant dense<0.000000e+00> : vector<128xf32>
    %reduce_sum3A_8 = vector.multi_reduction <add>, %div3A_7, %reduce_sum3A [0] : vector<10000x128xf32> to vector<128xf32>
    %broadcast_in_dim3A = vector.shape_cast %reduce_sum3A_8 : vector<128xf32> to vector<1x128xf32>
    %div3A_9 = arith.constant 1.000000e+04 : f32
    %div3A_10 = vector.broadcast %div3A_9 : f32 to vector<1x128xf32>
    %div3A_11 = arith.divf %broadcast_in_dim3A, %div3A_10 : vector<1x128xf32>
    %sub3A = vector.broadcast %div3A_11 : vector<1x128xf32> to vector<10000x128xf32>
    %sub3A_12 = arith.subf %div3A_7, %sub3A : vector<10000x128xf32>
    %integer_pow3A = arith.mulf %sub3A_12, %sub3A_12 : vector<10000x128xf32>
    %reduce_sum3A_13 = arith.constant dense<0.000000e+00> : vector<128xf32>
    %reduce_sum3A_14 = vector.multi_reduction <add>, %integer_pow3A, %reduce_sum3A_13 [0] : vector<10000x128xf32> to vector<128xf32>
    %broadcast_in_dim3A_15 = vector.shape_cast %reduce_sum3A_14 : vector<128xf32> to vector<1x128xf32>
    %div3A_16 = arith.constant 1.000000e+04 : f32
    %div3A_17 = vector.broadcast %div3A_16 : f32 to vector<1x128xf32>
    %div3A_18 = arith.divf %broadcast_in_dim3A_15, %div3A_17 : vector<1x128xf32>
    %get3A_19 = arith.constant 0 : index
    %get3A_20 = arith.constant 0 : index
    %get3A_21 = vector.load %arg3[%get3A_19, %get3A_20] : memref<1x128xf32, #tpu.memory_space<vmem>>, vector<1x128xf32>
    %sub3A_22 = vector.broadcast %div3A_11 : vector<1x128xf32> to vector<10000x128xf32>
    %sub3A_23 = arith.subf %div3A_7, %sub3A_22 : vector<10000x128xf32>
    %mul3A = vector.broadcast %get3A_21 : vector<1x128xf32> to vector<10000x128xf32>
    %mul3A_24 = arith.mulf %mul3A, %sub3A_23 : vector<10000x128xf32>
    %add3A = arith.constant 9.99999974E-6 : f32
    %add3A_25 = vector.broadcast %add3A : f32 to vector<1x128xf32>
    %add3A_26 = arith.addf %div3A_18, %add3A_25 : vector<1x128xf32>
    %sqrt3A = math.sqrt %add3A_26 : vector<1x128xf32>
    %div3A_27 = vector.broadcast %sqrt3A : vector<1x128xf32> to vector<10000x128xf32>
    %div3A_28 = arith.divf %mul3A_24, %div3A_27 : vector<10000x128xf32>
    %get3A_29 = arith.constant 0 : index
    %get3A_30 = arith.constant 0 : index
    %get3A_31 = vector.load %arg4[%get3A_29, %get3A_30] : memref<1x128xf32, #tpu.memory_space<vmem>>, vector<1x128xf32>
    %add3A_32 = vector.broadcast %get3A_31 : vector<1x128xf32> to vector<10000x128xf32>
    %add3A_33 = arith.addf %div3A_28, %add3A_32 : vector<10000x128xf32>
    %get3A_34 = arith.constant 0 : index
    %get3A_35 = arith.constant 0 : index
    %get3A_36 = vector.load %arg2[%get3A_34, %get3A_35] : memref<10000x128xf32, #tpu.memory_space<vmem>>, vector<10000x128xf32>
    %add3A_37 = arith.addf %get3A_36, %add3A_33 : vector<10000x128xf32>
    %max3A_38 = arith.constant 0.000000e+00 : f32
    %max3A_39 = vector.broadcast %max3A_38 : f32 to vector<10000x128xf32>
    %max3A_40 = arith.maximumf %add3A_37, %max3A_39 : vector<10000x128xf32>
    %abs3A = math.absf %add3A_37 : vector<10000x128xf32>
    %neg3A = arith.constant 0.000000e+00 : f32
    %neg3A_41 = vector.broadcast %neg3A : f32 to vector<10000x128xf32>
    %neg3A_42 = arith.subf %neg3A_41, %abs3A : vector<10000x128xf32>
    %exp3A = math.exp %neg3A_42 : vector<10000x128xf32>
    %log1p3A = math.log1p %exp3A : vector<10000x128xf32>
    %add3A_43 = arith.addf %max3A_40, %log1p3A : vector<10000x128xf32>
    %swap3A = arith.constant 0 : index
    %swap3A_44 = arith.constant 0 : index
    %swap3A_45 = vector.load %arg5[%swap3A, %swap3A_44] : memref<10000x128xf32, #tpu.memory_space<vmem>>, vector<10000x128xf32>
    tpu.vector_store %arg5[%swap3A, %swap3A_44], %add3A_43 {strides = array<i32>} : memref<10000x128xf32, #tpu.memory_space<vmem>>, vector<10000x128xf32>,
    return
  }
}

module attributes {stable_mosaic.version = 14 : i64} {
  func.func @_final_body(%arg0: memref<10000x128xf32, #tpu.memory_space<vmem>>, %arg1: memref<10000x1xi32, #tpu.memory_space<vmem>>, %arg2: memref<128x128xf32, #tpu.memory_space<vmem>>, %arg3: memref<1x128xf32, #tpu.memory_space<vmem>>, %arg4: memref<128x2xf32, #tpu.memory_space<vmem>>, %arg5: memref<1x2xf32, #tpu.memory_space<vmem>>, %arg6: memref<100x2xf32, #tpu.memory_space<vmem>>) attributes {dimension_semantics = [], scalar_prefetch = 0 : i64, scratch_operands = 0 : i64, tpu.core_type = #tpu.core_type<tc>} {
    %get3A = arith.constant 0 : index
    %get3A_0 = arith.constant 0 : index
    %get3A_1 = vector.load %arg0[%get3A, %get3A_0] : memref<10000x128xf32, #tpu.memory_space<vmem>>, vector<10000x128xf32>
    %get3A_2 = arith.constant 0 : index
    %get3A_3 = arith.constant 0 : index
    %get3A_4 = vector.load %arg1[%get3A_2, %get3A_3] : memref<10000x1xi32, #tpu.memory_space<vmem>>, vector<10000x1xi32>
    %iota3A = tpu.iota {dimensions = array<i32: 1>} : vector<10000x128xi32>
    %eq3A = vector.broadcast %get3A_4 : vector<10000x1xi32> to vector<10000x128xi32>
    %eq3A_5 = arith.cmpi eq, %iota3A, %eq3A : vector<10000x128xi32>
    %convert_element_type3A = arith.extui %eq3A_5 : vector<10000x128xi1> to vector<10000x128xi32>
    %convert_element_type3A_6 = arith.sitofp %convert_element_type3A : vector<10000x128xi32> to vector<10000x128xf32>
    %transpose3A = tpu.transpose %convert_element_type3A_6, [1, 0] : vector<10000x128xf32> -> vector<128x10000xf32>
    %dot_general3A = arith.constant dense<0.000000e+00> : vector<128x128xf32>
    %dot_general3A_7 = tpu.matmul %transpose3A, %get3A_1, %dot_general3A {dimension_numbers = #tpu.dot_dimension_numbers<[1], [0], [0], [1], [0, 0, 1, 1], [], []>, transpose_lhs_hint = false} : vector<128x10000xf32>, vector<10000x128xf32>, vector<128x128xf32> -> vector<128x128xf32>
    %reduce_sum3A = arith.constant dense<0.000000e+00> : vector<128xf32>
    %reduce_sum3A_8 = vector.multi_reduction <add>, %convert_element_type3A_6, %reduce_sum3A [0] : vector<10000x128xf32> to vector<128xf32>
    %broadcast_in_dim3A = vector.shape_cast %reduce_sum3A_8 : vector<128xf32> to vector<1x128xf32>
    %transpose3A_9 = tpu.transpose %broadcast_in_dim3A, [1, 0] : vector<1x128xf32> -> vector<128x1xf32>
    %max3A = arith.constant 1.000000e+00 : f32
    %max3A_10 = vector.broadcast %max3A : f32 to vector<128x1xf32>
    %max3A_11 = arith.maximumf %transpose3A_9, %max3A_10 : vector<128x1xf32>
    %div3A = vector.broadcast %max3A_11 : vector<128x1xf32> to vector<128x128xf32>
    %div3A_12 = arith.divf %dot_general3A_7, %div3A : vector<128x128xf32>
    %get3A_13 = arith.constant 0 : index
    %get3A_14 = arith.constant 0 : index
    %get3A_15 = vector.load %arg2[%get3A_13, %get3A_14] : memref<128x128xf32, #tpu.memory_space<vmem>>, vector<128x128xf32>
    %dot_general3A_16 = arith.constant dense<0.000000e+00> : vector<128x128xf32>
    %dot_general3A_17 = tpu.matmul %div3A_12, %get3A_15, %dot_general3A_16 {dimension_numbers = #tpu.dot_dimension_numbers<[1], [0], [0], [1], [0, 0, 1, 1], [], []>, transpose_lhs_hint = false} : vector<128x128xf32>, vector<128x128xf32>, vector<128x128xf32> -> vector<128x128xf32>
    %get3A_18 = arith.constant 0 : index
    %get3A_19 = arith.constant 0 : index
    %get3A_20 = vector.load %arg3[%get3A_18, %get3A_19] : memref<1x128xf32, #tpu.memory_space<vmem>>, vector<1x128xf32>
    %add3A = vector.broadcast %get3A_20 : vector<1x128xf32> to vector<128x128xf32>
    %add3A_21 = arith.addf %dot_general3A_17, %add3A : vector<128x128xf32>
    %max3A_22 = arith.constant 0.000000e+00 : f32
    %max3A_23 = vector.broadcast %max3A_22 : f32 to vector<128x128xf32>
    %max3A_24 = arith.maximumf %add3A_21, %max3A_23 : vector<128x128xf32>
    %abs3A = math.absf %add3A_21 : vector<128x128xf32>
    %neg3A = arith.constant 0.000000e+00 : f32
    %neg3A_25 = vector.broadcast %neg3A : f32 to vector<128x128xf32>
    %neg3A_26 = arith.subf %neg3A_25, %abs3A : vector<128x128xf32>
    %exp3A = math.exp %neg3A_26 : vector<128x128xf32>
    %log1p3A = math.log1p %exp3A : vector<128x128xf32>
    %add3A_27 = arith.addf %max3A_24, %log1p3A : vector<128x128xf32>
    %get3A_28 = arith.constant 0 : index
    %get3A_29 = arith.constant 0 : index
    %get3A_30 = vector.load %arg4[%get3A_28, %get3A_29] : memref<128x2xf32, #tpu.memory_space<vmem>>, vector<128x2xf32>
    %dot_general3A_31 = arith.constant dense<0.000000e+00> : vector<128x2xf32>
    %dot_general3A_32 = tpu.matmul %add3A_27, %get3A_30, %dot_general3A_31 {dimension_numbers = #tpu.dot_dimension_numbers<[1], [0], [0], [1], [0, 0, 1, 1], [], []>, transpose_lhs_hint = false} : vector<128x128xf32>, vector<128x2xf32>, vector<128x2xf32> -> vector<128x2xf32>
    %get3A_33 = arith.constant 0 : index
    %get3A_34 = arith.constant 0 : index
    %get3A_35 = vector.load %arg5[%get3A_33, %get3A_34] : memref<1x2xf32, #tpu.memory_space<vmem>>, vector<1x2xf32>
    %add3A_36 = vector.broadcast %get3A_35 : vector<1x2xf32> to vector<128x2xf32>
    %add3A_37 = arith.addf %dot_general3A_32, %add3A_36 : vector<128x2xf32>
    %slice3A = vector.extract_strided_slice %add3A_37 {offsets = [0, 0], sizes = [100, 2], strides = [1, 1]} : vector<128x2xf32> to vector<100x2xf32>
    %swap3A = arith.constant 0 : index
    %swap3A_38 = arith.constant 0 : index
    %swap3A_39 = vector.load %arg6[%swap3A, %swap3A_38] : memref<100x2xf32, #tpu.memory_space<vmem>>, vector<100x2xf32>
    tpu.vector_store %arg6[%swap3A, %swap3A_38], %slice3A {strides = array<i32>} : memref<100x2xf32, #tpu.memory_space<vmem>>, vector<100x2xf32>,
    return
  }
}

</mosaic_0001>

<sc_bundles>
// kernel: closed_call.21.cloned.1.call-start
scs
__scs_entry_jumppad:
0x0: {  	(pc) =	sbr.rel $0x88, $3  }
0x1: {  	(tag) =	ssettag $0x0;
	lr =	simm.s32 $0x1  }
0x2: {  	[smem:$0x3F91] =	sst lr;
	_ =	strace $0xD0000000  }
0x3: {  	_ = 	snop  }
0x4: {  	_ = 	snop  }
0x5: {  	_ = 	snop  }
0x6: {  	_ = 	snop  }
0x7: {  	_ = 	snop  }
__scs_overlays_trampoline_lowered:
0x8: {  	[smem:$0x3FA0] =	sst s0  }
0x9: {  	[smem:$0x3FA1] =	sst s1  }
0xa: {  	[smem:$0x3FA2] =	sst s2  }
0xb: {  	[smem:$0x3FA3] =	sst s3  }
0xc: {  	[smem:$0x3FA4] =	sst s4  }
0xd: {  	[smem:$0x3FA5] =	sst s5  }
0xe: {  	[smem:$0x3FA6] =	sst s6  }
0xf: {  	[smem:$0x3FA7] =	sst s7  }
0x10: {  	[smem:$0x3FA8] =	sst s8  }
0x11: {  	[smem:$0x3FA9] =	sst s9;
	s0 =	simm.s32 @!p0 $0x0  }
0x12: {  	s1 =	sld [smem:$0x3F8F];
	s0 =	simm.s32 @p0 $0x1  }
0x13: {  	[smem:$0x3FAA] =	sst s0;
	s0 =	simm.s32 @!p1 $0x0  }
0x14: {  	s2 =	sld [smem:$0x3F8E];
	s0 =	simm.s32 @p1 $0x1  }
0x15: {  	[smem:$0x3FAB] =	sst s0;
	s0 =	simm.s32 @!p2 $0x0  }
0x16: {  	s3 =	sld [smem:$0x3FDB];
	s0 =	simm.s32 @p2 $0x1  }
0x17: {  	s4 =	simm.s32 $0x1BF5;
	[smem:$0x3FAD] =	sst s0  }
0x18: {  	s0 =	sld [smem:$0x3F90];
	_ =	swait.ge [sflag:s4], $0x0  }
0x19: {  	s7 =	sld [smem:$0x3F91]  }
0x1a: {  	s8 =	sadd.s32 $0xFFFFE003, lr  }
0x1b: {  	s9 =	sadd.s32 $0xFFFFFEF7, lr;
	s5 =	simm.s32 $0xFFFFFFFF;
	p2 =	slt.u32 s8, $0xFFFFF086  }
0x1c: {  	p1 =	slt.u32 s9, $0xF7A;
	s5 =	simm.s32 @!p2 $0x0  }
0x1d: {  	s5 =	simm.s32 @p1 $0x1;
	p0 =	seq.s32 s7, s2  }
0x1e: {  	s7 =	smul.u32 @!p0 $0xF7A, s2;
	p2 =	seq.s32 @!p0 s5, $0x0  }
0x1f: {  	s9 =	smul.u32 $0xF7A, s1;
	s8 =	simm.s32 @!p0 $0x1BF5;
	p2 =	por !p2, p0  }
0x20: {  	[sflag:s8] =	ssyncset.s32 @!p0 $0xFFFFF086;
	s6 =	sadd.s32 @!p0 s3, s7;
	s7 =	simm.s32 @!p0 $0x108  }
0x21: {  	s3 =	sadd.s32 s3, s9;
	s6 =	sadd.s32 @!p0 $0x88, s6;
	s7 =	simm.s32 @p2 $0x1082  }
0x22: {  	[simem:s7], [sflag:s8] =	dma.local @!p0 [hbm:s6], $0xF7A  }
0x23: {  	s9 =	sor.u32 $0xD0000000, s2;
	s6 =	simm.s32 $0x108;
	_ =	swait.ge @!p0 [sflag:s8], $0x0  }
0x24: {  	s3 =	sadd.s32 $0x88, s3;
	s6 =	simm.s32 @!p1 $0x1082;
	[sflag:s4] =	ssyncset.s32 $0xFFFFF086  }
0x25: {  	[simem:s6], [sflag:s4] =	dma.local [hbm:s3], $0xF7A  }
0x26: {  	[smem:$0x3F91] =	sst s1;
	(tag) =	ssettag s2;
	_ =	strace s9  }
0x27: {  	s1 =	sld [smem:$0x3FA1]  }
0x28: {  	s2 =	sld [smem:$0x3FA2]  }
0x29: {  	s4 =	sld [smem:$0x3FA4]  }
0x2a: {  	p0 =	seq.s32 s5, $0x0;
	s5 =	sld [smem:$0x3FA5]  }
0x2b: {  	s6 =	sld [smem:$0x3FA6]  }
0x2c: {  	s7 =	sld [smem:$0x3FA7]  }
0x2d: {  	s3 =	simm.s32 $0x108;
	s8 =	sld [smem:$0x3FA8]  }
0x2e: {  	s3 =	simm.s32 @!p0 $0x1082;
	s9 =	sld [smem:$0x3FA9]  }
0x2f: {  	lr =	sadd.s32 s0, s3;
	s0 =	sld [smem:$0x3FA0]  }
0x30: {  	s3 =	sld [smem:$0x3FA3]  }
0x31: {  	[smem:$0x3FAC] =	sst s10  }
0x32: {  	s10 =	sld [smem:$0x3FAA];
	_ =	sdelay $0x3  }
0x33: {  	p0 =	seq.s32 s10, $0x1;
	s10 =	sld [smem:$0x3FAC];
	_ =	sdelay $0x3  }
0x34: {  	[smem:$0x3FAC] =	sst s10  }
0x35: {  	s10 =	sld [smem:$0x3FAB];
	_ =	sdelay $0x3  }
0x36: {  	p1 =	seq.s32 s10, $0x1;
	s10 =	sld [smem:$0x3FAC];
	_ =	sdelay $0x3  }
0x37: {  	[smem:$0x3FAC] =	sst s10  }
0x38: {  	s10 =	sld [smem:$0x3FAD]  }
0x39: {  	_ = 	snop;
	(pc) =	sbr.ind lr, $3  }
0x3a: {  	_ = 	snop  }
0x3b: {  	_ = 	snop  }
0x3c: {  	p2 =	seq.s32 s10, $0x1;
	s10 =	sld [smem:$0x3FAC]  }
0x3d: {  	_ =	shalt  }
0x3e: {  	_ =	shalt  }
0x3f: {  	_ =	shalt  }
0x40: {  	_ =	shalt  }
0x41: {  	_ =	shalt  }
0x42: {  	_ =	shalt  }
0x43: {  	_ =	shalt  }
0x44: {  	_ =	shalt  }
0x45: {  	_ =	shalt  }
0x46: {  	_ =	shalt  }
0x47: {  	_ =	shalt  }
0x48: {  	_ =	shalt  }
0x49: {  	_ =	shalt  }
0x4a: {  	_ =	shalt  }
0x4b: {  	_ =	shalt  }
0x4c: {  	_ =	shalt  }
0x4d: {  	_ =	shalt  }
0x4e: {  	_ =	shalt  }
0x4f: {  	_ =	shalt  }
0x50: {  	_ =	shalt  }
0x51: {  	_ =	shalt  }
0x52: {  	_ =	shalt  }
0x53: {  	_ =	shalt  }
0x54: {  	_ =	shalt  }
0x55: {  	_ =	shalt  }
0x56: {  	_ =	shalt  }
0x57: {  	_ =	shalt  }
0x58: {  	_ =	shalt  }
0x59: {  	_ =	shalt  }
0x5a: {  	_ =	shalt  }
0x5b: {  	_ =	shalt  }
0x5c: {  	_ =	shalt  }
0x5d: {  	_ =	shalt  }
0x5e: {  	_ =	shalt  }
0x5f: {  	_ =	shalt  }
0x60: {  	_ =	shalt  }
0x61: {  	_ =	shalt  }
0x62: {  	_ =	shalt  }
0x63: {  	_ =	shalt  }
0x64: {  	_ =	shalt  }
0x65: {  	_ =	shalt  }
0x66: {  	_ =	shalt  }
0x67: {  	_ =	shalt  }
0x68: {  	_ =	shalt  }
0x69: {  	_ =	shalt  }
0x6a: {  	_ =	shalt  }
0x6b: {  	_ =	shalt  }
0x6c: {  	_ =	shalt  }
0x6d: {  	_ =	shalt  }
0x6e: {  	_ =	shalt  }
0x6f: {  	_ =	shalt  }
0x70: {  	_ =	shalt  }
0x71: {  	_ =	shalt  }
0x72: {  	_ =	shalt  }
0x73: {  	_ =	shalt  }
0x74: {  	_ =	shalt  }
0x75: {  	_ =	shalt  }
0x76: {  	_ =	shalt  }
0x77: {  	_ =	shalt  }
0x78: {  	_ =	shalt  }
0x79: {  	_ =	shalt  }
0x7a: {  	_ =	shalt  }
0x7b: {  	_ =	shalt  }
0x7c: {  	_ =	shalt  }
0x7d: {  	_ =	shalt  }
0x7e: {  	_ =	shalt  }
0x7f: {  	_ =	shalt  }
0x80: {  	_ =	shalt  }
0x81: {  	_ =	shalt  }
0x82: {  	_ =	shalt  }
0x83: {  	_ =	shalt  }
0x84: {  	_ =	shalt  }
0x85: {  	_ =	shalt  }
0x86: {  	_ =	shalt  }
0x87: {  	_ =	shalt  }
.Lfunc_end0:
.L_simem_size_0:
called_computation.1_lowered:
.L_overlay_start_0:
0x88: {  	s2 =	sld [smem:$0x3FD9]  }
0x89: {  	s3 =	sld [smem:$0x3FFE];
	_ =	sdelay $0x1  }
0x8a: {  	s1 =	srdreg.scid  }
0x8b: {  	s0 =	sand.u32 $0x1, s1  }
0x8c: {  	s17 =	sshll.u32 s0, $0xA;
	s2 =	sadd.s32 s3, s2  }
0x8d: {  	s2 =	sadd.s32 s2, s17  }
0x8e: {  	[smem:$0x3FB8] =	sst s2  }
0x8f: {  	_ = 	snop  }
0x90: {  	s2 =	sld [smem:$0x3FC7]  }
0x91: {  	s18 =	sld [smem:$0x3FC6];
	(tm) =	ssettm $0x1  }
0x92: {  	s4 =	sld [smem:$0x3FFB];
	_ =	sdelay $0x3  }
0x93: {  	_ =	strace s4  }
0x94: {  	s4 =	sld [smem:$0x3FFC];
	_ =	sdelay $0x3  }
0x95: {  	_ =	strace s4  }
0x96: {  	s4 =	sld [smem:$0x3FFD];
	_ =	sdelay $0x3  }
0x97: {  	_ =	strace s4  }
0x98: {  	_ =	strace $0x8FFFFFFF  }
0x99: {  	s19 =	sld [smem:$0x3FDB];
	_ =	sdelay $0x1  }
0x9a: {  	s5 =	simm.s32 $_scs_section_size  }
0x9b: {  	s6 =	simm.s32 $_size__tile_overlayer_lowered;
	s7 =	simm.s32 $_tile_overlayer_lowered  }
0x9c: {  	s22 =	simm.s32 $0x1BFF;
	s21 =	sshll.u32 s7, $0x1;
	s4 =	sadd.s32 s5, s19  }
0x9d: {  	s8 =	simm.s32 $0x0;
	s20 =	sshll.u32 s6, $0x1;
	s6 =	sadd.s32 s21, s4  }
0x9e: {  	[timem:s8], [sflag:s22] =	dma.local [hbm:s6], s20  }
0x9f: {  	_ =	swait.ge [sflag:s22], s20  }
0xa0: {  	s5 =	ssub.s32 $0x0, s20;
	[sflag:s22] =	ssyncset.done $0x0  }
0xa1: {  	[sflag:s22] =	ssyncadd.s32 s5;
	_ =	sdelay $0x1  }
0xa2: {  	s23 =	simm.s32 $0x1B8B  }
0xa3: {  	_ =	swait.ge [sflag:s23], $0x1  }
0xa4: {  	[sflag:s23] =	ssyncset.done $0x0  }
0xa5: {  	s25 =	simm.s32 $0x1B8E;
	s24 =	sld [smem:$0x3FFE];
	[sflag:s23] =	ssyncadd.s32 $0xFFFFFFFF  }
0xa6: {  	s26 =	simm.s32 $execute0_lowered;
	[smem:$0x3FD2] =	sst s25  }
0xa7: {  	s6 =	sshll.u32 s26, $0x1;
	_ =	strace $0x8000004C;
	[dreg:$0x1] =	wrdreg $0xFFFFFFFF  }
0xa8: {  	s28 =	simm.s32 $_size_execute0_lowered;
	s4 =	sadd.s32 s4, s6;
	[dreg:$0x0] =	wrdreg $0x0  }
0xa9: {  	s6 =	sshll.u32 s28, $0x1;
	[dreg:$0x2] =	wrdreg s4  }
0xaa: {  	[dreg:$0x3] =	wrdreg s6  }
0xab: {  	[dreg:$0x4] =	wrdreg $0xC0  }
0xac: {  	_ =	task [dreg:s8], $0x5FFFF  }
0xad: {  	[dreg:$0x1] =	wrdreg $0xFFFFFFFF  }
0xae: {  	[dreg:$0x0] =	wrdreg $0x60  }
0xaf: {  	[dreg:$0x2] =	wrdreg s24  }
0xb0: {  	[dreg:$0x3] =	wrdreg s2  }
0xb1: {  	[dreg:$0x4] =	wrdreg s18  }
0xb2: {  	[dreg:$0x5] =	wrdreg $0x9  }
0xb3: {  	_ =	task.clear_ibuf [dreg:s8], $0x6FFFF;
	_ =	strace $0x9000004C  }
0xb4: {  	s29 =	simm.s32 $0x9;
	_ =	strace $0x8000004E  }
0xb5: {  	_ =	swait.ge [sflag:s29], $0x1  }
0xb6: {  	[sflag:s29] =	ssyncadd.s32 $0xFFFFFFFF  }
0xb7: {  	_ =	strace $0x9000004E  }
0xb8: {  	_ =	sfence  }
0xb9: {  	s30 =	sld [smem:$0x0];
	_ =	sdelay $0x2  }
0xba: {  	s31 =	sshll.u32 s1, $0xD;
	s1 =	sshrl.u32 s1, $0x2  }
0xbb: {  	s3 =	sand.u32 $0x4000, s31;
	s1 =	sadd.s32 s1, s30  }
0xbc: {  	s0 =	sor.u32 s3, s0;
	s1 =	sshll.u32 s1, $0x11  }
0xbd: {  	s0 =	sor.u32 s1, s0  }
0xbe: {  	s0 =	sadd.s32 $0x8F2B, s0  }
0xbf: {  	[sflag:s0] =	ssyncadd.remote.s32 $0x1  }
0xc0: {  	_ =	sfence.sel $0xFFFF  }
0xc1: {  	[dreg:$0x0] =	wrdreg $0xFFFFFFFF;
	(pc) =	sbr.abs _section_cstart, $3  }
0xc2: {  	[dreg:$0x1] =	wrdreg $0xFFFFFFFF  }
0xc3: {  	_ =	task.clear_ibuf [dreg:s8], $0x2FFFF;
	_ =	strace $0x9FFFFFFF  }
0xc4: {  	(tm) =	ssettm $0x7FFFFFFF  }
0xc5: {  	_ =	shalt  }
tec
execute0_lowered:
.L_overlay_start_1:
0x0: {  	(tag) =	ssettag $0x1  }
0x1: {  	s4 =	rddreg [dreg:$0x0]  }
0x2: {  	s7 =	rddreg [dreg:$0x1]  }
0x3: {  	s8 =	rddreg [dreg:$0x2]  }
0x4: {  	s1 =	srdreg.scid;
	s0 =	rddreg [dreg:$0x3]  }
0x5: {  	s2 =	simm.s32 $0x0;
	s13 =	simm.s32 $0x2;
	s14 =	simm.s32 $0x100  }
0x6: {  	s15 =	simm.s32 $0x1;
	s3 =	sand.u32 $0x1, s1;
	[smem:$0x7FF] =	sst s2  }
0x7: {  	s16 =	simm.s32 $0x0;
	s1 =	stileid.u32;
	s5 =	smul.u32 $0x271000, s3  }
0x8: {  	s6 =	smul.u32 $0x27100, s3;
	_ =	strace $0x8000004D;
	s9 =	ssub.s32 $0x2, s3  }
0x9: {  	s10 =	smul.u32 $0x2710, s1;
	s3 =	sadd.s32 $0x90400, s4;
	s11 =	sshrl.u32 s9, $0x1  }
0xa: {  	s12 =	smul.u32 $0x27100, s1;
	s5 =	sadd.s32 s5, s4;
	s30 =	ssub.s32 s9, s11  }
0xb: {  	s6 =	sadd.s32 s10, s6;
	s9 =	simm.s32 $0x80;
	s11 =	simm.s32 $0x50  }
0xc: {  	s4 =	smax.u32 s30, $0x1;
	s31 =	sadd.s32 s12, s5;
	s12 =	simm.s32 $0x2900  }
0xd: {  	s10 =	sshrl.u32 s6, $0x3;
	s5 =	sadd.s32 $0xEE6A00, s31;
	s6 =	sadd.s32 $0xA04A00, s31  }
0xe: {  	s7 =	sadd.s32 s10, s7;
	s8 =	sadd.s32 s10, s8;
	s10 =	simm.s32 $0x3  }
.LBB2_1:
0xf: {  	s17 =	sadd.s32 $0x0, s8  }
0x10: {  	[tilespmem:s9], [sflag:$0x3] =	stream.linear.gather [hbm4b:s17+s2], $0x50, $0x38;
	[tilespmem:$0x5100] =	vst v63  }
0x11: {  	_ =	swait.ge [sflag:s10], $0x50  }
0x12: {  	[sflag:s10] =	ssyncset.done $0x0  }
0x13: {  	[sflag:s10] =	ssyncadd.s32 $0xFFFFFFB0  }
0x14: {  	[tilespmem:s12], [sflag:$0x2] =	stream.indirect.gather [hbm4b:s3+s11], $0x80, s9, s11, $0xb8;
	[tilespmem:$0x5100] =	vst v63  }
0x15: {  	_ =	swait.ge [sflag:s13], $0x2800  }
0x16: {  	[sflag:s13] =	ssyncset.done $0x0  }
0x17: {  	[sflag:s13] =	ssyncadd.s32 $0xFFFFD800  }
0x18: {  	[hbm4b:s5+s2] =	stream.linear.scatter [tilespmem:s12], [sflag:$0x3], $0x2800, $0x38;
	[tilespmem:$0x5100] =	vst v63  }
0x19: {  	_ =	swait.ge [sflag:s10], $0x2800  }
0x1a: {  	[sflag:s10] =	ssyncset.done $0x0  }
0x1b: {  	s31 =	sadd.s32 $0x0, s7;
	[sflag:s10] =	ssyncadd.s32 $0xFFFFD800  }
0x1c: {  	[tilespmem:s2], [sflag:$0x3] =	stream.linear.gather [hbm4b:s31+s2], $0x50, $0x38;
	[tilespmem:$0x5100] =	vst v63  }
0x1d: {  	_ =	swait.ge [sflag:s10], $0x50  }
0x1e: {  	[sflag:s10] =	ssyncset.done $0x0  }
0x1f: {  	[sflag:s10] =	ssyncadd.s32 $0xFFFFFFB0  }
0x20: {  	[tilespmem:s14], [sflag:$0x1] =	stream.indirect.gather [hbm4b:s3+s11], $0x80, s2, s11, $0xb8;
	[tilespmem:$0x5100] =	vst v63  }
0x21: {  	_ =	swait.ge [sflag:s15], $0x2800  }
0x22: {  	[sflag:s15] =	ssyncset.done $0x0  }
0x23: {  	[sflag:s15] =	ssyncadd.s32 $0xFFFFD800  }
0x24: {  	[hbm4b:s6+s2] =	stream.linear.scatter [tilespmem:s14], [sflag:$0x3], $0x2800, $0x38;
	[tilespmem:$0x5100] =	vst v63  }
0x25: {  	s18 =	simm.s32 $0xA;
	s20 =	simm.s32 $0x14;
	_ =	swait.ge [sflag:s10], $0x2800  }
0x26: {  	s19 =	sadd.s32 $0x500, s5;
	s17 =	sadd.s32 $0x500, s6;
	[sflag:s10] =	ssyncset.done $0x0  }
.LBB2_2:
0x27: {  	s21 =	sadd.s32 s18, s8  }
0x28: {  	[sflag:s10] =	ssyncadd.s32 $0xFFFFD800;
	s22 =	smov.u32 s20;
	s23 =	sadd.s32 $0xA, s20  }
0x29: {  	[tilespmem:s9], [sflag:$0x3] =	stream.linear.gather [hbm4b:s21+s2], $0x50, $0x38;
	[tilespmem:$0x5100] =	vst v63  }
0x2a: {  	p0 =	sne.s32 s20, $0x4D8;
	_ =	swait.ge [sflag:s10], $0x50  }
0x2b: {  	[sflag:s10] =	ssyncset.done $0x0  }
0x2c: {  	[sflag:s10] =	ssyncadd.s32 $0xFFFFFFB0  }
0x2d: {  	[tilespmem:s12], [sflag:$0x2] =	stream.indirect.gather [hbm4b:s3+s11], $0x80, s9, s11, $0xb8;
	[tilespmem:$0x5100] =	vst v63  }
0x2e: {  	_ =	swait.ge [sflag:s13], $0x2800  }
0x2f: {  	[sflag:s13] =	ssyncset.done $0x0  }
0x30: {  	[sflag:s13] =	ssyncadd.s32 $0xFFFFD800  }
0x31: {  	[hbm4b:s19+s2] =	stream.linear.scatter [tilespmem:s12], [sflag:$0x3], $0x2800, $0x38;
	[tilespmem:$0x5100] =	vst v63  }
0x32: {  	_ =	swait.ge [sflag:s10], $0x2800  }
0x33: {  	[sflag:s10] =	ssyncset.done $0x0  }
0x34: {  	s20 =	sadd.s32 s18, s7;
	s18 =	smov.u32 s22;
	[sflag:s10] =	ssyncadd.s32 $0xFFFFD800  }
0x35: {  	[tilespmem:s2], [sflag:$0x3] =	stream.linear.gather [hbm4b:s20+s2], $0x50, $0x38;
	[tilespmem:$0x5100] =	vst v63  }
0x36: {  	_ =	swait.ge [sflag:s10], $0x50  }
0x37: {  	[sflag:s10] =	ssyncset.done $0x0  }
0x38: {  	[sflag:s10] =	ssyncadd.s32 $0xFFFFFFB0  }
0x39: {  	[tilespmem:s14], [sflag:$0x1] =	stream.indirect.gather [hbm4b:s3+s11], $0x80, s2, s11, $0xb8;
	[tilespmem:$0x5100] =	vst v63  }
0x3a: {  	_ =	swait.ge [sflag:s15], $0x2800  }
.Ltmp0:
0x3b: {  	[sflag:s15] =	ssyncset.done $0x0;
	(pc) =	sbr.rel @p0 .LBB2_2-.Ltmp0, $4  }
0x3c: {  	[sflag:s15] =	ssyncadd.s32 $0xFFFFD800  }
0x3d: {  	[hbm4b:s17+s2] =	stream.linear.scatter [tilespmem:s14], [sflag:$0x3], $0x2800, $0x38;
	[tilespmem:$0x5100] =	vst v63  }
0x3e: {  	s19 =	sadd.s32 $0x500, s19;
	_ =	swait.ge [sflag:s10], $0x2800  }
0x3f: {  	s20 =	smov.u32 s23;
	s17 =	sadd.s32 $0x500, s17;
	[sflag:s10] =	ssyncset.done $0x0  }
0x40: {  	s20 =	sadd.s32 s18, s8;
	[sflag:s10] =	ssyncadd.s32 $0xFFFFD800  }
0x41: {  	[tilespmem:s9], [sflag:$0x3] =	stream.linear.gather [hbm4b:s20+s2], $0x50, $0x38;
	[tilespmem:$0x5100] =	vst v63  }
0x42: {  	_ =	swait.ge [sflag:s10], $0x50  }
0x43: {  	[sflag:s10] =	ssyncset.done $0x0  }
0x44: {  	[sflag:s10] =	ssyncadd.s32 $0xFFFFFFB0  }
0x45: {  	[tilespmem:s12], [sflag:$0x2] =	stream.indirect.gather [hbm4b:s3+s11], $0x80, s9, s11, $0xb8;
	[tilespmem:$0x5100] =	vst v63  }
0x46: {  	_ =	swait.ge [sflag:s13], $0x2800  }
0x47: {  	[sflag:s13] =	ssyncset.done $0x0  }
0x48: {  	[sflag:s13] =	ssyncadd.s32 $0xFFFFD800  }
0x49: {  	[hbm4b:s19+s2] =	stream.linear.scatter [tilespmem:s12], [sflag:$0x3], $0x2800, $0x38;
	[tilespmem:$0x5100] =	vst v63  }
0x4a: {  	_ =	swait.ge [sflag:s10], $0x2800  }
0x4b: {  	[sflag:s10] =	ssyncset.done $0x0  }
0x4c: {  	s31 =	sadd.s32 s18, s7;
	[sflag:s10] =	ssyncadd.s32 $0xFFFFD800  }
0x4d: {  	[tilespmem:s2], [sflag:$0x3] =	stream.linear.gather [hbm4b:s31+s2], $0x50, $0x38;
	[tilespmem:$0x5100] =	vst v63  }
0x4e: {  	_ =	swait.ge [sflag:s10], $0x50  }
0x4f: {  	[sflag:s10] =	ssyncset.done $0x0  }
0x50: {  	[sflag:s10] =	ssyncadd.s32 $0xFFFFFFB0  }
0x51: {  	[tilespmem:s14], [sflag:$0x1] =	stream.indirect.gather [hbm4b:s3+s11], $0x80, s2, s11, $0xb8;
	[tilespmem:$0x5100] =	vst v63  }
0x52: {  	s16 =	sadd.s32 $0x1, s16;
	_ =	swait.ge [sflag:s15], $0x2800  }
0x53: {  	p0 =	sne.s32 s16, s4;
	[sflag:s15] =	ssyncset.done $0x0  }
.Ltmp1:
0x54: {  	[sflag:s15] =	ssyncadd.s32 $0xFFFFD800;
	(pc) =	sbr.rel @p0 .LBB2_1-.Ltmp1, $4  }
0x55: {  	[hbm4b:s17+s2] =	stream.linear.scatter [tilespmem:s14], [sflag:$0x3], $0x2800, $0x38;
	[tilespmem:$0x5100] =	vst v63  }
0x56: {  	_ =	swait.ge [sflag:s10], $0x2800  }
0x57: {  	[sflag:s10] =	ssyncset.done $0x0  }
0x58: {  	[sflag:s10] =	ssyncadd.s32 $0xFFFFD800  }
0x59: {  	_ =	sfence.sel $0x180000  }
0x5a: {  	[bflag:$0x0] =	sbarrier.arrive $0xFFFF  }
0x5b: {  	p0 =	sne.s32 s1, $0x0;
	_ =	strace $0x9000004D  }
0x5c: {  	s0 =	sadd.s32 @!p0 $0x100000, s0;
	[bflag:$0x2] =	sbarrier.arrive $0xFFFF  }
0x5d: {  	[sflag:s0] =	ssyncadd.tile.s32 @!p0 $0x1;
	_ =	shalt  }
.Lfunc_end2:
_tile_overlayer_lowered:
.L_overlay_start_2:
0x5e: {  	(tag) =	ssettag $0x2  }
0x5f: {  	s0 =	rddreg [dreg:$0x0];
	s2 =	stileid.u32  }
0x60: {  	s1 =	rddreg [dreg:$0x1];
	p0 =	sne.s32 s2, $0x0  }
0x61: {  	s3 =	rddreg [dreg:$0x2];
	[bflag:$0x3] =	sbarrier.arrive $0xFFFF;
	s2 =	simm.s32 @!p0 $0x1C03  }
0x62: {  	[timem:s3], [sflag:s2] =	dma.local @!p0 [hbm:s0], s1  }
0x63: {  	s0 =	simm.s32 @!p0 $0x3  }
0x64: {  	_ =	swait.ge @!p0 [sflag:s0], s1  }
0x65: {  	s1 =	ssub.s32 @!p0 $0x0, s1;
	[sflag:s0] =	ssyncset.done @!p0 $0x0  }
0x66: {  	[sflag:s0] =	ssyncadd.s32 @!p0 s1  }
0x67: {  	[bflag:$0x3] =	sbarrier.arrive $0xFFFF  }
0x68: {  	_ =	shalt  }

// kernel: closed_call.24.cloned.1.call-start
scs
__scs_entry_jumppad:
0x0: {  	(pc) =	sbr.rel $0x88, $3  }
0x1: {  	(tag) =	ssettag $0x0;
	lr =	simm.s32 $0x1  }
0x2: {  	[smem:$0x3F91] =	sst lr;
	_ =	strace $0xD0000000  }
0x3: {  	_ = 	snop  }
0x4: {  	_ = 	snop  }
0x5: {  	_ = 	snop  }
0x6: {  	_ = 	snop  }
0x7: {  	_ = 	snop  }
__scs_overlays_trampoline_lowered:
0x8: {  	[smem:$0x3FA0] =	sst s0  }
0x9: {  	[smem:$0x3FA1] =	sst s1  }
0xa: {  	[smem:$0x3FA2] =	sst s2  }
0xb: {  	[smem:$0x3FA3] =	sst s3  }
0xc: {  	[smem:$0x3FA4] =	sst s4  }
0xd: {  	[smem:$0x3FA5] =	sst s5  }
0xe: {  	[smem:$0x3FA6] =	sst s6  }
0xf: {  	[smem:$0x3FA7] =	sst s7  }
0x10: {  	[smem:$0x3FA8] =	sst s8  }
0x11: {  	[smem:$0x3FA9] =	sst s9;
	s0 =	simm.s32 @!p0 $0x0  }
0x12: {  	s1 =	sld [smem:$0x3F8F];
	s0 =	simm.s32 @p0 $0x1  }
0x13: {  	[smem:$0x3FAA] =	sst s0;
	s0 =	simm.s32 @!p1 $0x0  }
0x14: {  	s2 =	sld [smem:$0x3F8E];
	s0 =	simm.s32 @p1 $0x1  }
0x15: {  	[smem:$0x3FAB] =	sst s0;
	s0 =	simm.s32 @!p2 $0x0  }
0x16: {  	s3 =	sld [smem:$0x3FDB];
	s0 =	simm.s32 @p2 $0x1  }
0x17: {  	s4 =	simm.s32 $0x1BF5;
	[smem:$0x3FAD] =	sst s0  }
0x18: {  	s0 =	sld [smem:$0x3F90];
	_ =	swait.ge [sflag:s4], $0x0  }
0x19: {  	s7 =	sld [smem:$0x3F91]  }
0x1a: {  	s8 =	sadd.s32 $0xFFFFE003, lr  }
0x1b: {  	s9 =	sadd.s32 $0xFFFFFEF7, lr;
	s5 =	simm.s32 $0xFFFFFFFF;
	p2 =	slt.u32 s8, $0xFFFFF086  }
0x1c: {  	p1 =	slt.u32 s9, $0xF7A;
	s5 =	simm.s32 @!p2 $0x0  }
0x1d: {  	s5 =	simm.s32 @p1 $0x1;
	p0 =	seq.s32 s7, s2  }
0x1e: {  	s7 =	smul.u32 @!p0 $0xF7A, s2;
	p2 =	seq.s32 @!p0 s5, $0x0  }
0x1f: {  	s9 =	smul.u32 $0xF7A, s1;
	s8 =	simm.s32 @!p0 $0x1BF5;
	p2 =	por !p2, p0  }
0x20: {  	[sflag:s8] =	ssyncset.s32 @!p0 $0xFFFFF086;
	s6 =	sadd.s32 @!p0 s3, s7;
	s7 =	simm.s32 @!p0 $0x108  }
0x21: {  	s3 =	sadd.s32 s3, s9;
	s6 =	sadd.s32 @!p0 $0x88, s6;
	s7 =	simm.s32 @p2 $0x1082  }
0x22: {  	[simem:s7], [sflag:s8] =	dma.local @!p0 [hbm:s6], $0xF7A  }
0x23: {  	s9 =	sor.u32 $0xD0000000, s2;
	s6 =	simm.s32 $0x108;
	_ =	swait.ge @!p0 [sflag:s8], $0x0  }
0x24: {  	s3 =	sadd.s32 $0x88, s3;
	s6 =	simm.s32 @!p1 $0x1082;
	[sflag:s4] =	ssyncset.s32 $0xFFFFF086  }
0x25: {  	[simem:s6], [sflag:s4] =	dma.local [hbm:s3], $0xF7A  }
0x26: {  	[smem:$0x3F91] =	sst s1;
	(tag) =	ssettag s2;
	_ =	strace s9  }
0x27: {  	s1 =	sld [smem:$0x3FA1]  }
0x28: {  	s2 =	sld [smem:$0x3FA2]  }
0x29: {  	s4 =	sld [smem:$0x3FA4]  }
0x2a: {  	p0 =	seq.s32 s5, $0x0;
	s5 =	sld [smem:$0x3FA5]  }
0x2b: {  	s6 =	sld [smem:$0x3FA6]  }
0x2c: {  	s7 =	sld [smem:$0x3FA7]  }
0x2d: {  	s3 =	simm.s32 $0x108;
	s8 =	sld [smem:$0x3FA8]  }
0x2e: {  	s3 =	simm.s32 @!p0 $0x1082;
	s9 =	sld [smem:$0x3FA9]  }
0x2f: {  	lr =	sadd.s32 s0, s3;
	s0 =	sld [smem:$0x3FA0]  }
0x30: {  	s3 =	sld [smem:$0x3FA3]  }
0x31: {  	[smem:$0x3FAC] =	sst s10  }
0x32: {  	s10 =	sld [smem:$0x3FAA];
	_ =	sdelay $0x3  }
0x33: {  	p0 =	seq.s32 s10, $0x1;
	s10 =	sld [smem:$0x3FAC];
	_ =	sdelay $0x3  }
0x34: {  	[smem:$0x3FAC] =	sst s10  }
0x35: {  	s10 =	sld [smem:$0x3FAB];
	_ =	sdelay $0x3  }
0x36: {  	p1 =	seq.s32 s10, $0x1;
	s10 =	sld [smem:$0x3FAC];
	_ =	sdelay $0x3  }
0x37: {  	[smem:$0x3FAC] =	sst s10  }
0x38: {  	s10 =	sld [smem:$0x3FAD]  }
0x39: {  	_ = 	snop;
	(pc) =	sbr.ind lr, $3  }
0x3a: {  	_ = 	snop  }
0x3b: {  	_ = 	snop  }
0x3c: {  	p2 =	seq.s32 s10, $0x1;
	s10 =	sld [smem:$0x3FAC]  }
0x3d: {  	_ =	shalt  }
0x3e: {  	_ =	shalt  }
0x3f: {  	_ =	shalt  }
0x40: {  	_ =	shalt  }
0x41: {  	_ =	shalt  }
0x42: {  	_ =	shalt  }
0x43: {  	_ =	shalt  }
0x44: {  	_ =	shalt  }
0x45: {  	_ =	shalt  }
0x46: {  	_ =	shalt  }
0x47: {  	_ =	shalt  }
0x48: {  	_ =	shalt  }
0x49: {  	_ =	shalt  }
0x4a: {  	_ =	shalt  }
0x4b: {  	_ =	shalt  }
0x4c: {  	_ =	shalt  }
0x4d: {  	_ =	shalt  }
0x4e: {  	_ =	shalt  }
0x4f: {  	_ =	shalt  }
0x50: {  	_ =	shalt  }
0x51: {  	_ =	shalt  }
0x52: {  	_ =	shalt  }
0x53: {  	_ =	shalt  }
0x54: {  	_ =	shalt  }
0x55: {  	_ =	shalt  }
0x56: {  	_ =	shalt  }
0x57: {  	_ =	shalt  }
0x58: {  	_ =	shalt  }
0x59: {  	_ =	shalt  }
0x5a: {  	_ =	shalt  }
0x5b: {  	_ =	shalt  }
0x5c: {  	_ =	shalt  }
0x5d: {  	_ =	shalt  }
0x5e: {  	_ =	shalt  }
0x5f: {  	_ =	shalt  }
0x60: {  	_ =	shalt  }
0x61: {  	_ =	shalt  }
0x62: {  	_ =	shalt  }
0x63: {  	_ =	shalt  }
0x64: {  	_ =	shalt  }
0x65: {  	_ =	shalt  }
0x66: {  	_ =	shalt  }
0x67: {  	_ =	shalt  }
0x68: {  	_ =	shalt  }
0x69: {  	_ =	shalt  }
0x6a: {  	_ =	shalt  }
0x6b: {  	_ =	shalt  }
0x6c: {  	_ =	shalt  }
0x6d: {  	_ =	shalt  }
0x6e: {  	_ =	shalt  }
0x6f: {  	_ =	shalt  }
0x70: {  	_ =	shalt  }
0x71: {  	_ =	shalt  }
0x72: {  	_ =	shalt  }
0x73: {  	_ =	shalt  }
0x74: {  	_ =	shalt  }
0x75: {  	_ =	shalt  }
0x76: {  	_ =	shalt  }
0x77: {  	_ =	shalt  }
0x78: {  	_ =	shalt  }
0x79: {  	_ =	shalt  }
0x7a: {  	_ =	shalt  }
0x7b: {  	_ =	shalt  }
0x7c: {  	_ =	shalt  }
0x7d: {  	_ =	shalt  }
0x7e: {  	_ =	shalt  }
0x7f: {  	_ =	shalt  }
0x80: {  	_ =	shalt  }
0x81: {  	_ =	shalt  }
0x82: {  	_ =	shalt  }
0x83: {  	_ =	shalt  }
0x84: {  	_ =	shalt  }
0x85: {  	_ =	shalt  }
0x86: {  	_ =	shalt  }
0x87: {  	_ =	shalt  }
.Lfunc_end0:
.L_simem_size_0:
called_computation.2_lowered:
.L_overlay_start_0:
0x88: {  	s2 =	sld [smem:$0x3FD9]  }
0x89: {  	s3 =	sld [smem:$0x3FFE];
	_ =	sdelay $0x1  }
0x8a: {  	s1 =	srdreg.scid  }
0x8b: {  	s0 =	sand.u32 $0x1, s1  }
0x8c: {  	s17 =	sshll.u32 s0, $0xA;
	s2 =	sadd.s32 s3, s2  }
0x8d: {  	s2 =	sadd.s32 s2, s17  }
0x8e: {  	[smem:$0x3FB8] =	sst s2  }
0x8f: {  	_ = 	snop  }
0x90: {  	s2 =	sld [smem:$0x3FC7];
	(tm) =	ssettm $0x1  }
0x91: {  	s18 =	sld [smem:$0x3FFB];
	_ =	sdelay $0x3  }
0x92: {  	_ =	strace s18  }
0x93: {  	s3 =	sld [smem:$0x3FFC];
	_ =	sdelay $0x3  }
0x94: {  	_ =	strace s3  }
0x95: {  	s3 =	sld [smem:$0x3FFD];
	_ =	sdelay $0x3  }
0x96: {  	_ =	strace s3  }
0x97: {  	_ =	strace $0x8FFFFFFF  }
0x98: {  	s19 =	sld [smem:$0x3FDB];
	_ =	sdelay $0x1  }
0x99: {  	s4 =	simm.s32 $_scs_section_size  }
0x9a: {  	s5 =	simm.s32 $_size__tile_overlayer_lowered;
	s6 =	simm.s32 $_tile_overlayer_lowered  }
0x9b: {  	s22 =	simm.s32 $0x1BFF;
	s21 =	sshll.u32 s6, $0x1;
	s3 =	sadd.s32 s4, s19  }
0x9c: {  	s7 =	simm.s32 $0x0;
	s20 =	sshll.u32 s5, $0x1;
	s5 =	sadd.s32 s21, s3  }
0x9d: {  	[timem:s7], [sflag:s22] =	dma.local [hbm:s5], s20  }
0x9e: {  	_ =	swait.ge [sflag:s22], s20  }
0x9f: {  	s4 =	ssub.s32 $0x0, s20;
	[sflag:s22] =	ssyncset.done $0x0  }
0xa0: {  	[sflag:s22] =	ssyncadd.s32 s4;
	_ =	sdelay $0x1  }
0xa1: {  	s23 =	simm.s32 $0x1B8B  }
0xa2: {  	_ =	swait.ge [sflag:s23], $0x1  }
0xa3: {  	[sflag:s23] =	ssyncset.done $0x0  }
0xa4: {  	s25 =	simm.s32 $0x1B8E;
	s24 =	sld [smem:$0x3FFE];
	[sflag:s23] =	ssyncadd.s32 $0xFFFFFFFF  }
0xa5: {  	s26 =	simm.s32 $execute0_lowered;
	[smem:$0x3FD2] =	sst s25  }
0xa6: {  	s5 =	sshll.u32 s26, $0x1;
	_ =	strace $0x8000004F;
	[dreg:$0x1] =	wrdreg $0xFFFFFFFF  }
0xa7: {  	s28 =	simm.s32 $_size_execute0_lowered;
	s3 =	sadd.s32 s3, s5;
	[dreg:$0x0] =	wrdreg $0x0  }
0xa8: {  	s5 =	sshll.u32 s28, $0x1;
	[dreg:$0x2] =	wrdreg s3  }
0xa9: {  	[dreg:$0x3] =	wrdreg s5  }
0xaa: {  	[dreg:$0x4] =	wrdreg $0xC0  }
0xab: {  	_ =	task [dreg:s7], $0x5FFFF  }
0xac: {  	[dreg:$0x1] =	wrdreg $0xFFFFFFFF  }
0xad: {  	[dreg:$0x0] =	wrdreg $0x60  }
0xae: {  	[dreg:$0x2] =	wrdreg s24  }
0xaf: {  	[dreg:$0x3] =	wrdreg s2  }
0xb0: {  	[dreg:$0x4] =	wrdreg $0x9  }
0xb1: {  	_ =	task.clear_ibuf [dreg:s7], $0x5FFFF;
	_ =	strace $0x9000004F  }
0xb2: {  	s29 =	simm.s32 $0x9;
	_ =	strace $0x80000051  }
0xb3: {  	_ =	swait.ge [sflag:s29], $0x1  }
0xb4: {  	[sflag:s29] =	ssyncadd.s32 $0xFFFFFFFF  }
0xb5: {  	_ =	strace $0x90000051  }
0xb6: {  	_ =	sfence  }
0xb7: {  	s30 =	sld [smem:$0x0];
	_ =	sdelay $0x2  }
0xb8: {  	s31 =	sshll.u32 s1, $0xD;
	s1 =	sshrl.u32 s1, $0x2  }
0xb9: {  	s3 =	sand.u32 $0x4000, s31;
	s1 =	sadd.s32 s1, s30  }
0xba: {  	s0 =	sor.u32 s3, s0;
	s1 =	sshll.u32 s1, $0x11  }
0xbb: {  	s0 =	sor.u32 s1, s0  }
0xbc: {  	s0 =	sadd.s32 $0x8F2B, s0  }
0xbd: {  	[sflag:s0] =	ssyncadd.remote.s32 $0x1  }
0xbe: {  	_ =	sfence.sel $0xFFFF  }
0xbf: {  	[dreg:$0x0] =	wrdreg $0xFFFFFFFF;
	(pc) =	sbr.abs _section_cstart, $3  }
0xc0: {  	[dreg:$0x1] =	wrdreg $0xFFFFFFFF  }
0xc1: {  	_ =	task.clear_ibuf [dreg:s7], $0x2FFFF;
	_ =	strace $0x9FFFFFFF  }
0xc2: {  	(tm) =	ssettm $0x7FFFFFFF  }
0xc3: {  	_ =	shalt  }
tec
execute0_lowered:
.L_overlay_start_1:
0x0: {  	(tag) =	ssettag $0x1  }
0x1: {  	s0 =	rddreg [dreg:$0x0];
	s2 =	stileid.u32  }
0x2: {  	s1 =	srdreg.scid;
	s5 =	simm.s32 $0x0;
	s4 =	smul.u32 $0x280, s2  }
0x3: {  	s12 =	simm.s32 $0x1;
	s1 =	sand.u32 $0x1, s1;
	s6 =	smul.u32 $0x2800, s2  }
0x4: {  	[smem:$0x7FF] =	sst s5;
	s26 =	sadd.s32 $0x13C8A00, s0;
	s3 =	smul.u32 $0x2800, s1  }
0x5: {  	_ =	strace $0x80000050;
	s7 =	ssub.s32 $0x2, s1;
	s1 =	smul.u32 $0x27100, s1  }
0x6: {  	[dreg:$0x3] =	wrdreg s26;
	s8 =	sadd.s32 s6, s0;
	s28 =	sshrl.u32 s7, $0x1  }
.Ltmp0:
0x7: {  	s3 =	sadd.s32 s4, s3;
	s29 =	ssub.s32 s7, s28;
	(pc) =	sbr.rel .LBB2_1-.Ltmp0, $4  }
0x8: {  	[dreg:$0x4] =	wrdreg s1;
	s30 =	sadd.s32 $0xB7600, s8;
	s3 =	sshll.u32 s3, $0x4  }
0x9: {  	[dreg:$0x5] =	wrdreg s30;
	s31 =	smax.u32 s29, $0x1;
	s0 =	sadd.s32 s3, s0  }
0xa: {  	s6 =	simm.s32 $0x0;
	[dreg:$0x7] =	wrdreg s31;
	s0 =	sadd.s32 $0xDF600, s0  }
0xb: {  	v1 =	vimm.s32 $0x0;
	v0 =	vmov s4;
	s1 =	simm.s32 $0x5000;
	s3 =	simm.s32 $0x2;
	[dreg:$0x6] =	wrdreg s0  }
.LBB2_14:
0xc: {  	s5 =	simm.s32 $0x0;
	s0 =	rddreg [dreg:$0x6];
	s1 =	simm.s32 $0x5000  }
0xd: {  	[hbm4b:s0+s5] =	stream.linear.scatter [tilespmem:s1], [sflag:$0x2], $0x14000, $0x38;
	[tilespmem:$0x19000] =	vst v63  }
0xe: {  	_ =	swait.ge [sflag:s3], $0x14000  }
0xf: {  	s6 =	rddreg [dreg:$0x8]  }
0x10: {  	s31 =	rddreg [dreg:$0x7];
	s6 =	sadd.s32 $0x1, s6  }
0x11: {  	p0 =	sne.s32 s6, s31  }
.Ltmp1:
0x12: {  	_ = 	snop;
	(pc) =	sbr.rel @!p0 .LBB2_15-.Ltmp1, $3  }
0x13: {  	_ =	sdelay $0x1  }
0x14: {  	[sflag:s3] =	ssyncset.done $0x0  }
0x15: {  	[sflag:s3] =	ssyncadd.s32 $0xFFFEC000  }
.LBB2_1:
0x16: {  	[dreg:$0x8] =	wrdreg s6  }
0x17: {  	s0 =	rddreg [dreg:$0x5]  }
0x18: {  	[tilespmem:s1], [sflag:$0x2] =	stream.linear.gather [hbm4b:s0+s5], $0x14000, $0x38;
	[tilespmem:$0x19000] =	vst v63  }
0x19: {  	_ =	swait.ge [sflag:s3], $0x14000  }
0x1a: {  	[sflag:s3] =	ssyncset.done $0x0  }
0x1b: {  	s0 =	simm.s32 $0x40;
	s1 =	simm.s32 $0x0;
	[sflag:s3] =	ssyncadd.s32 $0xFFFEC000  }
.LBB2_2:
0x1c: {  	p0 =	sne.s32 s0, $0x4E00;
	[tilespmem:s1+$0x1400] =	vst v1;
	s1 =	smov.u32 s0;
	s0 =	sadd.s32 $0x40, s0  }
.Ltmp2:
0x1d: {  	(pc) =	sbr.rel @p0 .LBB2_2-.Ltmp2, $2  }
0x1e: {  	_ =	sdelay $0x2  }
0x1f: {  	s1 =	sshra.s32 s1, $0x2  }
.Ltmp3:
0x20: {  	(pc) =	sbr.rel .LBB2_4-.Ltmp3, $2  }
0x21: {  	_ =	sdelay $0x2  }
0x22: {  	[tilespmem:s1+$0x1400] =	vst v1;
	s17 =	rddreg [dreg:$0x4];
	s0 =	simm.s32 $0x0  }
.LBB2_13:
0x23: {  	s0 =	rddreg [dreg:$0x9]  }
0x24: {  	s0 =	sadd.s32 $0x1, s0  }
0x25: {  	p0 =	sne.s32 s0, $0x20  }
.Ltmp4:
0x26: {  	_ = 	snop;
	(pc) =	sbr.rel @!p0 .LBB2_14-.Ltmp4, $2  }
0x27: {  	_ =	sdelay $0x2  }
0x28: {  	s17 =	sadd.s32 $0x1388, s17;
	s3 =	simm.s32 $0x2  }
.LBB2_4:
0x29: {  	s29 =	smul.u32 $0x1388, s0  }
0x2a: {  	s1 =	rddreg [dreg:$0x4]  }
0x2b: {  	[dreg:$0x9] =	wrdreg s0;
	s19 =	sadd.s32 s1, s29  }
0x2c: {  	s30 =	rddreg [dreg:$0x1];
	s0 =	sshrl.u32 s19, $0x3  }
0x2d: {  	s31 =	simm.s32 $0x0;
	s0 =	sadd.s32 s30, s0  }
0x2e: {  	[tilespmem:s31], [sflag:$0x2] =	stream.linear.gather [hbm4b:s0+s31], $0x1388, $0x38;
	[tilespmem:$0x19000] =	vst v63  }
0x2f: {  	_ =	swait.ge [sflag:s3], $0x1388  }
0x30: {  	[sflag:s3] =	ssyncset.done $0x0  }
0x31: {  	[sflag:s3] =	ssyncadd.s32 $0xFFFFEC78  }
0x32: {  	v2 =	vld [tilespmem:s31+$0x0];
	_ =	sdelay $0x4  }
0x33: {  	v2 =	vsub.s32 v2, v0  }
0x34: {  	vm0 =	vlt.u32 v2, $0x280  }
0x35: {  	v2 =	vsel vm0, $0x1, v1  }
0x36: {  	(v2sf) =	vpush v2, $0x3  }
0x37: {  	(v2sf) =	vpush v2, $0x2  }
0x38: {  	(v2sf) =	vpush v2, $0x1  }
0x39: {  	(v2sf) =	vpush v2, $0x0  }
0x3a: {  	(v2sf) =	vpush v2, $0xA  }
0x3b: {  	(v2sf) =	vpush v2, $0x4  }
0x3c: {  	(v2sf) =	vpush v2, $0xB  }
0x3d: {  	(v2sf) =	vpush v2, $0xD  }
0x3e: {  	s21 =	simm.s32 $0x10;
	(v2sf) =	vpush v2, $0x5  }
0x3f: {  	s22 =	simm.s32 $0x0;
	s20 =	simm.s32 $0x0;
	s23 =	simm.s32 $0x0;
	(v2sf) =	vpush v2, $0x9  }
.LBB2_5:
0x40: {  	s22 =	sadd.s32 $0x10, s22;
	(v2sf) =	vpush v2, $0x6;
	s24 =	smov.u32 s21;
	s21 =	sadd.s32 $0x10, s21  }
0x41: {  	p0 =	sne.s32 s21, $0x1380;
	(v2sf) =	vpush v2, $0x7;
	_ =	sdelay $0x3  }
0x42: {  	s0 =	spop (v2sf);
	(v2sf) =	vpush v2, $0xF  }
0x43: {  	p1 =	seq.s32 s0, $0x0;
	s1 =	spop (v2sf);
	(v2sf) =	vpush v2, $0x8  }
0x44: {  	s3 =	sadd.s32 s20, s17;
	s7 =	sadd.s32 @!p1 s20, s17;
	s8 =	spop (v2sf)  }
0x45: {  	p2 =	seq.s32 s8, $0x0;
	s7 =	sadd.s32 @!p1 $0x3, s7;
	s10 =	spop (v2sf)  }
0x46: {  	s29 =	sadd.s32 s23, s10;
	s26 =	sadd.s32 @!p2 s20, s17;
	v3 =	vmov @!p1 s7;
	s25 =	spop (v2sf);
	(v2sf) =	vpush v2, $0xE  }
0x47: {  	s7 =	sadd.s32 @!p2 $0x1, s26;
	s8 =	sadd.s32 s8, s29;
	s30 =	spop (v2sf);
	(v2sf) =	vpush v2, $0xC  }
0x48: {  	p3 =	seq.s32 s1, $0x0;
	v2 =	vmov @!p2 s7;
	s1 =	sadd.s32 s1, s8;
	s26 =	spop (v2sf)  }
0x49: {  	p4 =	seq.s32 s10, $0x0;
	s0 =	sadd.s32 s0, s1;
	s28 =	spop (v2sf)  }
0x4a: {  	v4 =	vmov @!p4 s3;
	s3 =	sadd.s32 @!p3 s20, s17;
	s7 =	sadd.s32 s30, s0;
	s10 =	spop (v2sf)  }
0x4b: {  	s3 =	sadd.s32 @!p3 $0x2, s3;
	p5 =	seq.s32 s30, $0x0;
	[tilespmem:s23+$0x1400] =	vst @!p4 v4;
	s23 =	spop (v2sf)  }
0x4c: {  	[tilespmem:s29+$0x1400] =	vst @!p2 v2;
	v2 =	vmov @!p3 s3;
	s3 =	sadd.s32 @!p5 s20, s17;
	p2 =	seq.s32 s10, $0x0;
	s29 =	spop (v2sf)  }
0x4d: {  	[tilespmem:s8+$0x1400] =	vst @!p3 v2;
	s3 =	sadd.s32 @!p5 $0x4, s3;
	p3 =	seq.s32 s29, $0x0;
	s8 =	spop (v2sf)  }
0x4e: {  	[tilespmem:s1+$0x1400] =	vst @!p1 v3;
	v2 =	vmov @!p5 s3;
	s1 =	sadd.s32 @!p3 s20, s17;
	p4 =	seq.s32 s8, $0x0  }
0x4f: {  	[tilespmem:s0+$0x1400] =	vst @!p5 v2;
	s0 =	sadd.s32 @!p3 $0x6, s1;
	s1 =	sadd.s32 @!p4 s20, s17  }
0x50: {  	s3 =	sadd.s32 s10, s7;
	p1 =	seq.s32 s23, $0x0;
	v2 =	vmov @!p3 s0;
	s0 =	sadd.s32 @!p4 $0x7, s1  }
0x51: {  	s1 =	sadd.s32 s29, s3;
	v3 =	vmov @!p4 s0;
	s0 =	sadd.s32 @!p1 s20, s17;
	s10 =	spop (v2sf)  }
0x52: {  	s8 =	sadd.s32 s8, s1;
	s0 =	sadd.s32 @!p1 $0x9, s0;
	s29 =	spop (v2sf)  }
0x53: {  	s30 =	sadd.s32 @!p2 s20, s17;
	p5 =	seq.s32 s29, $0x0;
	s29 =	sadd.s32 s29, s8;
	v4 =	vmov @!p1 s0  }
0x54: {  	s0 =	sadd.s32 @!p2 $0x5, s30;
	s30 =	sadd.s32 @!p5 s20, s17;
	s31 =	sadd.s32 s23, s29  }
0x55: {  	v5 =	vmov @!p2 s0;
	s0 =	sadd.s32 @!p5 $0x8, s30;
	s30 =	sadd.s32 s25, s31;
	s9 =	spop (v2sf)  }
0x56: {  	[tilespmem:s7+$0x1400] =	vst @!p2 v5;
	s7 =	sadd.s32 s26, s30;
	p2 =	seq.s32 s28, $0x0;
	s23 =	spop (v2sf)  }
0x57: {  	p6 =	seq.s32 s25, $0x0;
	[tilespmem:s3+$0x1400] =	vst @!p3 v2;
	p3 =	seq.s32 s23, $0x0;
	s3 =	sadd.s32 s23, s7  }
0x58: {  	v2 =	vmov @!p5 s0;
	s0 =	sadd.s32 @!p6 s20, s17;
	[tilespmem:s1+$0x1400] =	vst @!p4 v3;
	p4 =	seq.s32 s26, $0x0;
	s1 =	sadd.s32 s28, s3  }
0x59: {  	s0 =	sadd.s32 @!p6 $0xA, s0;
	[tilespmem:s8+$0x1400] =	vst @!p5 v2;
	s8 =	sadd.s32 @!p4 s20, s17;
	s25 =	sadd.s32 s9, s1  }
0x5a: {  	v2 =	vmov @!p6 s0;
	[tilespmem:s29+$0x1400] =	vst @!p1 v4;
	s0 =	sadd.s32 @!p4 $0xB, s8;
	s8 =	sadd.s32 @!p3 s20, s17;
	s23 =	sadd.s32 s10, s25  }
0x5b: {  	p1 =	seq.s32 s9, $0x0;
	[tilespmem:s31+$0x1400] =	vst @!p6 v2;
	v2 =	vmov @!p4 s0;
	s0 =	sadd.s32 @!p3 $0xC, s8;
	s8 =	sadd.s32 @!p2 s20, s17  }
0x5c: {  	[tilespmem:s30+$0x1400] =	vst @!p4 v2;
	v2 =	vmov @!p3 s0;
	s0 =	sadd.s32 @!p2 $0xD, s8;
	s8 =	sadd.s32 @!p1 s20, s17;
	p4 =	seq.s32 s10, $0x0  }
0x5d: {  	[tilespmem:s7+$0x1400] =	vst @!p3 v2;
	v2 =	vmov @!p2 s0;
	s0 =	sadd.s32 @!p1 $0xE, s8;
	s7 =	sadd.s32 @!p4 s20, s17;
	s20 =	smov.u32 s24  }
0x5e: {  	[tilespmem:s3+$0x1400] =	vst @!p2 v2;
	v2 =	vmov @!p1 s0;
	s0 =	sadd.s32 @!p4 $0xF, s7  }
0x5f: {  	[tilespmem:s1+$0x1400] =	vst @!p1 v2;
	v2 =	vmov @!p4 s0  }
0x60: {  	[tilespmem:s25+$0x1400] =	vst @!p4 v2;
	_ =	sdelay $0x1  }
0x61: {  	v2 =	vld [tilespmem:s22+$0x0];
	_ =	sdelay $0x4  }
0x62: {  	v2 =	vsub.s32 v2, v0  }
0x63: {  	vm0 =	vlt.u32 v2, $0x280  }
0x64: {  	v2 =	vsel vm0, $0x1, v1  }
0x65: {  	(v2sf) =	vpush v2, $0x3  }
0x66: {  	(v2sf) =	vpush v2, $0x2  }
0x67: {  	(v2sf) =	vpush v2, $0x1  }
0x68: {  	(v2sf) =	vpush v2, $0x0  }
0x69: {  	(v2sf) =	vpush v2, $0xA  }
.Ltmp5:
0x6a: {  	(v2sf) =	vpush v2, $0x4;
	(pc) =	sbr.rel @p0 .LBB2_5-.Ltmp5, $4  }
0x6b: {  	(v2sf) =	vpush v2, $0xB  }
0x6c: {  	(v2sf) =	vpush v2, $0xD  }
0x6d: {  	(v2sf) =	vpush v2, $0x5  }
0x6e: {  	(v2sf) =	vpush v2, $0x9  }
0x6f: {  	_ = 	snop  }
0x70: {  	(v2sf) =	vpush v2, $0x6  }
0x71: {  	(v2sf) =	vpush v2, $0x7  }
0x72: {  	(v2sf) =	vpush v2, $0xF  }
0x73: {  	(v2sf) =	vpush v2, $0x8  }
0x74: {  	s0 =	spop (v2sf)  }
0x75: {  	s1 =	spop (v2sf);
	p0 =	seq.s32 s0, $0x0  }
0x76: {  	s3 =	spop (v2sf);
	s5 =	simm.s32 @!p0 $0x0  }
0x77: {  	(v2sf) =	vpush v2, $0xE;
	s8 =	spop (v2sf);
	s5 =	simm.s32 @p0 $0x1;
	p1 =	seq.s32 s3, $0x0  }
0x78: {  	(v2sf) =	vpush v2, $0xC;
	s9 =	spop (v2sf);
	s15 =	sadd.s32 s23, s8;
	[smem:$0x7F9] =	sst s5  }
0x79: {  	s30 =	sadd.s32 @!p1 s20, s17;
	p2 =	seq.s32 s8, $0x0;
	s21 =	spop (v2sf)  }
0x7a: {  	s2 =	sadd.s32 s3, s15;
	s5 =	sadd.s32 @!p1 $0x1, s30;
	s8 =	simm.s32 @!p2 $0x0  }
0x7b: {  	s28 =	spop (v2sf);
	s6 =	sadd.s32 s1, s2;
	s8 =	simm.s32 @p2 $0x1  }
0x7c: {  	p2 =	seq.s32 s21, $0x0;
	s26 =	spop (v2sf);
	s11 =	sadd.s32 s0, s6  }
0x7d: {  	s0 =	sadd.s32 @!p0 s20, s17;
	[smem:$0x7F8] =	sst s8;
	s24 =	spop (v2sf)  }
0x7e: {  	s7 =	sadd.s32 s21, s11;
	s22 =	sadd.s32 @!p0 $0x3, s0;
	s25 =	spop (v2sf)  }
0x7f: {  	p0 =	seq.s32 s1, $0x0;
	s10 =	sadd.s32 s24, s7;
	s29 =	spop (v2sf)  }
0x80: {  	p3 =	seq.s32 s24, $0x0;
	p4 =	seq.s32 s25, $0x0;
	s18 =	spop (v2sf)  }
0x81: {  	s3 =	sadd.s32 s29, s10;
	p6 =	seq.s32 s29, $0x0;
	s13 =	spop (v2sf)  }
0x82: {  	s21 =	simm.s32 @!p4 $0x0;
	s0 =	sadd.s32 s18, s3;
	s14 =	spop (v2sf)  }
0x83: {  	p5 =	seq.s32 s18, $0x0;
	s21 =	simm.s32 @p4 $0x1;
	s1 =	sadd.s32 s14, s0  }
0x84: {  	[smem:$0x7FC] =	sst s21;
	p4 =	seq.s32 s14, $0x0;
	s31 =	sadd.s32 s25, s1  }
0x85: {  	s21 =	sadd.s32 @!p0 s20, s17;
	s14 =	simm.s32 @!p4 $0x0;
	s30 =	sadd.s32 s9, s31  }
0x86: {  	s8 =	spop (v2sf);
	s14 =	simm.s32 @p4 $0x1;
	p4 =	seq.s32 s26, $0x0  }
0x87: {  	s29 =	sadd.s32 s28, s30;
	s24 =	spop (v2sf);
	[smem:$0x7FA] =	sst s14  }
0x88: {  	s14 =	sadd.s32 @!p0 $0x2, s21;
	s21 =	simm.s32 @!p4 $0x0;
	s18 =	sadd.s32 s24, s29  }
0x89: {  	[dreg:$0xa] =	wrdreg s13;
	s21 =	simm.s32 @p4 $0x1;
	s25 =	sadd.s32 s26, s18  }
0x8a: {  	[smem:$0x7FD] =	sst s21;
	s26 =	sadd.s32 s8, s25  }
0x8b: {  	s21 =	sadd.s32 s13, s26;
	s13 =	sld [smem:$0x7F8]  }
0x8c: {  	p4 =	seq.s32 s9, $0x0  }
0x8d: {  	s9 =	simm.s32 @!p4 $0x0  }
0x8e: {  	s16 =	sadd.s32 s20, s17;
	s9 =	simm.s32 @p4 $0x1;
	p4 =	seq.s32 s13, $0x1  }
0x8f: {  	s13 =	sadd.s32 $0x4F, s21;
	v2 =	vmov @!p4 s16  }
0x90: {  	[tilespmem:s23+$0x1400] =	vst @!p4 v2;
	v2 =	vmov @!p1 s5;
	s23 =	sshra.s32 s13, $0x1F  }
0x91: {  	[tilespmem:s15+$0x1400] =	vst @!p1 v2;
	s15 =	smul.u32 $0x66666667, s23;
	s23 =	sld [smem:$0x7FC]  }
0x92: {  	_ =	sdelay $0x1  }
0x93: {  	p1 =	seq.s32 s23, $0x1;
	s23 =	sld [smem:$0x7F9]  }
0x94: {  	[smem:$0x7FB] =	sst s9;
	s9 =	sadd.s32 @!p2 s20, s17;
	s16 =	sadd.s32 @!p6 s20, s17  }
0x95: {  	s9 =	sadd.s32 @!p2 $0x4, s9;
	s5 =	sadd.s32 @!p6 $0x6, s16;
	v2 =	vmov @!p0 s14  }
0x96: {  	s16 =	sadd.s32 @!p5 s20, s17;
	[tilespmem:s2+$0x1400] =	vst @!p0 v2;
	p0 =	seq.s32 s23, $0x1;
	s23 =	sld [smem:$0x7FA]  }
0x97: {  	s14 =	sadd.s32 @!p5 $0x7, s16;
	s2 =	sadd.s32 @!p3 s20, s17;
	s16 =	sadd.s32 @!p1 s20, s17;
	v2 =	vmov @!p0 s22  }
0x98: {  	s2 =	sadd.s32 @!p3 $0x5, s2;
	[tilespmem:s6+$0x1400] =	vst @!p0 v2;
	s6 =	sadd.s32 @!p1 $0x9, s16;
	p0 =	seq.s32 s24, $0x0  }
0x99: {  	v2 =	vmov @!p2 s9;
	p1 =	seq.s32 s28, $0x0;
	p4 =	seq.s32 s23, $0x1;
	s23 =	smulhi.u32 $0x66666667, s13  }
0x9a: {  	s24 =	ssub.s32 $0xFFFFFFB1, s21;
	s28 =	sld [smem:$0x7FD];
	[tilespmem:s11+$0x1400] =	vst @!p2 v2;
	v2 =	vmov @!p3 s2;
	s22 =	sadd.s32 @!p4 s20, s17  }
0x9b: {  	[tilespmem:s7+$0x1400] =	vst @!p3 v2;
	v2 =	vmov @!p6 s5;
	s5 =	sadd.s32 @!p1 s20, s17;
	s23 =	sadd.s32 s15, s23;
	s15 =	sld [smem:$0x7FB]  }
0x9c: {  	[tilespmem:s10+$0x1400] =	vst @!p6 v2;
	v2 =	vmov @!p5 s14;
	s16 =	sshrl.u32 s23, $0x1F;
	s2 =	sshra.s32 s23, $0x5;
	s23 =	sld [smem:$0x7FC]  }
0x9d: {  	s9 =	sadd.s32 @!p4 $0x8, s22;
	[tilespmem:s3+$0x1400] =	vst @!p5 v2;
	s3 =	sadd.s32 @!p1 $0xB, s5;
	s5 =	sadd.s32 @!p0 s20, s17  }
0x9e: {  	p5 =	seq.s32 s28, $0x1;
	s2 =	sadd.s32 s16, s2;
	p2 =	seq.s32 s15, $0x1  }
0x9f: {  	v2 =	vmov @!p4 s9;
	s22 =	smul.u32 $0xFFFFFFB0, s2;
	s11 =	sadd.s32 @!p2 s20, s17;
	p3 =	seq.s32 s23, $0x1  }
0xa0: {  	[tilespmem:s0+$0x1400] =	vst @!p4 v2;
	s0 =	sadd.s32 @!p0 $0xC, s5;
	p6 =	por p2, p2;
	s7 =	sadd.s32 @!p2 $0xA, s11;
	v3 =	vmov @!p3 s6  }
0xa1: {  	p4 =	sne.s32 s22, s24;
	[tilespmem:s1+$0x1400] =	vst @!p3 v3;
	v2 =	vmov @!p6 s7;
	p3 =	slt.s32 s13, $0x1;
	s1 =	sadd.s32 @!p5 s20, s17  }
0xa2: {  	p2 =	seq.s32 s8, $0x0;
	[tilespmem:s31+$0x1400] =	vst @!p6 v2;
	v2 =	vmov @!p1 s3;
	s1 =	sadd.s32 @!p5 $0xD, s1;
	p3 =	por !p3, !p4  }
0xa3: {  	s31 =	rddreg [dreg:$0xa];
	[tilespmem:s30+$0x1400] =	vst @!p1 v2;
	v2 =	vmov @!p0 s0;
	p3 =	por !p3, !p3;
	s0 =	simm.s32 $0x1  }
0xa4: {  	s3 =	sadd.s32 @!p2 s20, s17;
	p1 =	seq.s32 s31, $0x0;
	s0 =	simm.s32 @!p3 $0x0  }
0xa5: {  	[tilespmem:s29+$0x1400] =	vst @!p0 v2;
	v2 =	vmov @!p5 s1;
	s1 =	sadd.s32 @!p2 $0xE, s3;
	s3 =	sadd.s32 @!p1 s20, s17;
	s20 =	ssub.s32 s2, s0  }
0xa6: {  	p0 =	slt.s32 s20, $0x1  }
.Ltmp6:
0xa7: {  	_ = 	snop;
	(pc) =	sbr.rel @p0 .LBB2_13-.Ltmp6, $4  }
0xa8: {  	_ = 	snop  }
0xa9: {  	[tilespmem:s18+$0x1400] =	vst @!p5 v2;
	v2 =	vmov @!p2 s1;
	s1 =	sadd.s32 @!p1 $0xF, s3  }
0xaa: {  	[tilespmem:s25+$0x1400] =	vst @!p2 v2;
	v2 =	vmov @!p1 s1  }
0xab: {  	s5 =	simm.s32 $0x2800;
	s2 =	rddreg [dreg:$0x3];
	s3 =	simm.s32 $0x50;
	[tilespmem:s26+$0x1400] =	vst @!p1 v2  }
.Ltmp7:
0xac: {  	(pc) =	sbr.rel .LBB2_8-.Ltmp7, $2  }
0xad: {  	_ =	sdelay $0x2  }
0xae: {  	s22 =	simm.s32 $0x0;
	s23 =	simm.s32 $0x1400;
	s24 =	smov.u32 s21  }
.LBB2_11:
0xaf: {  	[tilespmem:s29+$0x5070] =	vst v2  }
.LBB2_12:
0xb0: {  	s22 =	sadd.s32 $0x1, s22  }
0xb1: {  	p0 =	sne.s32 s22, s20  }
.Ltmp8:
0xb2: {  	_ = 	snop;
	(pc) =	sbr.rel @!p0 .LBB2_13-.Ltmp8, $2  }
0xb3: {  	_ =	sdelay $0x2  }
0xb4: {  	s24 =	sadd.s32 $0xFFFFFFB0, s24;
	s23 =	sadd.s32 $0x50, s23  }
.LBB2_8:
0xb5: {  	s0 =	smul.u32 $0x50, s22;
	_ =	sdelay $0x1  }
0xb6: {  	s1 =	sadd.s32 $0x1400, s0;
	s0 =	ssub.s32 s21, s0  }
0xb7: {  	p0 =	slt.s32 s0, $0x1  }
.Ltmp9:
0xb8: {  	_ = 	snop;
	(pc) =	sbr.rel @p0 .LBB2_12-.Ltmp9, $4  }
0xb9: {  	[tilespmem:s5], [sflag:$0x1] =	stream.indirect.gather [hbm4b:s2+s3], $0x80, s1, s3, $0xb8;
	[tilespmem:$0x19000] =	vst v63  }
0xba: {  	_ =	swait.ge [sflag:s12], $0x2800  }
0xbb: {  	[sflag:s12] =	ssyncset.done $0x0  }
0xbc: {  	[sflag:s12] =	ssyncadd.s32 $0xFFFFD800  }
0xbd: {  	v2 =	vld [tilespmem:s23+$0x0];
	_ =	sdelay $0x4  }
0xbe: {  	(v2sf) =	vpush v2, $0x0;
	_ =	sdelay $0xe  }
0xbf: {  	s0 =	spop (v2sf)  }
0xc0: {  	s0 =	ssub.s32 s0, s19  }
0xc1: {  	v2 =	vld [tilespmem:s0+$0x0];
	_ =	sdelay $0x4  }
0xc2: {  	(v2sf) =	vpush v2, $0x0;
	_ =	sdelay $0xe  }
0xc3: {  	s31 =	spop (v2sf)  }
0xc4: {  	s0 =	ssub.s32 s31, s4  }
0xc5: {  	s25 =	simm.s32 $0x2840;
	s0 =	sshll.u32 s0, $0x9  }
0xc6: {  	v2 =	vld [tilespmem:s25+$0xFFFFFFC0];
	s29 =	sshra.s32 s0, $0x2  }
0xc7: {  	v3 =	vld [tilespmem:s29+$0x5000];
	_ =	sdelay $0x4  }
0xc8: {  	v2 =	vadd.f32 v2, v3;
	_ =	sdelay $0x1  }
0xc9: {  	[tilespmem:s29+$0x5000] =	vst v2;
	v2 =	vld [tilespmem:s29+$0x5010]  }
0xca: {  	v3 =	vld [tilespmem:s25+$0xFFFFFFD0];
	_ =	sdelay $0x4  }
0xcb: {  	v2 =	vadd.f32 v3, v2;
	_ =	sdelay $0x1  }
0xcc: {  	[tilespmem:s29+$0x5010] =	vst v2;
	v2 =	vld [tilespmem:s29+$0x5020]  }
0xcd: {  	v3 =	vld [tilespmem:s25+$0xFFFFFFE0];
	_ =	sdelay $0x4  }
0xce: {  	v2 =	vadd.f32 v3, v2;
	_ =	sdelay $0x1  }
0xcf: {  	[tilespmem:s29+$0x5020] =	vst v2;
	v2 =	vld [tilespmem:s29+$0x5030]  }
0xd0: {  	v3 =	vld [tilespmem:s25+$0xFFFFFFF0];
	_ =	sdelay $0x4  }
0xd1: {  	v2 =	vadd.f32 v3, v2;
	_ =	sdelay $0x1  }
0xd2: {  	[tilespmem:s29+$0x5030] =	vst v2;
	v2 =	vld [tilespmem:s29+$0x5040]  }
0xd3: {  	v3 =	vld [tilespmem:s25+$0x0];
	_ =	sdelay $0x4  }
0xd4: {  	v2 =	vadd.f32 v3, v2;
	_ =	sdelay $0x1  }
0xd5: {  	[tilespmem:s29+$0x5040] =	vst v2;
	v2 =	vld [tilespmem:s29+$0x5050]  }
0xd6: {  	v3 =	vld [tilespmem:s25+$0x10];
	_ =	sdelay $0x4  }
0xd7: {  	v2 =	vadd.f32 v3, v2;
	_ =	sdelay $0x1  }
0xd8: {  	[tilespmem:s29+$0x5050] =	vst v2;
	v2 =	vld [tilespmem:s29+$0x5060]  }
0xd9: {  	v3 =	vld [tilespmem:s25+$0x20];
	_ =	sdelay $0x4  }
0xda: {  	v2 =	vadd.f32 v3, v2  }
0xdb: {  	p0 =	sgt.s32 s24, $0x1;
	s0 =	smov.u32 s24  }
0xdc: {  	s0 =	simm.s32 @!p0 $0x1;
	[tilespmem:s29+$0x5060] =	vst v2;
	v2 =	vld [tilespmem:s29+$0x5070]  }
0xdd: {  	s0 =	smin.u32 s0, $0x50;
	v3 =	vld [tilespmem:s25+$0x30]  }
0xde: {  	p0 =	sne.s32 s0, $0x1  }
.Ltmp10:
0xdf: {  	_ = 	snop;
	(pc) =	sbr.rel @!p0 .LBB2_11-.Ltmp10, $3  }
0xe0: {  	_ =	sdelay $0x1  }
0xe1: {  	v2 =	vadd.f32 v3, v2  }
0xe2: {  	s28 =	smov.u32 s23;
	s26 =	sadd.s32 $0xFFFFFFFF, s0  }
.LBB2_10:
0xe3: {  	p0 =	sne.s32 s26, $0x1;
	[tilespmem:s29+$0x5070] =	vst v2;
	s28 =	sadd.s32 $0x1, s28;
	s25 =	sadd.s32 $0x80, s25  }
0xe4: {  	s26 =	sadd.s32 $0xFFFFFFFF, s26;
	v2 =	vld [tilespmem:s28+$0x0];
	_ =	sdelay $0x4  }
0xe5: {  	(v2sf) =	vpush v2, $0x0;
	_ =	sdelay $0xe  }
0xe6: {  	s0 =	spop (v2sf)  }
0xe7: {  	s0 =	ssub.s32 s0, s19  }
0xe8: {  	v2 =	vld [tilespmem:s0+$0x0];
	_ =	sdelay $0x4  }
0xe9: {  	(v2sf) =	vpush v2, $0x0;
	_ =	sdelay $0xe  }
0xea: {  	s0 =	spop (v2sf)  }
0xeb: {  	s0 =	ssub.s32 s0, s4  }
0xec: {  	s0 =	sshll.u32 s0, $0x9  }
0xed: {  	s29 =	sshra.s32 s0, $0x2;
	v2 =	vld [tilespmem:s25+$0xFFFFFFC0]  }
0xee: {  	v3 =	vld [tilespmem:s29+$0x5000];
	_ =	sdelay $0x4  }
0xef: {  	v2 =	vadd.f32 v2, v3;
	_ =	sdelay $0x1  }
0xf0: {  	[tilespmem:s29+$0x5000] =	vst v2;
	v2 =	vld [tilespmem:s29+$0x5010]  }
0xf1: {  	v3 =	vld [tilespmem:s25+$0xFFFFFFD0];
	_ =	sdelay $0x4  }
0xf2: {  	v2 =	vadd.f32 v3, v2;
	_ =	sdelay $0x1  }
0xf3: {  	[tilespmem:s29+$0x5010] =	vst v2;
	v2 =	vld [tilespmem:s29+$0x5020]  }
0xf4: {  	v3 =	vld [tilespmem:s25+$0xFFFFFFE0];
	_ =	sdelay $0x4  }
0xf5: {  	v2 =	vadd.f32 v3, v2;
	_ =	sdelay $0x1  }
0xf6: {  	[tilespmem:s29+$0x5020] =	vst v2;
	v2 =	vld [tilespmem:s29+$0x5030]  }
0xf7: {  	v3 =	vld [tilespmem:s25+$0xFFFFFFF0];
	_ =	sdelay $0x4  }
0xf8: {  	v2 =	vadd.f32 v3, v2;
	_ =	sdelay $0x1  }
0xf9: {  	[tilespmem:s29+$0x5030] =	vst v2;
	v2 =	vld [tilespmem:s29+$0x5040]  }
0xfa: {  	v3 =	vld [tilespmem:s25+$0x0];
	_ =	sdelay $0x4  }
0xfb: {  	v2 =	vadd.f32 v3, v2;
	_ =	sdelay $0x1  }
0xfc: {  	[tilespmem:s29+$0x5040] =	vst v2;
	v2 =	vld [tilespmem:s29+$0x5050]  }
0xfd: {  	v3 =	vld [tilespmem:s25+$0x10];
	_ =	sdelay $0x4  }
0xfe: {  	v2 =	vadd.f32 v3, v2;
	_ =	sdelay $0x1  }
0xff: {  	[tilespmem:s29+$0x5050] =	vst v2;
	v2 =	vld [tilespmem:s29+$0x5060]  }
0x100: {  	v3 =	vld [tilespmem:s25+$0x20];
	_ =	sdelay $0x4  }
0x101: {  	v2 =	vadd.f32 v3, v2;
	_ =	sdelay $0x1  }
0x102: {  	[tilespmem:s29+$0x5060] =	vst v2;
	v2 =	vld [tilespmem:s29+$0x5070]  }
0x103: {  	v3 =	vld [tilespmem:s25+$0x30]  }
.Ltmp11:
0x104: {  	(pc) =	sbr.rel @p0 .LBB2_10-.Ltmp11, $2  }
0x105: {  	_ =	sdelay $0x2  }
0x106: {  	v2 =	vadd.f32 v3, v2  }
.Ltmp12:
0x107: {  	_ = 	snop;
	(pc) =	sbr.rel .LBB2_11-.Ltmp12, $1  }
0x108: {  	_ =	sdelay $0x3  }
.LBB2_15:
0x109: {  	_ =	sfence.sel $0x180000  }
0x10a: {  	[bflag:$0x0] =	sbarrier.arrive $0xFFFF  }
0x10b: {  	_ =	strace $0x90000050  }
0x10c: {  	s0 =	stileid.u32;
	[bflag:$0x2] =	sbarrier.arrive $0xFFFF  }
0x10d: {  	p0 =	sne.s32 s0, $0x0;
	s0 =	rddreg [dreg:$0x2]  }
0x10e: {  	s0 =	sadd.s32 @!p0 $0x100000, s0  }
0x10f: {  	[sflag:s0] =	ssyncadd.tile.s32 @!p0 $0x1;
	_ =	shalt  }
.Lfunc_end2:
_tile_overlayer_lowered:
.L_overlay_start_2:
0x110: {  	(tag) =	ssettag $0x2  }
0x111: {  	s0 =	rddreg [dreg:$0x0];
	s2 =	stileid.u32  }
0x112: {  	s1 =	rddreg [dreg:$0x1];
	p0 =	sne.s32 s2, $0x0  }
0x113: {  	s3 =	rddreg [dreg:$0x2];
	[bflag:$0x3] =	sbarrier.arrive $0xFFFF;
	s2 =	simm.s32 @!p0 $0x1C02  }
0x114: {  	[timem:s3], [sflag:s2] =	dma.local @!p0 [hbm:s0], s1  }
0x115: {  	s0 =	simm.s32 @!p0 $0x2  }
0x116: {  	_ =	swait.ge @!p0 [sflag:s0], s1  }
0x117: {  	s1 =	ssub.s32 @!p0 $0x0, s1;
	[sflag:s0] =	ssyncset.done @!p0 $0x0  }
0x118: {  	[sflag:s0] =	ssyncadd.s32 @!p0 s1  }
0x119: {  	[bflag:$0x3] =	sbarrier.arrive $0xFFFF  }
0x11a: {  	_ =	shalt  }

// kernel: kernel.5.cloned.1.call-start
scs
__scs_entry_jumppad:
0x0: {  	(pc) =	sbr.rel $0x88, $3  }
0x1: {  	(tag) =	ssettag $0x0;
	lr =	simm.s32 $0x1  }
0x2: {  	[smem:$0x3F91] =	sst lr;
	_ =	strace $0xD0000000  }
0x3: {  	_ = 	snop  }
0x4: {  	_ = 	snop  }
0x5: {  	_ = 	snop  }
0x6: {  	_ = 	snop  }
0x7: {  	_ = 	snop  }
__scs_overlays_trampoline_lowered:
0x8: {  	[smem:$0x3FA0] =	sst s0  }
0x9: {  	[smem:$0x3FA1] =	sst s1  }
0xa: {  	[smem:$0x3FA2] =	sst s2  }
0xb: {  	[smem:$0x3FA3] =	sst s3  }
0xc: {  	[smem:$0x3FA4] =	sst s4  }
0xd: {  	[smem:$0x3FA5] =	sst s5  }
0xe: {  	[smem:$0x3FA6] =	sst s6  }
0xf: {  	[smem:$0x3FA7] =	sst s7  }
0x10: {  	[smem:$0x3FA8] =	sst s8  }
0x11: {  	[smem:$0x3FA9] =	sst s9;
	s0 =	simm.s32 @!p0 $0x0  }
0x12: {  	s1 =	sld [smem:$0x3F8F];
	s0 =	simm.s32 @p0 $0x1  }
0x13: {  	[smem:$0x3FAA] =	sst s0;
	s0 =	simm.s32 @!p1 $0x0  }
0x14: {  	s2 =	sld [smem:$0x3F8E];
	s0 =	simm.s32 @p1 $0x1  }
0x15: {  	[smem:$0x3FAB] =	sst s0;
	s0 =	simm.s32 @!p2 $0x0  }
0x16: {  	s3 =	sld [smem:$0x3FDB];
	s0 =	simm.s32 @p2 $0x1  }
0x17: {  	s4 =	simm.s32 $0x1BF5;
	[smem:$0x3FAD] =	sst s0  }
0x18: {  	s0 =	sld [smem:$0x3F90];
	_ =	swait.ge [sflag:s4], $0x0  }
0x19: {  	s7 =	sld [smem:$0x3F91]  }
0x1a: {  	s8 =	sadd.s32 $0xFFFFE003, lr  }
0x1b: {  	s9 =	sadd.s32 $0xFFFFFEF7, lr;
	s5 =	simm.s32 $0xFFFFFFFF;
	p2 =	slt.u32 s8, $0xFFFFF086  }
0x1c: {  	p1 =	slt.u32 s9, $0xF7A;
	s5 =	simm.s32 @!p2 $0x0  }
0x1d: {  	s5 =	simm.s32 @p1 $0x1;
	p0 =	seq.s32 s7, s2  }
0x1e: {  	s7 =	smul.u32 @!p0 $0xF7A, s2;
	p2 =	seq.s32 @!p0 s5, $0x0  }
0x1f: {  	s9 =	smul.u32 $0xF7A, s1;
	s8 =	simm.s32 @!p0 $0x1BF5;
	p2 =	por !p2, p0  }
0x20: {  	[sflag:s8] =	ssyncset.s32 @!p0 $0xFFFFF086;
	s6 =	sadd.s32 @!p0 s3, s7;
	s7 =	simm.s32 @!p0 $0x108  }
0x21: {  	s3 =	sadd.s32 s3, s9;
	s6 =	sadd.s32 @!p0 $0x88, s6;
	s7 =	simm.s32 @p2 $0x1082  }
0x22: {  	[simem:s7], [sflag:s8] =	dma.local @!p0 [hbm:s6], $0xF7A  }
0x23: {  	s9 =	sor.u32 $0xD0000000, s2;
	s6 =	simm.s32 $0x108;
	_ =	swait.ge @!p0 [sflag:s8], $0x0  }
0x24: {  	s3 =	sadd.s32 $0x88, s3;
	s6 =	simm.s32 @!p1 $0x1082;
	[sflag:s4] =	ssyncset.s32 $0xFFFFF086  }
0x25: {  	[simem:s6], [sflag:s4] =	dma.local [hbm:s3], $0xF7A  }
0x26: {  	[smem:$0x3F91] =	sst s1;
	(tag) =	ssettag s2;
	_ =	strace s9  }
0x27: {  	s1 =	sld [smem:$0x3FA1]  }
0x28: {  	s2 =	sld [smem:$0x3FA2]  }
0x29: {  	s4 =	sld [smem:$0x3FA4]  }
0x2a: {  	p0 =	seq.s32 s5, $0x0;
	s5 =	sld [smem:$0x3FA5]  }
0x2b: {  	s6 =	sld [smem:$0x3FA6]  }
0x2c: {  	s7 =	sld [smem:$0x3FA7]  }
0x2d: {  	s3 =	simm.s32 $0x108;
	s8 =	sld [smem:$0x3FA8]  }
0x2e: {  	s3 =	simm.s32 @!p0 $0x1082;
	s9 =	sld [smem:$0x3FA9]  }
0x2f: {  	lr =	sadd.s32 s0, s3;
	s0 =	sld [smem:$0x3FA0]  }
0x30: {  	s3 =	sld [smem:$0x3FA3]  }
0x31: {  	[smem:$0x3FAC] =	sst s10  }
0x32: {  	s10 =	sld [smem:$0x3FAA];
	_ =	sdelay $0x3  }
0x33: {  	p0 =	seq.s32 s10, $0x1;
	s10 =	sld [smem:$0x3FAC];
	_ =	sdelay $0x3  }
0x34: {  	[smem:$0x3FAC] =	sst s10  }
0x35: {  	s10 =	sld [smem:$0x3FAB];
	_ =	sdelay $0x3  }
0x36: {  	p1 =	seq.s32 s10, $0x1;
	s10 =	sld [smem:$0x3FAC];
	_ =	sdelay $0x3  }
0x37: {  	[smem:$0x3FAC] =	sst s10  }
0x38: {  	s10 =	sld [smem:$0x3FAD]  }
0x39: {  	_ = 	snop;
	(pc) =	sbr.ind lr, $3  }
0x3a: {  	_ = 	snop  }
0x3b: {  	_ = 	snop  }
0x3c: {  	p2 =	seq.s32 s10, $0x1;
	s10 =	sld [smem:$0x3FAC]  }
0x3d: {  	_ =	shalt  }
0x3e: {  	_ =	shalt  }
0x3f: {  	_ =	shalt  }
0x40: {  	_ =	shalt  }
0x41: {  	_ =	shalt  }
0x42: {  	_ =	shalt  }
0x43: {  	_ =	shalt  }
0x44: {  	_ =	shalt  }
0x45: {  	_ =	shalt  }
0x46: {  	_ =	shalt  }
0x47: {  	_ =	shalt  }
0x48: {  	_ =	shalt  }
0x49: {  	_ =	shalt  }
0x4a: {  	_ =	shalt  }
0x4b: {  	_ =	shalt  }
0x4c: {  	_ =	shalt  }
0x4d: {  	_ =	shalt  }
0x4e: {  	_ =	shalt  }
0x4f: {  	_ =	shalt  }
0x50: {  	_ =	shalt  }
0x51: {  	_ =	shalt  }
0x52: {  	_ =	shalt  }
0x53: {  	_ =	shalt  }
0x54: {  	_ =	shalt  }
0x55: {  	_ =	shalt  }
0x56: {  	_ =	shalt  }
0x57: {  	_ =	shalt  }
0x58: {  	_ =	shalt  }
0x59: {  	_ =	shalt  }
0x5a: {  	_ =	shalt  }
0x5b: {  	_ =	shalt  }
0x5c: {  	_ =	shalt  }
0x5d: {  	_ =	shalt  }
0x5e: {  	_ =	shalt  }
0x5f: {  	_ =	shalt  }
0x60: {  	_ =	shalt  }
0x61: {  	_ =	shalt  }
0x62: {  	_ =	shalt  }
0x63: {  	_ =	shalt  }
0x64: {  	_ =	shalt  }
0x65: {  	_ =	shalt  }
0x66: {  	_ =	shalt  }
0x67: {  	_ =	shalt  }
0x68: {  	_ =	shalt  }
0x69: {  	_ =	shalt  }
0x6a: {  	_ =	shalt  }
0x6b: {  	_ =	shalt  }
0x6c: {  	_ =	shalt  }
0x6d: {  	_ =	shalt  }
0x6e: {  	_ =	shalt  }
0x6f: {  	_ =	shalt  }
0x70: {  	_ =	shalt  }
0x71: {  	_ =	shalt  }
0x72: {  	_ =	shalt  }
0x73: {  	_ =	shalt  }
0x74: {  	_ =	shalt  }
0x75: {  	_ =	shalt  }
0x76: {  	_ =	shalt  }
0x77: {  	_ =	shalt  }
0x78: {  	_ =	shalt  }
0x79: {  	_ =	shalt  }
0x7a: {  	_ =	shalt  }
0x7b: {  	_ =	shalt  }
0x7c: {  	_ =	shalt  }
0x7d: {  	_ =	shalt  }
0x7e: {  	_ =	shalt  }
0x7f: {  	_ =	shalt  }
0x80: {  	_ =	shalt  }
0x81: {  	_ =	shalt  }
0x82: {  	_ =	shalt  }
0x83: {  	_ =	shalt  }
0x84: {  	_ =	shalt  }
0x85: {  	_ =	shalt  }
0x86: {  	_ =	shalt  }
0x87: {  	_ =	shalt  }
.Lfunc_end0:
.L_simem_size_0:
called_computation.3_lowered:
.L_overlay_start_0:
0x88: {  	s2 =	sld [smem:$0x3FD9]  }
0x89: {  	s3 =	sld [smem:$0x3FFE];
	_ =	sdelay $0x1  }
0x8a: {  	s1 =	srdreg.scid  }
0x8b: {  	s0 =	sand.u32 $0x1, s1  }
0x8c: {  	s17 =	sshll.u32 s0, $0xA;
	s2 =	sadd.s32 s3, s2  }
0x8d: {  	s2 =	sadd.s32 s2, s17  }
0x8e: {  	[smem:$0x3FB8] =	sst s2  }
0x8f: {  	_ = 	snop  }
0x90: {  	s18 =	sld [smem:$0x3FC9]  }
0x91: {  	s4 =	sld [smem:$0x3FC4];
	(tm) =	ssettm $0x1  }
0x92: {  	s19 =	sld [smem:$0x3FFB];
	_ =	sdelay $0x3  }
0x93: {  	_ =	strace s19  }
0x94: {  	s2 =	sld [smem:$0x3FFC];
	_ =	sdelay $0x3  }
0x95: {  	_ =	strace s2  }
0x96: {  	s2 =	sld [smem:$0x3FFD];
	_ =	sdelay $0x3  }
0x97: {  	_ =	strace s2  }
0x98: {  	_ =	strace $0x8FFFFFFF  }
0x99: {  	s20 =	sld [smem:$0x3FDB];
	_ =	sdelay $0x1  }
0x9a: {  	s5 =	simm.s32 $_scs_section_size  }
0x9b: {  	s6 =	simm.s32 $_size__tile_overlayer_lowered;
	s7 =	simm.s32 $_tile_overlayer_lowered  }
0x9c: {  	s8 =	simm.s32 $0x1BFF;
	s21 =	sshll.u32 s7, $0x1;
	s5 =	sadd.s32 s5, s20  }
0x9d: {  	s22 =	simm.s32 $0x0;
	s6 =	sshll.u32 s6, $0x1;
	s7 =	sadd.s32 s21, s5  }
0x9e: {  	[timem:s22], [sflag:s8] =	dma.local [hbm:s7], s6  }
0x9f: {  	_ =	swait.ge [sflag:s8], s6  }
0xa0: {  	s6 =	ssub.s32 $0x0, s6;
	[sflag:s8] =	ssyncset.done $0x0  }
0xa1: {  	[sflag:s8] =	ssyncadd.s32 s6;
	_ =	sdelay $0x1  }
0xa2: {  	s23 =	simm.s32 $0x1B8B  }
0xa3: {  	_ =	swait.ge [sflag:s23], $0x1  }
0xa4: {  	[sflag:s23] =	ssyncset.done $0x0  }
0xa5: {  	[sflag:s23] =	ssyncadd.s32 $0xFFFFFFFF  }
0xa6: {  	s6 =	sld [smem:$0x0]  }
0xa7: {  	s7 =	sand.u32 $0xFFFFFFFE, s1  }
0xa8: {  	p0 =	sne.s32 s1, s7  }
0xa9: {  	s7 =	sshll.u32 @p0 s7, $0xE  }
0xaa: {  	s7 =	sadd.s32 @p0 $0x11B8D, s7;
	s8 =	sshll.u32 @p0 s6, $0x11  }
0xab: {  	s7 =	sor.u32 @p0 s8, s7  }
0xac: {  	[sflag:s7] =	ssyncadd.remote.s32 @p0 $0x1;
	_ =	sdelay $0x1  }
0xad: {  	s7 =	simm.s32 @p0 $0x1B8D  }
0xae: {  	_ =	swait.eq @p0 [sflag:s7], $0x1  }
0xaf: {  	[sflag:s7] =	ssyncadd.s32 @p0 $0xFFFFFFFF  }
0xb0: {  	s8 =	sshll.u32 @!p0 s1, $0xE  }
0xb1: {  	s8 =	sor.u32 @!p0 $0x4000, s8;
	s7 =	simm.s32 @!p0 $0x1B8D  }
0xb2: {  	s6 =	sshll.u32 @!p0 s6, $0x11;
	s8 =	sadd.s32 @!p0 $0x11B8D, s8;
	_ =	swait.eq @!p0 [sflag:s7], $0x1  }
0xb3: {  	s6 =	sor.u32 @!p0 s6, s8;
	[sflag:s7] =	ssyncadd.s32 @!p0 $0xFFFFFFFF  }
0xb4: {  	s25 =	simm.s32 $0x1B8E;
	s24 =	sld [smem:$0x3FFE];
	[sflag:s6] =	ssyncadd.remote.s32 @!p0 $0x1  }
0xb5: {  	s26 =	simm.s32 $execute0_lowered;
	[smem:$0x3FD2] =	sst s25  }
0xb6: {  	s7 =	sshll.u32 s26, $0x1;
	_ =	strace $0x80000049;
	[dreg:$0x1] =	wrdreg $0xFFFFFFFF  }
0xb7: {  	s28 =	simm.s32 $_size_execute0_lowered;
	s5 =	sadd.s32 s5, s7;
	[dreg:$0x0] =	wrdreg $0x0  }
0xb8: {  	s7 =	sshll.u32 s28, $0x1;
	[dreg:$0x2] =	wrdreg s5  }
0xb9: {  	[dreg:$0x3] =	wrdreg s7  }
0xba: {  	[dreg:$0x4] =	wrdreg $0xC0  }
0xbb: {  	_ =	task [dreg:s22], $0x5FFFF  }
0xbc: {  	[dreg:$0x1] =	wrdreg $0xFFFFFFFF  }
0xbd: {  	[dreg:$0x0] =	wrdreg $0x60  }
0xbe: {  	[dreg:$0x2] =	wrdreg s4  }
0xbf: {  	[dreg:$0x3] =	wrdreg s18  }
0xc0: {  	[dreg:$0x4] =	wrdreg s24  }
0xc1: {  	[dreg:$0x5] =	wrdreg $0xA  }
0xc2: {  	_ =	task.clear_ibuf [dreg:s22], $0x6FFFF;
	_ =	strace $0x90000049  }
0xc3: {  	s29 =	simm.s32 $0xA;
	_ =	strace $0x8000004B  }
0xc4: {  	_ =	swait.ge [sflag:s29], $0x1  }
0xc5: {  	[sflag:s29] =	ssyncadd.s32 $0xFFFFFFFF  }
0xc6: {  	_ =	strace $0x9000004B  }
0xc7: {  	_ =	sfence  }
0xc8: {  	s30 =	sld [smem:$0x0];
	_ =	sdelay $0x2  }
0xc9: {  	s31 =	sshll.u32 s1, $0xD;
	s1 =	sshrl.u32 s1, $0x2  }
0xca: {  	s4 =	sand.u32 $0x4000, s31;
	s1 =	sadd.s32 s1, s30  }
0xcb: {  	s0 =	sor.u32 s4, s0;
	s1 =	sshll.u32 s1, $0x11  }
0xcc: {  	s0 =	sor.u32 s1, s0  }
0xcd: {  	s0 =	sadd.s32 $0x8F2B, s0  }
0xce: {  	[sflag:s0] =	ssyncadd.remote.s32 $0x1  }
0xcf: {  	_ =	sfence.sel $0xFFFF  }
0xd0: {  	[dreg:$0x0] =	wrdreg $0xFFFFFFFF;
	(pc) =	sbr.abs _section_cstart, $3  }
0xd1: {  	[dreg:$0x1] =	wrdreg $0xFFFFFFFF  }
0xd2: {  	_ =	task.clear_ibuf [dreg:s22], $0x2FFFF;
	_ =	strace $0x9FFFFFFF  }
0xd3: {  	(tm) =	ssettm $0x7FFFFFFF  }
tec
execute0_lowered:
.L_overlay_start_1:
0x0: {  	(tag) =	ssettag $0x1  }
0x1: {  	s0 =	srdreg.scid  }
0x2: {  	s17 =	sand.u32 $0x1, s0  }
0x3: {  	s1 =	stileid.u32;
	s4 =	sshll.u32 s17, $0x4  }
0x4: {  	s10 =	sor.u32 s1, s4  }
0x5: {  	p0 =	sgt.u32 s10, $0x18  }
.Ltmp0:
0x6: {  	s2 =	rddreg [dreg:$0x0];
	(pc) =	sbr.rel @p0 .LBB2_4-.Ltmp0, $4  }
0x7: {  	s16 =	rddreg [dreg:$0x1]  }
0x8: {  	s9 =	rddreg [dreg:$0x2];
	s3 =	simm.s32 $0x0  }
0x9: {  	[smem:$0x7FF] =	sst s3  }
0xa: {  	s0 =	rddreg [dreg:$0x3];
	_ =	strace $0x8000004A  }
0xb: {  	s19 =	smul.u32 $0x190, s10;
	_ =	sdelay $0x1  }
0xc: {  	s4 =	sshrl.u32 s19, $0x3  }
0xd: {  	s5 =	sadd.s32 s16, s4;
	s4 =	simm.s32 $0x2  }
0xe: {  	[tilespmem:s3], [sflag:$0x2] =	stream.linear.gather [hbm4b:s5+s3], $0x50, $0x38;
	[tilespmem:$0x2880] =	vst v63  }
0xf: {  	_ =	swait.ge [sflag:s4], $0x50  }
0x10: {  	s6 =	simm.s32 $0x50;
	[sflag:s4] =	ssyncset.done $0x0  }
0x11: {  	s7 =	simm.s32 $0x80;
	s8 =	simm.s32 $0x1;
	[sflag:s4] =	ssyncadd.s32 $0xFFFFFFB0  }
0x12: {  	[tilespmem:s7], [sflag:$0x1] =	stream.indirect.gather [hbm4b:s2+s6], $0x80, s3, s6, $0xb8;
	[tilespmem:$0x2880] =	vst v63  }
0x13: {  	s26 =	smul.u32 $0x1900, s10;
	_ =	swait.ge [sflag:s8], $0x2800  }
0x14: {  	s18 =	sadd.s32 $0x19400, s9;
	[sflag:s8] =	ssyncset.done $0x0  }
0x15: {  	s9 =	sadd.s32 s18, s26;
	[sflag:s8] =	ssyncadd.s32 $0xFFFFD800  }
0x16: {  	[hbm4b:s9+s3] =	stream.linear.scatter [tilespmem:s7], [sflag:$0x2], $0x2800, $0x38;
	[tilespmem:$0x2880] =	vst v63  }
0x17: {  	s11 =	sadd.s32 $0x50, s19;
	_ =	swait.ge [sflag:s4], $0x2800  }
0x18: {  	s28 =	sshrl.u32 s11, $0x3;
	[sflag:s4] =	ssyncset.done $0x0  }
0x19: {  	s10 =	sadd.s32 s16, s28;
	[sflag:s4] =	ssyncadd.s32 $0xFFFFD800  }
0x1a: {  	[tilespmem:s3], [sflag:$0x2] =	stream.linear.gather [hbm4b:s10+s3], $0x50, $0x38;
	[tilespmem:$0x2880] =	vst v63  }
0x1b: {  	_ =	swait.ge [sflag:s4], $0x50  }
0x1c: {  	[sflag:s4] =	ssyncset.done $0x0  }
0x1d: {  	[sflag:s4] =	ssyncadd.s32 $0xFFFFFFB0  }
0x1e: {  	[tilespmem:s7], [sflag:$0x1] =	stream.indirect.gather [hbm4b:s2+s6], $0x80, s3, s6, $0xb8;
	[tilespmem:$0x2880] =	vst v63  }
0x1f: {  	_ =	swait.ge [sflag:s8], $0x2800  }
0x20: {  	s11 =	sshll.u32 s11, $0x4;
	[sflag:s8] =	ssyncset.done $0x0  }
0x21: {  	s11 =	sadd.s32 s18, s11;
	[sflag:s8] =	ssyncadd.s32 $0xFFFFD800  }
0x22: {  	[hbm4b:s11+s3] =	stream.linear.scatter [tilespmem:s7], [sflag:$0x2], $0x2800, $0x38;
	[tilespmem:$0x2880] =	vst v63  }
0x23: {  	s13 =	sadd.s32 $0xA0, s19;
	_ =	swait.ge [sflag:s4], $0x2800  }
0x24: {  	s12 =	sshrl.u32 s13, $0x3;
	[sflag:s4] =	ssyncset.done $0x0  }
0x25: {  	s12 =	sadd.s32 s16, s12;
	[sflag:s4] =	ssyncadd.s32 $0xFFFFD800  }
0x26: {  	[tilespmem:s3], [sflag:$0x2] =	stream.linear.gather [hbm4b:s12+s3], $0x50, $0x38;
	[tilespmem:$0x2880] =	vst v63  }
0x27: {  	_ =	swait.ge [sflag:s4], $0x50  }
0x28: {  	[sflag:s4] =	ssyncset.done $0x0  }
0x29: {  	[sflag:s4] =	ssyncadd.s32 $0xFFFFFFB0  }
0x2a: {  	[tilespmem:s7], [sflag:$0x1] =	stream.indirect.gather [hbm4b:s2+s6], $0x80, s3, s6, $0xb8;
	[tilespmem:$0x2880] =	vst v63  }
0x2b: {  	_ =	swait.ge [sflag:s8], $0x2800  }
0x2c: {  	s13 =	sshll.u32 s13, $0x4;
	[sflag:s8] =	ssyncset.done $0x0  }
0x2d: {  	s13 =	sadd.s32 s18, s13;
	[sflag:s8] =	ssyncadd.s32 $0xFFFFD800  }
0x2e: {  	[hbm4b:s13+s3] =	stream.linear.scatter [tilespmem:s7], [sflag:$0x2], $0x2800, $0x38;
	[tilespmem:$0x2880] =	vst v63  }
0x2f: {  	s15 =	sadd.s32 $0xF0, s19;
	_ =	swait.ge [sflag:s4], $0x2800  }
0x30: {  	s14 =	sshrl.u32 s15, $0x3;
	[sflag:s4] =	ssyncset.done $0x0  }
0x31: {  	s14 =	sadd.s32 s16, s14;
	[sflag:s4] =	ssyncadd.s32 $0xFFFFD800  }
0x32: {  	[tilespmem:s3], [sflag:$0x2] =	stream.linear.gather [hbm4b:s14+s3], $0x50, $0x38;
	[tilespmem:$0x2880] =	vst v63  }
0x33: {  	_ =	swait.ge [sflag:s4], $0x50  }
0x34: {  	[sflag:s4] =	ssyncset.done $0x0  }
0x35: {  	[sflag:s4] =	ssyncadd.s32 $0xFFFFFFB0  }
0x36: {  	[tilespmem:s7], [sflag:$0x1] =	stream.indirect.gather [hbm4b:s2+s6], $0x80, s3, s6, $0xb8;
	[tilespmem:$0x2880] =	vst v63  }
0x37: {  	_ =	swait.ge [sflag:s8], $0x2800  }
0x38: {  	s15 =	sshll.u32 s15, $0x4;
	[sflag:s8] =	ssyncset.done $0x0  }
0x39: {  	s15 =	sadd.s32 s18, s15;
	[sflag:s8] =	ssyncadd.s32 $0xFFFFD800  }
0x3a: {  	[hbm4b:s15+s3] =	stream.linear.scatter [tilespmem:s7], [sflag:$0x2], $0x2800, $0x38;
	[tilespmem:$0x2880] =	vst v63  }
0x3b: {  	s19 =	sadd.s32 $0x140, s19;
	_ =	swait.ge [sflag:s4], $0x2800  }
0x3c: {  	s20 =	sshrl.u32 s19, $0x3;
	[sflag:s4] =	ssyncset.done $0x0  }
0x3d: {  	s17 =	ssub.s32 $0x2, s17;
	s16 =	sadd.s32 s16, s20;
	[sflag:s4] =	ssyncadd.s32 $0xFFFFD800  }
0x3e: {  	[tilespmem:s3], [sflag:$0x2] =	stream.linear.gather [hbm4b:s16+s3], $0x50, $0x38;
	[tilespmem:$0x2880] =	vst v63  }
0x3f: {  	s29 =	sshrl.u32 s17, $0x1;
	_ =	swait.ge [sflag:s4], $0x50  }
0x40: {  	s20 =	ssub.s32 s17, s29;
	[sflag:s4] =	ssyncset.done $0x0  }
0x41: {  	s31 =	smax.u32 s20, $0x1;
	[sflag:s4] =	ssyncadd.s32 $0xFFFFFFB0  }
0x42: {  	[tilespmem:s7], [sflag:$0x1] =	stream.indirect.gather [hbm4b:s2+s6], $0x80, s3, s6, $0xb8;
	[tilespmem:$0x2880] =	vst v63  }
0x43: {  	p0 =	sne.s32 s31, $0x1;
	_ =	swait.ge [sflag:s8], $0x2800  }
.Ltmp1:
0x44: {  	s30 =	sshll.u32 s19, $0x4;
	[sflag:s8] =	ssyncset.done $0x0;
	(pc) =	sbr.rel @!p0 .LBB2_3-.Ltmp1, $4  }
0x45: {  	s17 =	sadd.s32 s18, s30;
	[sflag:s8] =	ssyncadd.s32 $0xFFFFD800  }
0x46: {  	[hbm4b:s17+s3] =	stream.linear.scatter [tilespmem:s7], [sflag:$0x2], $0x2800, $0x38;
	[tilespmem:$0x2880] =	vst v63  }
0x47: {  	_ =	swait.ge [sflag:s4], $0x2800  }
0x48: {  	s18 =	sadd.s32 $0xFFFFFFFF, s31;
	[sflag:s4] =	ssyncset.done $0x0  }
.LBB2_2:
0x49: {  	p0 =	sne.s32 s18, $0x1;
	s18 =	sadd.s32 $0xFFFFFFFF, s18;
	[sflag:s4] =	ssyncadd.s32 $0xFFFFD800  }
0x4a: {  	[tilespmem:s3], [sflag:$0x2] =	stream.linear.gather [hbm4b:s5+s3], $0x50, $0x38;
	[tilespmem:$0x2880] =	vst v63  }
0x4b: {  	_ =	swait.ge [sflag:s4], $0x50  }
0x4c: {  	[sflag:s4] =	ssyncset.done $0x0  }
0x4d: {  	[sflag:s4] =	ssyncadd.s32 $0xFFFFFFB0  }
0x4e: {  	[tilespmem:s7], [sflag:$0x1] =	stream.indirect.gather [hbm4b:s2+s6], $0x80, s3, s6, $0xb8;
	[tilespmem:$0x2880] =	vst v63  }
0x4f: {  	_ =	swait.ge [sflag:s8], $0x2800  }
0x50: {  	[sflag:s8] =	ssyncset.done $0x0  }
0x51: {  	[sflag:s8] =	ssyncadd.s32 $0xFFFFD800  }
0x52: {  	[hbm4b:s9+s3] =	stream.linear.scatter [tilespmem:s7], [sflag:$0x2], $0x2800, $0x38;
	[tilespmem:$0x2880] =	vst v63  }
0x53: {  	_ =	swait.ge [sflag:s4], $0x2800  }
0x54: {  	[sflag:s4] =	ssyncset.done $0x0  }
0x55: {  	[sflag:s4] =	ssyncadd.s32 $0xFFFFD800  }
0x56: {  	[tilespmem:s3], [sflag:$0x2] =	stream.linear.gather [hbm4b:s10+s3], $0x50, $0x38;
	[tilespmem:$0x2880] =	vst v63  }
0x57: {  	_ =	swait.ge [sflag:s4], $0x50  }
0x58: {  	[sflag:s4] =	ssyncset.done $0x0  }
0x59: {  	[sflag:s4] =	ssyncadd.s32 $0xFFFFFFB0  }
0x5a: {  	[tilespmem:s7], [sflag:$0x1] =	stream.indirect.gather [hbm4b:s2+s6], $0x80, s3, s6, $0xb8;
	[tilespmem:$0x2880] =	vst v63  }
0x5b: {  	_ =	swait.ge [sflag:s8], $0x2800  }
0x5c: {  	[sflag:s8] =	ssyncset.done $0x0  }
0x5d: {  	[sflag:s8] =	ssyncadd.s32 $0xFFFFD800  }
0x5e: {  	[hbm4b:s11+s3] =	stream.linear.scatter [tilespmem:s7], [sflag:$0x2], $0x2800, $0x38;
	[tilespmem:$0x2880] =	vst v63  }
0x5f: {  	_ =	swait.ge [sflag:s4], $0x2800  }
0x60: {  	[sflag:s4] =	ssyncset.done $0x0  }
0x61: {  	[sflag:s4] =	ssyncadd.s32 $0xFFFFD800  }
0x62: {  	[tilespmem:s3], [sflag:$0x2] =	stream.linear.gather [hbm4b:s12+s3], $0x50, $0x38;
	[tilespmem:$0x2880] =	vst v63  }
0x63: {  	_ =	swait.ge [sflag:s4], $0x50  }
0x64: {  	[sflag:s4] =	ssyncset.done $0x0  }
0x65: {  	[sflag:s4] =	ssyncadd.s32 $0xFFFFFFB0  }
0x66: {  	[tilespmem:s7], [sflag:$0x1] =	stream.indirect.gather [hbm4b:s2+s6], $0x80, s3, s6, $0xb8;
	[tilespmem:$0x2880] =	vst v63  }
0x67: {  	_ =	swait.ge [sflag:s8], $0x2800  }
0x68: {  	[sflag:s8] =	ssyncset.done $0x0  }
0x69: {  	[sflag:s8] =	ssyncadd.s32 $0xFFFFD800  }
0x6a: {  	[hbm4b:s13+s3] =	stream.linear.scatter [tilespmem:s7], [sflag:$0x2], $0x2800, $0x38;
	[tilespmem:$0x2880] =	vst v63  }
0x6b: {  	_ =	swait.ge [sflag:s4], $0x2800  }
0x6c: {  	[sflag:s4] =	ssyncset.done $0x0  }
0x6d: {  	[sflag:s4] =	ssyncadd.s32 $0xFFFFD800  }
0x6e: {  	[tilespmem:s3], [sflag:$0x2] =	stream.linear.gather [hbm4b:s14+s3], $0x50, $0x38;
	[tilespmem:$0x2880] =	vst v63  }
0x6f: {  	_ =	swait.ge [sflag:s4], $0x50  }
0x70: {  	[sflag:s4] =	ssyncset.done $0x0  }
0x71: {  	[sflag:s4] =	ssyncadd.s32 $0xFFFFFFB0  }
0x72: {  	[tilespmem:s7], [sflag:$0x1] =	stream.indirect.gather [hbm4b:s2+s6], $0x80, s3, s6, $0xb8;
	[tilespmem:$0x2880] =	vst v63  }
0x73: {  	_ =	swait.ge [sflag:s8], $0x2800  }
0x74: {  	[sflag:s8] =	ssyncset.done $0x0  }
0x75: {  	[sflag:s8] =	ssyncadd.s32 $0xFFFFD800  }
0x76: {  	[hbm4b:s15+s3] =	stream.linear.scatter [tilespmem:s7], [sflag:$0x2], $0x2800, $0x38;
	[tilespmem:$0x2880] =	vst v63  }
0x77: {  	_ =	swait.ge [sflag:s4], $0x2800  }
0x78: {  	[sflag:s4] =	ssyncset.done $0x0  }
0x79: {  	[sflag:s4] =	ssyncadd.s32 $0xFFFFD800  }
0x7a: {  	[tilespmem:s3], [sflag:$0x2] =	stream.linear.gather [hbm4b:s16+s3], $0x50, $0x38;
	[tilespmem:$0x2880] =	vst v63  }
0x7b: {  	_ =	swait.ge [sflag:s4], $0x50  }
0x7c: {  	[sflag:s4] =	ssyncset.done $0x0  }
0x7d: {  	[sflag:s4] =	ssyncadd.s32 $0xFFFFFFB0  }
0x7e: {  	[tilespmem:s7], [sflag:$0x1] =	stream.indirect.gather [hbm4b:s2+s6], $0x80, s3, s6, $0xb8;
	[tilespmem:$0x2880] =	vst v63  }
0x7f: {  	_ =	swait.ge [sflag:s8], $0x2800  }
.Ltmp2:
0x80: {  	[sflag:s8] =	ssyncset.done $0x0;
	(pc) =	sbr.rel @p0 .LBB2_2-.Ltmp2, $4  }
0x81: {  	[sflag:s8] =	ssyncadd.s32 $0xFFFFD800  }
0x82: {  	[hbm4b:s17+s3] =	stream.linear.scatter [tilespmem:s7], [sflag:$0x2], $0x2800, $0x38;
	[tilespmem:$0x2880] =	vst v63  }
0x83: {  	_ =	swait.ge [sflag:s4], $0x2800  }
0x84: {  	[sflag:s4] =	ssyncset.done $0x0  }
.LBB2_3:
0x85: {  	[sflag:s4] =	ssyncadd.s32 $0xFFFFD800  }
.LBB2_4:
0x86: {  	_ =	sfence.sel $0x180000  }
0x87: {  	[bflag:$0x0] =	sbarrier.arrive $0xFFFF  }
0x88: {  	p0 =	sne.s32 s1, $0x0;
	_ =	strace $0x9000004A  }
0x89: {  	s0 =	sadd.s32 @!p0 $0x100000, s0;
	[bflag:$0x2] =	sbarrier.arrive $0xFFFF  }
0x8a: {  	[sflag:s0] =	ssyncadd.tile.s32 @!p0 $0x1;
	_ =	shalt  }
.Lfunc_end2:
_tile_overlayer_lowered:
.L_overlay_start_2:
0x8b: {  	(tag) =	ssettag $0x2  }
0x8c: {  	s0 =	rddreg [dreg:$0x0];
	s2 =	stileid.u32  }
0x8d: {  	s1 =	rddreg [dreg:$0x1];
	p0 =	sne.s32 s2, $0x0  }
0x8e: {  	s3 =	rddreg [dreg:$0x2];
	[bflag:$0x3] =	sbarrier.arrive $0xFFFF;
	s2 =	simm.s32 @!p0 $0x1C02  }
0x8f: {  	[timem:s3], [sflag:s2] =	dma.local @!p0 [hbm:s0], s1  }
0x90: {  	s0 =	simm.s32 @!p0 $0x2  }
0x91: {  	_ =	swait.ge @!p0 [sflag:s0], s1  }
0x92: {  	s1 =	ssub.s32 @!p0 $0x0, s1;
	[sflag:s0] =	ssyncset.done @!p0 $0x0  }
0x93: {  	[sflag:s0] =	ssyncadd.s32 @!p0 s1  }
0x94: {  	[bflag:$0x3] =	sbarrier.arrive $0xFFFF  }
0x95: {  	_ =	shalt  }

// kernel: scatter_offload_async_start
scs
__scs_entry_jumppad:
0x0: {  	(pc) =	sbr.rel $0x88, $3  }
0x1: {  	(tag) =	ssettag $0x0;
	lr =	simm.s32 $0x1  }
0x2: {  	[smem:$0x3F91] =	sst lr;
	_ =	strace $0xD0000000  }
0x3: {  	_ = 	snop  }
0x4: {  	_ = 	snop  }
0x5: {  	_ = 	snop  }
0x6: {  	_ = 	snop  }
0x7: {  	_ = 	snop  }
__scs_overlays_trampoline_lowered:
0x8: {  	[smem:$0x3FA0] =	sst s0  }
0x9: {  	[smem:$0x3FA1] =	sst s1  }
0xa: {  	[smem:$0x3FA2] =	sst s2  }
0xb: {  	[smem:$0x3FA3] =	sst s3  }
0xc: {  	[smem:$0x3FA4] =	sst s4  }
0xd: {  	[smem:$0x3FA5] =	sst s5  }
0xe: {  	[smem:$0x3FA6] =	sst s6  }
0xf: {  	[smem:$0x3FA7] =	sst s7  }
0x10: {  	[smem:$0x3FA8] =	sst s8  }
0x11: {  	[smem:$0x3FA9] =	sst s9;
	s0 =	simm.s32 @!p0 $0x0  }
0x12: {  	s1 =	sld [smem:$0x3F8F];
	s0 =	simm.s32 @p0 $0x1  }
0x13: {  	[smem:$0x3FAA] =	sst s0;
	s0 =	simm.s32 @!p1 $0x0  }
0x14: {  	s2 =	sld [smem:$0x3F8E];
	s0 =	simm.s32 @p1 $0x1  }
0x15: {  	[smem:$0x3FAB] =	sst s0;
	s0 =	simm.s32 @!p2 $0x0  }
0x16: {  	s3 =	sld [smem:$0x3FDB];
	s0 =	simm.s32 @p2 $0x1  }
0x17: {  	s4 =	simm.s32 $0x1BF5;
	[smem:$0x3FAD] =	sst s0  }
0x18: {  	s0 =	sld [smem:$0x3F90];
	_ =	swait.ge [sflag:s4], $0x0  }
0x19: {  	s7 =	sld [smem:$0x3F91]  }
0x1a: {  	s8 =	sadd.s32 $0xFFFFE003, lr  }
0x1b: {  	s9 =	sadd.s32 $0xFFFFFEF7, lr;
	s5 =	simm.s32 $0xFFFFFFFF;
	p2 =	slt.u32 s8, $0xFFFFF086  }
0x1c: {  	p1 =	slt.u32 s9, $0xF7A;
	s5 =	simm.s32 @!p2 $0x0  }
0x1d: {  	s5 =	simm.s32 @p1 $0x1;
	p0 =	seq.s32 s7, s2  }
0x1e: {  	s7 =	smul.u32 @!p0 $0xF7A, s2;
	p2 =	seq.s32 @!p0 s5, $0x0  }
0x1f: {  	s9 =	smul.u32 $0xF7A, s1;
	s8 =	simm.s32 @!p0 $0x1BF5;
	p2 =	por !p2, p0  }
0x20: {  	[sflag:s8] =	ssyncset.s32 @!p0 $0xFFFFF086;
	s6 =	sadd.s32 @!p0 s3, s7;
	s7 =	simm.s32 @!p0 $0x108  }
0x21: {  	s3 =	sadd.s32 s3, s9;
	s6 =	sadd.s32 @!p0 $0x88, s6;
	s7 =	simm.s32 @p2 $0x1082  }
0x22: {  	[simem:s7], [sflag:s8] =	dma.local @!p0 [hbm:s6], $0xF7A  }
0x23: {  	s9 =	sor.u32 $0xD0000000, s2;
	s6 =	simm.s32 $0x108;
	_ =	swait.ge @!p0 [sflag:s8], $0x0  }
0x24: {  	s3 =	sadd.s32 $0x88, s3;
	s6 =	simm.s32 @!p1 $0x1082;
	[sflag:s4] =	ssyncset.s32 $0xFFFFF086  }
0x25: {  	[simem:s6], [sflag:s4] =	dma.local [hbm:s3], $0xF7A  }
0x26: {  	[smem:$0x3F91] =	sst s1;
	(tag) =	ssettag s2;
	_ =	strace s9  }
0x27: {  	s1 =	sld [smem:$0x3FA1]  }
0x28: {  	s2 =	sld [smem:$0x3FA2]  }
0x29: {  	s4 =	sld [smem:$0x3FA4]  }
0x2a: {  	p0 =	seq.s32 s5, $0x0;
	s5 =	sld [smem:$0x3FA5]  }
0x2b: {  	s6 =	sld [smem:$0x3FA6]  }
0x2c: {  	s7 =	sld [smem:$0x3FA7]  }
0x2d: {  	s3 =	simm.s32 $0x108;
	s8 =	sld [smem:$0x3FA8]  }
0x2e: {  	s3 =	simm.s32 @!p0 $0x1082;
	s9 =	sld [smem:$0x3FA9]  }
0x2f: {  	lr =	sadd.s32 s0, s3;
	s0 =	sld [smem:$0x3FA0]  }
0x30: {  	s3 =	sld [smem:$0x3FA3]  }
0x31: {  	[smem:$0x3FAC] =	sst s10  }
0x32: {  	s10 =	sld [smem:$0x3FAA];
	_ =	sdelay $0x3  }
0x33: {  	p0 =	seq.s32 s10, $0x1;
	s10 =	sld [smem:$0x3FAC];
	_ =	sdelay $0x3  }
0x34: {  	[smem:$0x3FAC] =	sst s10  }
0x35: {  	s10 =	sld [smem:$0x3FAB];
	_ =	sdelay $0x3  }
0x36: {  	p1 =	seq.s32 s10, $0x1;
	s10 =	sld [smem:$0x3FAC];
	_ =	sdelay $0x3  }
0x37: {  	[smem:$0x3FAC] =	sst s10  }
0x38: {  	s10 =	sld [smem:$0x3FAD]  }
0x39: {  	_ = 	snop;
	(pc) =	sbr.ind lr, $3  }
0x3a: {  	_ = 	snop  }
0x3b: {  	_ = 	snop  }
0x3c: {  	p2 =	seq.s32 s10, $0x1;
	s10 =	sld [smem:$0x3FAC]  }
0x3d: {  	_ =	shalt  }
0x3e: {  	_ =	shalt  }
0x3f: {  	_ =	shalt  }
0x40: {  	_ =	shalt  }
0x41: {  	_ =	shalt  }
0x42: {  	_ =	shalt  }
0x43: {  	_ =	shalt  }
0x44: {  	_ =	shalt  }
0x45: {  	_ =	shalt  }
0x46: {  	_ =	shalt  }
0x47: {  	_ =	shalt  }
0x48: {  	_ =	shalt  }
0x49: {  	_ =	shalt  }
0x4a: {  	_ =	shalt  }
0x4b: {  	_ =	shalt  }
0x4c: {  	_ =	shalt  }
0x4d: {  	_ =	shalt  }
0x4e: {  	_ =	shalt  }
0x4f: {  	_ =	shalt  }
0x50: {  	_ =	shalt  }
0x51: {  	_ =	shalt  }
0x52: {  	_ =	shalt  }
0x53: {  	_ =	shalt  }
0x54: {  	_ =	shalt  }
0x55: {  	_ =	shalt  }
0x56: {  	_ =	shalt  }
0x57: {  	_ =	shalt  }
0x58: {  	_ =	shalt  }
0x59: {  	_ =	shalt  }
0x5a: {  	_ =	shalt  }
0x5b: {  	_ =	shalt  }
0x5c: {  	_ =	shalt  }
0x5d: {  	_ =	shalt  }
0x5e: {  	_ =	shalt  }
0x5f: {  	_ =	shalt  }
0x60: {  	_ =	shalt  }
0x61: {  	_ =	shalt  }
0x62: {  	_ =	shalt  }
0x63: {  	_ =	shalt  }
0x64: {  	_ =	shalt  }
0x65: {  	_ =	shalt  }
0x66: {  	_ =	shalt  }
0x67: {  	_ =	shalt  }
0x68: {  	_ =	shalt  }
0x69: {  	_ =	shalt  }
0x6a: {  	_ =	shalt  }
0x6b: {  	_ =	shalt  }
0x6c: {  	_ =	shalt  }
0x6d: {  	_ =	shalt  }
0x6e: {  	_ =	shalt  }
0x6f: {  	_ =	shalt  }
0x70: {  	_ =	shalt  }
0x71: {  	_ =	shalt  }
0x72: {  	_ =	shalt  }
0x73: {  	_ =	shalt  }
0x74: {  	_ =	shalt  }
0x75: {  	_ =	shalt  }
0x76: {  	_ =	shalt  }
0x77: {  	_ =	shalt  }
0x78: {  	_ =	shalt  }
0x79: {  	_ =	shalt  }
0x7a: {  	_ =	shalt  }
0x7b: {  	_ =	shalt  }
0x7c: {  	_ =	shalt  }
0x7d: {  	_ =	shalt  }
0x7e: {  	_ =	shalt  }
0x7f: {  	_ =	shalt  }
0x80: {  	_ =	shalt  }
0x81: {  	_ =	shalt  }
0x82: {  	_ =	shalt  }
0x83: {  	_ =	shalt  }
0x84: {  	_ =	shalt  }
0x85: {  	_ =	shalt  }
0x86: {  	_ =	shalt  }
0x87: {  	_ =	shalt  }
.Lfunc_end0:
.L_simem_size_0:
called_computation_lowered:
.L_overlay_start_0:
0x88: {  	s0 =	sld [smem:$0x3FD9]  }
0x89: {  	s1 =	sld [smem:$0x3FFE];
	_ =	sdelay $0x3  }
0x8a: {  	s0 =	sadd.s32 s1, s0  }
0x8b: {  	[smem:$0x3FB8] =	sst s0  }
0x8c: {  	_ = 	snop  }
0x8d: {  	(tm) =	ssettm $0x1  }
0x8e: {  	s15 =	sld [smem:$0x3FFB];
	_ =	sdelay $0x3  }
0x8f: {  	_ =	strace s15  }
0x90: {  	s0 =	sld [smem:$0x3FFC];
	_ =	sdelay $0x3  }
0x91: {  	_ =	strace s0  }
0x92: {  	s0 =	sld [smem:$0x3FFD];
	_ =	sdelay $0x3  }
0x93: {  	_ =	strace s0  }
0x94: {  	_ =	strace $0x8FFFFFFF  }
0x95: {  	s16 =	sld [smem:$0x3FDB];
	_ =	sdelay $0x1  }
0x96: {  	s17 =	simm.s32 $_scs_section_size  }
0x97: {  	s2 =	simm.s32 $_size__tile_overlayer_lowered;
	s3 =	simm.s32 $_tile_overlayer_lowered  }
0x98: {  	s20 =	simm.s32 $0x1BFF;
	s19 =	sshll.u32 s3, $0x1;
	s0 =	sadd.s32 s17, s16  }
0x99: {  	s4 =	simm.s32 $0x0;
	s18 =	sshll.u32 s2, $0x1;
	s2 =	sadd.s32 s19, s0  }
0x9a: {  	[timem:s4], [sflag:s20] =	dma.local [hbm:s2], s18  }
0x9b: {  	_ =	swait.ge [sflag:s20], s18  }
0x9c: {  	s1 =	ssub.s32 $0x0, s18;
	[sflag:s20] =	ssyncset.done $0x0  }
0x9d: {  	[sflag:s20] =	ssyncadd.s32 s1;
	_ =	sdelay $0x1  }
0x9e: {  	s21 =	simm.s32 $0x1B8B  }
0x9f: {  	_ =	swait.ge [sflag:s21], $0x1  }
0xa0: {  	[sflag:s21] =	ssyncset.done $0x0  }
0xa1: {  	s23 =	simm.s32 $0x1B8E;
	s22 =	sld [smem:$0x3FFE];
	[sflag:s21] =	ssyncadd.s32 $0xFFFFFFFF  }
0xa2: {  	s24 =	simm.s32 $execute0_lowered;
	[smem:$0x3FD2] =	sst s23  }
0xa3: {  	s2 =	sshll.u32 s24, $0x1;
	_ =	strace $0x80000046;
	[dreg:$0x1] =	wrdreg $0xFFFFFFFF  }
0xa4: {  	s25 =	simm.s32 $_size_execute0_lowered;
	s0 =	sadd.s32 s0, s2;
	[dreg:$0x0] =	wrdreg $0x0  }
0xa5: {  	s2 =	sshll.u32 s25, $0x1;
	[dreg:$0x2] =	wrdreg s0  }
0xa6: {  	[dreg:$0x3] =	wrdreg s2  }
0xa7: {  	[dreg:$0x4] =	wrdreg $0xC0  }
0xa8: {  	_ =	task [dreg:s4], $0x5FFFF  }
0xa9: {  	[dreg:$0x1] =	wrdreg $0xFFFFFFFF  }
0xaa: {  	[dreg:$0x0] =	wrdreg $0x60  }
0xab: {  	[dreg:$0x2] =	wrdreg s22  }
0xac: {  	[dreg:$0x3] =	wrdreg $0x9  }
0xad: {  	_ =	task.clear_ibuf [dreg:s4], $0x4FFFF;
	_ =	strace $0x90000046  }
0xae: {  	s26 =	simm.s32 $0x9;
	_ =	strace $0x80000048  }
0xaf: {  	_ =	swait.ge [sflag:s26], $0x1  }
0xb0: {  	[sflag:s26] =	ssyncadd.s32 $0xFFFFFFFF  }
0xb1: {  	_ =	strace $0x90000048  }
0xb2: {  	_ =	sfence  }
0xb3: {  	s28 =	sld [smem:$0x0];
	_ =	sdelay $0x1  }
0xb4: {  	s29 =	srdreg.scid  }
0xb5: {  	s30 =	sshll.u32 s29, $0xD;
	s31 =	sshrl.u32 s29, $0x2  }
0xb6: {  	s1 =	sand.u32 $0x1, s29;
	s2 =	sand.u32 $0x4000, s30;
	s0 =	sadd.s32 s31, s28  }
0xb7: {  	s1 =	sor.u32 s2, s1;
	s0 =	sshll.u32 s0, $0x11  }
0xb8: {  	s0 =	sor.u32 s0, s1  }
0xb9: {  	s0 =	sadd.s32 $0x8F2B, s0  }
0xba: {  	[sflag:s0] =	ssyncadd.remote.s32 $0x1  }
0xbb: {  	_ =	sfence.sel $0xFFFF  }
0xbc: {  	[dreg:$0x0] =	wrdreg $0xFFFFFFFF;
	(pc) =	sbr.abs _section_cstart, $3  }
0xbd: {  	[dreg:$0x1] =	wrdreg $0xFFFFFFFF  }
0xbe: {  	_ =	task.clear_ibuf [dreg:s4], $0x2FFFF;
	_ =	strace $0x9FFFFFFF  }
0xbf: {  	(tm) =	ssettm $0x7FFFFFFF  }
tec
execute0_lowered:
.L_overlay_start_1:
0x0: {  	(tag) =	ssettag $0x1  }
0x1: {  	s0 =	rddreg [dreg:$0x0];
	_ =	strace $0x80000047;
	s15 =	stileid.u32  }
0x2: {  	s2 =	simm.s32 $0x1;
	s1 =	smin.u32 s15, $0x8;
	s3 =	sshll.u32 s15, $0x1  }
0x3: {  	v1 =	vimm.s32 $0xFFFFFFFF;
	[sflag:s2] =	ssyncpa.u1 $0x0;
	s1 =	sadd.s32 s1, s3  }
0x4: {  	p0 =	slt.u32 s15, $0x8;
	[tilespmem:$0x10] =	vst v1;
	s4 =	smul.u32 $0x1F40, s1;
	s1 =	simm.s32 $0x5DC0  }
0x5: {  	v0 =	vimm.f32 $0.0e+00;
	[tilespmem:$0x20] =	vst v1;
	s1 =	simm.s32 @!p0 $0x3E80  }
0x6: {  	[tilespmem:$0x30] =	vst v0;
	s1 =	sadd.s32 s1, s4  }
0x7: {  	[tilespmem:$0x40] =	vst v0;
	s5 =	smin.u32 s1, $0x4E200  }
0x8: {  	s7 =	simm.s32 $0x2;
	s8 =	simm.s32 $0x8;
	[tilespmem:$0x50] =	vst v0;
	s9 =	ssub.s32 s5, s4  }
0x9: {  	s31 =	simm.s32 $0x9;
	s16 =	simm.s32 $0x0;
	[tilespmem:$0x60] =	vst v1;
	p0 =	sgt.s32 s9, $0x0  }
0xa: {  	s17 =	simm.s32 $0xF0;
	s18 =	simm.s32 $0xFFFFFFFF;
	[tilespmem:$0x70] =	vst v1;
	s9 =	simm.s32 @!p0 $0x0  }
0xb: {  	s19 =	simm.s32 $0xFFFFC280;
	s20 =	simm.s32 $0xFFFFFFFE;
	[tilespmem:$0x80] =	vst v1;
	s30 =	smulhi.u32 $0x10624DD3, s9  }
0xc: {  	s21 =	simm.s32 $0xF;
	s25 =	simm.s32 $0x0;
	s24 =	simm.s32 $0x0;
	v1 =	vimm.s32 $0x0;
	[tilespmem:$0xB0] =	vst v0  }
0xd: {  	s6 =	sadd.s32 $0x5200, s0;
	s15 =	sshllo.u32 s15, $0x1;
	[tilespmem:$0x90] =	vst v1;
	s10 =	sshrl.u32 s30, $0x9  }
0xe: {  	[tilespmem:$0xA0] =	vst v1;
	[sflag:s7] =	ssyncpa.u1 $0x0;
	s7 =	simm.s32 $0x7;
	s11 =	smul.u32 $0x1F40, s10  }
.Ltmp0:
0xf: {  	s13 =	sor.u32 $0x80, s3;
	[sflag:s7] =	ssyncpa.u1 $0x0;
	(pc) =	sbr.rel .LBB2_1-.Ltmp0, $4  }
0x10: {  	s14 =	sor.u32 $0x81, s3;
	[sflag:s8] =	ssyncpa.u1 $0x0;
	p0 =	sne.s32 s9, s11  }
0x11: {  	s23 =	smov.u32 s4;
	s1 =	sadd.s32 $0x18E00, s0;
	s2 =	simm.s32 @!p0 $0x0  }
0x12: {  	vm0 =	vmmov $0xffff;
	v2 =	vlaneseq.u32;
	[sflag:s31] =	ssyncpa.u1 $0x0;
	s9 =	sadd.s32 $0xF000, s0;
	s10 =	sadd.s32 s2, s10  }
0x13: {  	vm1 =	vmxor vm1, vm1;
	vm2 =	vmmov $0x1;
	vm3 =	vcmask $0x3F3C;
	p0 =	por $0x0, $0x0;
	s11 =	sadd.s32 $0x1, s10;
	s12 =	sadd.s32 $0x2, s10  }
.LBB2_9:
0x14: {  	p1 =	slt.u32 s24, $0x3  }
0x15: {  	s0 =	simm.s32 @!p1 $0x2  }
0x16: {  	_ =	swait.ge @!p1 [sflag:s0], $0x1F40  }
0x17: {  	[sflag:s0] =	ssyncset.done @!p1 $0x0  }
0x18: {  	[sflag:s0] =	ssyncadd.s32 @!p1 $0xFFFFE0C0;
	s0 =	simm.s32 @!p1 $0x9  }
0x19: {  	_ =	swait.ge @!p1 [sflag:s0], $0x10  }
0x1a: {  	[sflag:s0] =	ssyncset.done @!p1 $0x0  }
0x1b: {  	[sflag:s0] =	ssyncadd.s32 @!p1 $0xFFFFFFF0;
	p1 =	sne.s32 s24, s12  }
.Ltmp1:
0x1c: {  	s2 =	sadd.s32 $0x1F40, s23;
	(pc) =	sbr.rel @!p1 .LBB2_10-.Ltmp1, $4  }
0x1d: {  	s22 =	smov.u32 s4;
	s31 =	sadd.s32 $0x1, s24;
	s17 =	sadd.s32 $0x1F40, s17  }
0x1e: {  	s18 =	sadd.s32 $0x1, s18;
	s25 =	smov.u32 s23;
	p2 =	slt.s32 s2, s5  }
0x1f: {  	p0 =	por !p0, !p0;
	s19 =	sadd.s32 $0x1F40, s19;
	s22 =	smov.u32 @p2 s2  }
0x20: {  	s20 =	sadd.s32 $0x1, s20;
	s23 =	smov.u32 s22;
	s24 =	smov.u32 s31  }
.LBB2_1:
0x21: {  	p1 =	sge.u32 s24, s10  }
0x22: {  	s0 =	smulhi.u32 @!p1 $0xAAAAAAAB, s24;
	_ =	sdelay $0x1  }
0x23: {  	s0 =	sshrl.u32 @!p1 s0, $0x1  }
0x24: {  	s0 =	smul.u32 @!p1 $0x3, s0;
	_ =	sdelay $0x1  }
0x25: {  	s0 =	ssub.s32 @!p1 s24, s0  }
0x26: {  	s0 =	smul.u32 @!p1 $0x7D00, s0;
	_ =	sdelay $0x1  }
0x27: {  	s2 =	sshrl.u32 @!p1 s23, $0x3;
	s0 =	sshrl.u32 @!p1 s0, $0x2  }
0x28: {  	s22 =	sand.u32 @!p1 $0x7, s23;
	s2 =	sadd.s32 @!p1 s6, s2;
	s0 =	sadd.s32 @!p1 $0x100, s0  }
0x29: {  	[tilespmem:s0], [sflag:$0x7] =	stream.linear.gather @!p1 [hbm4b:s2+s22], $0x1F40, $0x38;
	[tilespmem:$0x11A60] =	vst v63  }
0x2a: {  	s0 =	sadd.s32 $0xFFFFFFFF, s24  }
0x2b: {  	p1 =	sge.u32 s0, s10  }
.Ltmp2:
0x2c: {  	_ = 	snop;
	(pc) =	sbr.rel @p1 .LBB2_5-.Ltmp2, $1  }
0x2d: {  	_ =	sdelay $0x3  }
0x2e: {  	s2 =	smulhi.u32 $0xAAAAAAAB, s0;
	_ =	sdelay $0x1  }
0x2f: {  	s2 =	sshrl.u32 s2, $0x1  }
0x30: {  	s2 =	smul.u32 $0x3, s2;
	_ =	sdelay $0x1  }
0x31: {  	s2 =	ssub.s32 s0, s2  }
0x32: {  	s2 =	smul.u32 $0x7D00, s2  }
0x33: {  	_ =	swait.ge [sflag:s7], $0x1F40  }
0x34: {  	[sflag:s7] =	ssyncset.done $0x0;
	s2 =	sshrl.u32 s2, $0x2  }
0x35: {  	[sflag:s7] =	ssyncadd.s32 $0xFFFFE0C0;
	(ifvalue) =	ssetifvalue $0xFFFFFFFF;
	v3 =	vld.msk [tilespmem:s2+$0x100 ss:$0x1], $0xffff;
	_ =	sdelay $0x2  }
0x36: {  	s30 =	smulhi.u32 $0xAAAAAAAB, s18;
	p1 =	sne.s32 s24, $0x1  }
0x37: {  	v4 =	vimm.s32 @!p1 $0x0  }
0x38: {  	s2 =	sshrl.u32 s30, $0x1;
	v4 =	vperm.xlane @!p1 v3, v4  }
0x39: {  	s22 =	sshll.u32 s24, $0x4;
	s2 =	smul.u32 $0xFFFE8900, s2;
	vm4 =	vlt.u32 v3, $0x2800  }
0x3a: {  	s22 =	sand.u32 $0x10, s22;
	v3 =	vnsel vm4, $0xFFFFFFFE, v3;
	vm4 =	vlt.u32 @!p1 v4, $0x2800  }
0x3b: {  	s2 =	sshra.s32 s2, $0x2;
	[tilespmem:s22+$0x60] =	vst v3;
	v3 =	vnsel @!p1 vm4, $0xFFFFFFFE, v4  }
0x3c: {  	s28 =	sadd.s32 s2, s17;
	[tilespmem:$0x80] =	vst @!p1 v3  }
0x3d: {  	v3 =	vld.msk [tilespmem:s28+$0x0 ss:$0x1], $0xffff;
	_ =	sdelay $0x4  }
0x3e: {  	(xrf1) =	vunique.msk.u32 $0xffff, v3;
	_ =	sdelay $0xd  }
0x3f: {  	v4 =	vimm.s32 $0xFFFFFFFF;
	v5, _, _ =	vpop (xrf1)  }
0x40: {  	vm5 =	vne.s32 v3, v4;
	vm4 =	veq.s32 v5, v2  }
0x41: {  	vm6 =	vlt.u32 v3, $0x2800;
	vm4 =	vmand vm5, vm4  }
0x42: {  	vm4 =	vmand vm6, vm4  }
0x43: {  	v4 =	vnsel vm4, $0xFFFFFFFF, v3  }
0x44: {  	s31 =	sand.u32 $0x1, s0  }
0x45: {  	s0 =	simm.s32 $0x1F40;
	p1 =	seq.s32 s31, $0x1  }
0x46: {  	s0 =	simm.s32 @!p1 $0x0  }
0x47: {  	s26 =	sadd.s32 $0x7DF0, s0;
	(ifvalue) =	ssetifvalue $0xFFFFFFFF  }
0x48: {  	v3 =	vperm.xlane v3, v1;
	[tilespmem:s26], [sflag:$0x8] =	stream.indirect_vreg.gather [hbm4b:s1+s16], $0x1, v4, vm0, $0x4038;
	v4 =	vnsel vm6, $0xFFFFFFFE, v4;
	[tilespmem:$0x11A60] =	vst v63  }
0x49: {  	s2 =	simm.s32 $0x0;
	s22 =	sadd.s32 $0xFFFFFFF0, s28;
	[tilespmem:s28+$0x0] =	vst v4  }
.LBB2_3:
0x4a: {  	v4 =	vld.msk [tilespmem:s22+$0x0 ss:$0x1], $0xffff;
	s2 =	sadd.s32 $0x10, s2;
	v5 =	vmov v3;
	s28 =	smov.u32 s22  }
0x4b: {  	p1 =	slt.u32 s2, $0x1F30;
	_ =	sdelay $0x4  }
0x4c: {  	v3 =	vperm.xlane v4, v1;
	(xrf1) =	vunique.msk.u32 $0xffff, v4;
	_ =	sdelay $0xd  }
0x4d: {  	v6, _, _ =	vpop (xrf1)  }
0x4e: {  	vm5 =	vne.s32 v4, v5;
	vm4 =	veq.s32 v6, v2  }
0x4f: {  	vm6 =	vlt.u32 v4, $0x2800;
	vm4 =	vmand vm5, vm4  }
0x50: {  	vm4 =	vmand vm6, vm4  }
0x51: {  	v4 =	vnsel vm4, $0xFFFFFFFF, v4  }
.Ltmp3:
0x52: {  	v5 =	vnsel vm6, $0xFFFFFFFE, v4;
	(pc) =	sbr.rel @p1 .LBB2_3-.Ltmp3, $3  }
0x53: {  	_ =	sdelay $0x1  }
0x54: {  	s22 =	sadd.s32 $0xFFFFFFF0, s22;
	s26 =	sadd.s32 $0xFFFFFFF0, s26;
	(ifvalue) =	ssetifvalue $0xFFFFFFFF  }
0x55: {  	[tilespmem:s26], [sflag:$0x8] =	stream.indirect_vreg.gather [hbm4b:s1+s16], $0x1, v4, vm0, $0x4038;
	[tilespmem:s28+$0x0] =	vst v5  }
0x56: {  	s2 =	sshrl.u32 s25, $0x3  }
0x57: {  	s0 =	sadd.s32 $0x9D40, s0;
	s2 =	sadd.s32 s9, s2  }
0x58: {  	[tilespmem:s0], [sflag:$0x8] =	stream.linear.gather [hbm:s2], $0x1F40, $0x38;
	[tilespmem:$0x11A60] =	vst v63  }
.LBB2_5:
0x59: {  	p1 =	slt.u32 s24, $0x2  }
0x5a: {  	p2 =	sge.u32 @!p1 s24, s12  }
0x5b: {  	p1 =	por p1, p2  }
.Ltmp4:
0x5c: {  	_ = 	snop;
	(pc) =	sbr.rel @p1 .LBB2_9-.Ltmp4, $1  }
0x5d: {  	_ =	sdelay $0x3  }
0x5e: {  	s0 =	sadd.s32 $0xFFFFFFFE, s24  }
0x5f: {  	s2 =	smulhi.u32 $0xAAAAAAAB, s0;
	_ =	sdelay $0x1  }
0x60: {  	s2 =	sshrl.u32 s2, $0x1  }
0x61: {  	s2 =	smul.u32 $0x3, s2;
	_ =	sdelay $0x1  }
0x62: {  	s0 =	ssub.s32 s0, s2  }
0x63: {  	_ =	swait.ge [sflag:s8], $0x3E80;
	s0 =	smul.u32 $0x1F40, s0  }
0x64: {  	p1 =	sne.s32 s24, s11;
	[sflag:s8] =	ssyncset.done $0x0  }
0x65: {  	[sflag:s8] =	ssyncadd.s32 $0xFFFFC180;
	s2 =	sadd.s32 @!p1 $0x203F, s0  }
0x66: {  	[spmem:s14] =	stream.linear.scatter @!p1 [tilespmem:s2], [sflag:$0x1], $0x1, $0x38;
	[tilespmem:$0x11A60] =	vst v63  }
0x67: {  	s2 =	simm.s32 @!p1 $0x1  }
0x68: {  	_ =	swait.ge @!p1 [sflag:s2], $0x1  }
0x69: {  	s22 =	sshll.u32 s24, $0x4;
	[sflag:s2] =	ssyncset.done @!p1 $0x0  }
0x6a: {  	s25 =	sand.u32 $0x10, s22;
	[sflag:s2] =	ssyncadd.s32 @!p1 $0xFFFFFFFF  }
0x6b: {  	s2 =	sxor.u32 $0x10, s25;
	v4 =	vld [tilespmem:s25+$0x10]  }
0x6c: {  	v5 =	vld [tilespmem:s2+$0x60]  }
0x6d: {  	v3 =	vld [tilespmem:$0x80];
	_ =	sdelay $0x2  }
0x6e: {  	(v2sf) =	vpush v4, $0x0  }
0x6f: {  	(v2sf) =	vpush v5, $0x0  }
0x70: {  	(v2sf) =	vpush v3, $0x0;
	_ =	sdelay $0xc  }
0x71: {  	s22 =	spop (v2sf)  }
0x72: {  	s26 =	spop (v2sf)  }
0x73: {  	s28 =	spop (v2sf)  }
0x74: {  	p2 =	seq.s32 s22, s26;
	p3 =	seq.s32 s28, s22  }
0x75: {  	p3 =	por p2, p3  }
0x76: {  	s26 =	sand.u32 $0x1, s24;
	v4 =	vpsel p3, $0xFFFFFFFF, v4  }
0x77: {  	s29 =	smul.u32 $0x1F40, s26;
	[tilespmem:s25+$0x10] =	vst.msk $0x1, v4  }
0x78: {  	v4 =	vld [tilespmem:$0x30]  }
0x79: {  	v5 =	vld [tilespmem:s29+$0x9D40]  }
0x7a: {  	v6 =	vld [tilespmem:s25+$0x40];
	_ =	sdelay $0x3  }
0x7b: {  	vm4 =	vmmov vm1;
	v5 =	vadd.f32 v5, v4  }
0x7c: {  	vm5 =	vmmov vm2;
	vm4 =	vmmov @p2 vm2;
	s22 =	sshll.u32 s26, $0x4;
	v4 =	vadd.f32 v6, v4  }
0x7d: {  	s26 =	sor.u32 $0x11A40, s22;
	vm5 =	vmmov @p3 vm1;
	[tilespmem:s29+$0x9D40] =	vst.msk vm4, v5  }
0x7e: {  	[tilespmem:s26+$0x0] =	vst.msk vm5, v4  }
0x7f: {  	v4 =	vld [tilespmem:s29+$0x7DF0];
	_ =	sdelay $0x3  }
0x80: {  	v5 =	vimm.f32 $0.0e+00  }
0x81: {  	v4 =	vshift.insert v4, v5, s21  }
0x82: {  	s22 =	sor.u32 $0x40, s2  }
0x83: {  	[tilespmem:s22+$0x0] =	vst.msk $0x1, v4  }
0x84: {  	[tilespmem:s29+$0x7DFF] =	vst.msk $0x1, v5  }
0x85: {  	v4 =	vld [tilespmem:s0+$0x2030];
	_ =	sdelay $0x1  }
0x86: {  	s22 =	smulhi.u32 $0xAAAAAAAB, s20;
	s0 =	simm.s32 $0x1  }
0x87: {  	s0 =	simm.s32 @!p0 $0x0  }
0x88: {  	s22 =	sshrl.u32 s22, $0x1;
	s0 =	smul.u32 $0x7D00, s0  }
0x89: {  	s22 =	smul.u32 $0xFFFE8900, s22;
	v4 =	vshift.insert v4, v1, s21  }
0x8a: {  	s0 =	sshrl.u32 s0, $0x2  }
0x8b: {  	s22 =	sshra.s32 s22, $0x2;
	s30 =	sadd.s32 $0x9D40, s0;
	[tilespmem:s2+$0x10] =	vst.msk $0x1, v4  }
0x8c: {  	s22 =	sadd.s32 s22, s19;
	v6 =	vld [tilespmem:s30+$0x0]  }
0x8d: {  	v7 =	vld [tilespmem:s22+$0x0];
	_ =	sdelay $0x3  }
0x8e: {  	v5 =	vadd.f32 v6, v5  }
0x8f: {  	vm4 =	vne.s32 v7, $0xFFFFFFFF  }
0x90: {  	(xrf2) =	vadd.seg.scan.f32 vm4, v5;
	_ =	sdelay $0x3  }
0x91: {  	s31 =	sadd.s32 $0x5EC0, s0;
	v5 =	vperm.xlane v4, v1  }
0x92: {  	v6 =	vld [tilespmem:s31+$0x0]  }
0x93: {  	vm5 =	veq.s32 v7, v3;
	vm6 =	veq.s32 v7, v5  }
0x94: {  	vm7 =	vgt.u32 v7, $0xFFFFFFFD;
	vm6 =	vmor vm6, vm5  }
0x95: {  	vm6 =	vmor vm6, vm7  }
0x96: {  	v9 =	vld [tilespmem:$0xA0];
	v7 =	vsel vm6, $0xFFFFFFFF, v7  }
0x97: {  	v10 =	vld [tilespmem:$0x90];
	v6 =	vsel vm5, $0x0, v6;
	v8, _, _ =	vpop (xrf2)  }
0x98: {  	v6 =	vadd.f32 v8, v6  }
0x99: {  	s0 =	sadd.s32 $0xDBC0, s0  }
0x9a: {  	vm4 =	vmand vm4, vm3;
	[tilespmem:s0+$0x0] =	vst v6;
	(ifvalue) =	ssetifvalue $0xFFFFFFFF  }
0x9b: {  	vm6 =	veq.s32 v9, $0x1;
	[hbm4b:s1+s16] =	stream.indirect_vreg.scatter [tilespmem:s0], [sflag:$0x2], $0x1, v7, vm0, $0x4038;
	v7 =	vsel vm4, $0x0, v8;
	[tilespmem:$0x11A60] =	vst v63  }
0x9c: {  	s2 =	simm.s32 $0x0;
	s22 =	sadd.s32 $0x10, s22;
	vm4 =	vmor vm6, vm5;
	v6 =	vsel vm5, v8, v10;
	v7 =	vshift.insert v7, v0, s21  }
.LBB2_7:
0x9d: {  	v8 =	vld [tilespmem:s22+$0x0];
	s30 =	sadd.s32 $0x10, s30  }
0x9e: {  	s31 =	sadd.s32 $0x10, s31;
	v9 =	vld [tilespmem:s30+$0x0]  }
0x9f: {  	s2 =	sadd.s32 $0x10, s2;
	v10 =	vld [tilespmem:s31+$0x0]  }
0xa0: {  	p2 =	slt.u32 s2, $0x1F30;
	_ =	sdelay $0x2  }
0xa1: {  	v7 =	vadd.f32 v9, v7  }
0xa2: {  	vm5 =	vne.s32 v8, $0xFFFFFFFF  }
0xa3: {  	vm6 =	vmand vm5, vm3;
	(xrf2) =	vadd.seg.scan.f32 vm5, v7;
	_ =	sdelay $0x5  }
0xa4: {  	vm7 =	veq.s32 v8, v5;
	vm5 =	veq.s32 v8, v3  }
0xa5: {  	vm8 =	vgt.u32 v8, $0xFFFFFFFD;
	vm4 =	vmor vm4, vm5;
	vm7 =	vmor vm7, vm5  }
0xa6: {  	vm7 =	vmor vm7, vm8  }
0xa7: {  	v8 =	vsel vm7, $0xFFFFFFFF, v8  }
.Ltmp5:
0xa8: {  	v7 =	vsel vm5, $0x0, v10;
	v9, _, _ =	vpop (xrf2);
	(pc) =	sbr.rel @p2 .LBB2_7-.Ltmp5, $4  }
0xa9: {  	v6 =	vsel vm5, v9, v6;
	v10 =	vadd.f32 v9, v7;
	v7 =	vsel vm6, $0x0, v9  }
0xaa: {  	s0 =	sadd.s32 $0x10, s0;
	v7 =	vshift.insert v7, v0, s21  }
0xab: {  	s22 =	sadd.s32 $0x10, s22;
	[tilespmem:s0+$0x0] =	vst v10;
	(ifvalue) =	ssetifvalue $0xFFFFFFFF  }
0xac: {  	[hbm4b:s1+s16] =	stream.indirect_vreg.scatter [tilespmem:s0], [sflag:$0x2], $0x1, v8, vm0, $0x4038;
	[tilespmem:$0x11A60] =	vst v63  }
0xad: {  	v3 =	vld [tilespmem:s29+$0xFAF0];
	_ =	sdelay $0x4  }
0xae: {  	v3 =	vshift.insert v3, v0, s21  }
0xaf: {  	s0 =	simm.s32 $0x30  }
0xb0: {  	[tilespmem:s0+$0x0] =	vst.msk $0x1, v3  }
0xb1: {  	v3 =	vsel vm4, $0x1, v1;
	[tilespmem:$0x90] =	vst v6  }
0xb2: {  	s0 =	sadd.s32 @!p1 $0xFAFF, s29;
	[tilespmem:$0xA0] =	vst v3  }
0xb3: {  	[spmem:s15] =	stream.linear.scatter @!p1 [tilespmem:s0], [sflag:$0x1], $0x1, $0x38;
	[tilespmem:$0x11A60] =	vst v63  }
0xb4: {  	s0 =	simm.s32 @!p1 $0x1  }
0xb5: {  	v3 =	vmctz.xlane @!p1 vm4;
	_ =	swait.ge @!p1 [sflag:s0], $0x1  }
0xb6: {  	(v2sf) =	vpush @!p1 v4, $0x0  }
0xb7: {  	(v2sf) =	vpush @!p1 v3, $0x0;
	_ =	sdelay $0xd  }
0xb8: {  	s2 =	spop @!p1 (v2sf)  }
0xb9: {  	s22 =	spop @!p1 (v2sf)  }
0xba: {  	p2 =	sne.s32 @!p1 s28, s2;
	p3 =	slt.s32 @!p1 s22, $0xF  }
0xbb: {  	[sflag:s0] =	ssyncset.done @!p1 $0x0;
	p2 =	por p2, p1;
	p3 =	por !p3, p1  }
0xbc: {  	[sflag:s0] =	ssyncadd.s32 @!p1 $0xFFFFFFFF;
	v3 =	vimm.s32 @!p2 $0xFFFFFFFF;
	s22 =	simm.s32 @p3 $0xF  }
0xbd: {  	[tilespmem:$0x80] =	vst @!p2 v3;
	s2 =	sadd.s32 @!p1 $0x90, s22  }
0xbe: {  	[spmem:s3] =	stream.linear.scatter @!p1 [tilespmem:s2], [sflag:$0x1], $0x1, $0x38;
	[tilespmem:$0x11A60] =	vst v63  }
0xbf: {  	_ =	swait.ge @!p1 [sflag:s0], $0x1  }
0xc0: {  	[sflag:s0] =	ssyncset.done @!p1 $0x0  }
0xc1: {  	s2 =	simm.s32 @!p1 $0x80;
	[sflag:s0] =	ssyncadd.s32 @!p1 $0xFFFFFFFF  }
0xc2: {  	[spmem:s13] =	stream.linear.scatter @!p1 [tilespmem:s2], [sflag:$0x1], $0x1, $0x38;
	[tilespmem:$0x11A60] =	vst v63  }
0xc3: {  	_ =	swait.ge @!p1 [sflag:s0], $0x1  }
0xc4: {  	[sflag:s0] =	ssyncset.done @!p1 $0x0  }
0xc5: {  	[sflag:s0] =	ssyncadd.s32 @!p1 $0xFFFFFFFF;
	(ifvalue) =	ssetifvalue $0xFFFFFFFF;
	v3 =	vld [tilespmem:s25+$0x10];
	_ =	sdelay $0x3  }
.Ltmp6:
0xc6: {  	_ = 	snop;
	(pc) =	sbr.rel .LBB2_9-.Ltmp6, $3  }
0xc7: {  	_ =	sdelay $0x1  }
0xc8: {  	(ifvalue) =	ssetifvalue $0xFFFFFFFF  }
0xc9: {  	[hbm4b:s1+s16] =	stream.indirect_vreg.scatter [tilespmem:s26], [sflag:$0x9], $0x1, v3, vm0, $0x4038;
	[tilespmem:$0x11A60] =	vst v63  }
.LBB2_10:
0xca: {  	_ =	sfence.sel $0x180000  }
0xcb: {  	s0 =	simm.s32 $0x7;
	[bflag:$0x0] =	sbarrier.arrive $0xFFFF  }
0xcc: {  	s26 =	simm.s32 $0x8;
	[sflag:s0] =	ssyncpa.u1 $0x1  }
0xcd: {  	s28 =	simm.s32 $0x9;
	[sflag:s26] =	ssyncpa.u1 $0x1  }
0xce: {  	[sflag:s28] =	ssyncpa.u1 $0x1  }
0xcf: {  	_ =	sfence.stream.spmem  }
0xd0: {  	s29 =	simm.s32 $0x3;
	[bflag:$0x0] =	sbarrier.arrive $0xFFFF  }
0xd1: {  	s30 =	simm.s32 $0x4;
	[sflag:s29] =	ssyncpa.u1 $0x1  }
0xd2: {  	s31 =	simm.s32 $0x3C;
	s2 =	stileid.u32;
	[sflag:s30] =	ssyncpa.u1 $0x1  }
0xd3: {  	p0 =	sne.s32 s2, $0x0;
	[sflag:s31] =	ssyncpa.u1 $0x1  }
0xd4: {  	s0 =	simm.s32 @p0 $0x1;
	_ =	sfence @p0  }
0xd5: {  	[sflag:s0] =	ssyncpa.u1 @p0 $0x1;
	s0 =	simm.s32 @p0 $0x2  }
0xd6: {  	[sflag:s0] =	ssyncpa.u1 @p0 $0x1  }
0xd7: {  	_ =	strace @p0 $0x90000047  }
0xd8: {  	[bflag:$0x2] =	sbarrier.arrive @p0 $0xFFFF  }
0xd9: {  	_ =	shalt @p0  }
.LBB2_11:
0xda: {  	_ =	sfence.stream.spmem;
	s0 =	simm.s32 $0x5  }
0xdb: {  	s2 =	simm.s32 $0x80;
	s3 =	simm.s32 $0xC0;
	[sflag:s0] =	ssyncpa.u1 $0x0  }
0xdc: {  	[tilespmem:s3], [sflag:$0x5] =	stream.linear.gather [spmem:s2], $0x20, $0x38;
	[tilespmem:$0x11A60] =	vst v63  }
0xdd: {  	s2 =	simm.s32 $0x0;
	s3 =	simm.s32 $0xE0  }
0xde: {  	[tilespmem:s3], [sflag:$0x5] =	stream.linear.gather [spmem:s2], $0x20, $0x38;
	[tilespmem:$0x11A60] =	vst v63  }
.Ltmp7:
0xdf: {  	_ = 	snop;
	(pc) =	sbr.rel .LBB2_12-.Ltmp7, $4  }
0xe0: {  	_ =	swait.ge [sflag:s0], $0x40  }
0xe1: {  	[sflag:s0] =	ssyncset.done $0x0  }
0xe2: {  	s31 =	simm.s32 $0x6;
	[sflag:s0] =	ssyncadd.s32 $0xFFFFFFC0  }
0xe3: {  	s4 =	simm.s32 $0x0;
	[sflag:s31] =	ssyncpa.u1 $0x0  }
.LBB2_17:
0xe4: {  	p0 =	sgt.u32 s5, $0x27FF  }
0xe5: {  	s0 =	sshrl.u32 @!p0 s5, $0x3  }
0xe6: {  	s5 =	sand.u32 @!p0 $0x7, s5;
	s6 =	simm.s32 @!p0 $0xB0;
	s0 =	sadd.s32 @!p0 s1, s0  }
0xe7: {  	[tilespmem:s6], [sflag:$0x6] =	stream.linear.gather @!p0 [hbm4b:s0+s5], $0x1, $0x38;
	[tilespmem:$0x11A60] =	vst v63  }
0xe8: {  	s0 =	simm.s32 @!p0 $0x6  }
0xe9: {  	_ =	swait.ge @!p0 [sflag:s0], $0x1  }
0xea: {  	[sflag:s0] =	ssyncset.done @!p0 $0x0  }
0xeb: {  	[sflag:s0] =	ssyncadd.s32 @!p0 $0xFFFFFFFF  }
0xec: {  	v2 =	vmov @!p0 s4;
	v1 =	vld.msk @!p0 [tilespmem:$0xB0], $0x1;
	_ =	sdelay $0x3  }
0xed: {  	s0 =	simm.s32 @!p0 $0xE0  }
0xee: {  	[tilespmem:v2+s0+$0x0], v1 =	vst.idx.ret.add.f32.msk @!p0 $0x1, v1  }
0xef: {  	[tilespmem:s2+$0xC0] =	vst.msk $0x1, v0  }
0xf0: {  	v0 =	vld.msk [tilespmem:s4+$0xE0], $0x1;
	_ =	sdelay $0x4  }
0xf1: {  	[tilespmem:s2+$0xE0] =	vst.msk $0x1, v0;
	s2 =	sadd.s32 $0x1, s2  }
.LBB2_19:
0xf2: {  	s4 =	sadd.s32 $0x1, s4  }
0xf3: {  	p0 =	sne.s32 s4, $0x20  }
.Ltmp8:
0xf4: {  	_ = 	snop;
	(pc) =	sbr.rel @!p0 .LBB2_20-.Ltmp8, $1  }
0xf5: {  	_ =	sdelay $0x3  }
.LBB2_12:
0xf6: {  	v0 =	vld.msk [tilespmem:s4+$0xC0], $0x1;
	_ =	sdelay $0x4  }
0xf7: {  	(v2sf) =	vpush v0, $0x0;
	_ =	sdelay $0xe  }
0xf8: {  	s5 =	spop (v2sf)  }
0xf9: {  	p0 =	seq.s32 s5, $0xFFFFFFFF  }
.Ltmp9:
0xfa: {  	_ = 	snop;
	(pc) =	sbr.rel @p0 .LBB2_19-.Ltmp9, $1  }
0xfb: {  	_ =	sdelay $0x3  }
0xfc: {  	p0 =	slt.s32 s2, $0x1  }
.Ltmp10:
0xfd: {  	_ = 	snop;
	(pc) =	sbr.rel @p0 .LBB2_17-.Ltmp10, $1  }
0xfe: {  	_ =	sdelay $0x3  }
0xff: {  	s0 =	simm.s32 $0xC0;
	p0 =	por $0x0, $0x0  }
0x100: {  	v1 =	vld.msk @!p0 [tilespmem:s0+$0x0], $0x1;
	_ =	sdelay $0x4  }
0x101: {  	(v2sf) =	vpush @!p0 v1, $0x0;
	_ =	sdelay $0xd  }
0x102: {  	p2 =	sne.s32 s2, $0x1  }
.Ltmp11:
0x103: {  	s6 =	spop @!p0 (v2sf);
	(pc) =	sbr.rel @!p2 .LBB2_16-.Ltmp11, $4  }
0x104: {  	p1 =	seq.s32 @!p0 s5, s6  }
0x105: {  	s6 =	simm.s32 $0x0;
	p1 =	por !p1, p0  }
0x106: {  	s8 =	simm.s32 $0xFFFFFFFF;
	s6 =	simm.s32 @p1 $0xFFFFFFFF  }
0x107: {  	s7 =	simm.s32 $0x1;
	s6 =	smov.u32 @p0 s8  }
.LBB2_15:
0x108: {  	s8 =	smov.u32 s6;
	p0 =	sne.s32 s6, $0xFFFFFFFF  }
0x109: {  	s0 =	sadd.s32 $0x1, s0;
	s6 =	smov.u32 s7;
	s7 =	sadd.s32 $0x1, s7  }
0x10a: {  	p1 =	sne.s32 s2, s7;
	v1 =	vld.msk @!p0 [tilespmem:s0+$0x0], $0x1;
	_ =	sdelay $0x4  }
0x10b: {  	(v2sf) =	vpush @!p0 v1, $0x0;
	_ =	sdelay $0xe  }
.Ltmp12:
0x10c: {  	s9 =	spop @!p0 (v2sf);
	(pc) =	sbr.rel @p1 .LBB2_15-.Ltmp12, $4  }
0x10d: {  	p2 =	seq.s32 @!p0 s5, s9  }
0x10e: {  	p2 =	por !p2, p0  }
0x10f: {  	s6 =	simm.s32 @p2 $0xFFFFFFFF  }
0x110: {  	s6 =	smov.u32 @p0 s8  }
.LBB2_16:
0x111: {  	p0 =	sne.s32 s6, $0xFFFFFFFF  }
.Ltmp13:
0x112: {  	_ = 	snop;
	(pc) =	sbr.rel @!p0 .LBB2_17-.Ltmp13, $1  }
0x113: {  	_ =	sdelay $0x3  }
0x114: {  	v0 =	vld.msk [tilespmem:s4+$0xE0], $0x1;
	v1 =	vmov s6  }
.Ltmp14:
0x115: {  	_ = 	snop;
	(pc) =	sbr.rel .LBB2_19-.Ltmp14, $2  }
0x116: {  	_ =	sdelay $0x2  }
0x117: {  	[tilespmem:v1+s3+$0x0], v0 =	vst.idx.ret.add.f32.msk $0x1, v0  }
.LBB2_20:
0x118: {  	p0 =	slt.s32 s2, $0x1  }
.Ltmp15:
0x119: {  	_ = 	snop;
	(pc) =	sbr.rel @p0 .LBB2_24-.Ltmp15, $3  }
0x11a: {  	_ =	sdelay $0x1  }
0x11b: {  	s0 =	simm.s32 $0x6  }
0x11c: {  	s3 =	simm.s32 $0x0;
	[sflag:s0] =	ssyncpa.u1 $0x1  }
0x11d: {  	s0 =	simm.s32 $0xC0  }
0x11e: {  	v0 =	vld.msk [tilespmem:s0+$0x0], $0x1;
	_ =	sdelay $0x4  }
0x11f: {  	(v2sf) =	vpush v0, $0x0;
	_ =	sdelay $0xe  }
0x120: {  	s2 =	sadd.s32 $0xFFFFFFFF, s2;
	s4 =	spop (v2sf)  }
0x121: {  	p1 =	sne.s32 s2, $0x0;
	p0 =	sgt.u32 s4, $0x27FF  }
.Ltmp16:
0x122: {  	s5 =	sshrl.u32 @!p0 s4, $0x3;
	(pc) =	sbr.rel @!p1 .LBB2_23-.Ltmp16, $4  }
0x123: {  	s0 =	simm.s32 $0xE0;
	s4 =	sand.u32 @!p0 $0x7, s4;
	s5 =	sadd.s32 @!p0 s1, s5  }
0x124: {  	[hbm4b:s5+s4] =	stream.linear.scatter @!p0 [tilespmem:s0], [sflag:$0x5], $0x1, $0x38;
	[tilespmem:$0x11A60] =	vst v63  }
0x125: {  	s5 =	simm.s32 $0x0  }
0x126: {  	s4 =	simm.s32 $0xC1;
	s5 =	simm.s32 @!p0 $0x4  }
.LBB2_22:
0x127: {  	v0 =	vld.msk [tilespmem:s4+$0x0], $0x1;
	s2 =	sadd.s32 $0xFFFFFFFF, s2;
	s3 =	sadd.s32 s3, s5  }
0x128: {  	p0 =	sne.s32 s2, $0x0;
	_ =	sdelay $0x3  }
0x129: {  	(v2sf) =	vpush v0, $0x0;
	_ =	sdelay $0xe  }
.Ltmp17:
0x12a: {  	s6 =	spop (v2sf);
	(pc) =	sbr.rel @p0 .LBB2_22-.Ltmp17, $4  }
0x12b: {  	s5 =	simm.s32 $0x0;
	p1 =	sgt.u32 s6, $0x27FF  }
0x12c: {  	s0 =	sadd.s32 $0x1, s0;
	s5 =	simm.s32 @!p1 $0x4;
	s7 =	sshrl.u32 @!p1 s6, $0x3  }
0x12d: {  	s4 =	sadd.s32 $0x1, s4;
	s6 =	sand.u32 @!p1 $0x7, s6;
	s7 =	sadd.s32 @!p1 s1, s7  }
0x12e: {  	[hbm4b:s7+s6] =	stream.linear.scatter @!p1 [tilespmem:s0], [sflag:$0x5], $0x1, $0x38;
	[tilespmem:$0x11A60] =	vst v63  }
.LBB2_23:
0x12f: {  	s0 =	sadd.s32 s3, s5  }
0x130: {  	s3 =	sshrl.u32 s0, $0x2  }
.LBB2_24:
0x131: {  	s0 =	simm.s32 $0x5  }
0x132: {  	_ =	swait.ge [sflag:s0], s3  }
0x133: {  	s1 =	ssub.s32 $0x0, s3;
	[sflag:s0] =	ssyncset.done $0x0  }
0x134: {  	[sflag:s0] =	ssyncadd.s32 s1  }
0x135: {  	[sflag:s0] =	ssyncpa.u1 $0x1  }
0x136: {  	s29 =	simm.s32 $0x1;
	_ =	sfence  }
0x137: {  	s30 =	simm.s32 $0x2;
	[sflag:s29] =	ssyncpa.u1 $0x1  }
0x138: {  	[sflag:s30] =	ssyncpa.u1 $0x1  }
0x139: {  	_ =	strace $0x90000047  }
0x13a: {  	[bflag:$0x2] =	sbarrier.arrive $0xFFFF  }
0x13b: {  	s31 =	rddreg [dreg:$0x1]  }
0x13c: {  	s0 =	sadd.s32 $0x100000, s31  }
0x13d: {  	[sflag:s0] =	ssyncadd.tile.s32 $0x1;
	_ =	shalt  }
.Lfunc_end2:
_tile_overlayer_lowered:
.L_overlay_start_2:
0x13e: {  	(tag) =	ssettag $0x2  }
0x13f: {  	s0 =	rddreg [dreg:$0x0];
	s2 =	stileid.u32  }
0x140: {  	s1 =	rddreg [dreg:$0x1];
	p0 =	sne.s32 s2, $0x0  }
0x141: {  	s3 =	rddreg [dreg:$0x2];
	[bflag:$0x3] =	sbarrier.arrive $0xFFFF;
	s2 =	simm.s32 @!p0 $0x1C01  }
0x142: {  	[timem:s3], [sflag:s2] =	dma.local @!p0 [hbm:s0], s1  }
0x143: {  	s0 =	simm.s32 @!p0 $0x1  }
0x144: {  	_ =	swait.ge @!p0 [sflag:s0], s1  }
0x145: {  	s1 =	ssub.s32 @!p0 $0x0, s1;
	[sflag:s0] =	ssyncset.done @!p0 $0x0  }
0x146: {  	[sflag:s0] =	ssyncadd.s32 @!p0 s1  }
0x147: {  	[bflag:$0x3] =	sbarrier.arrive $0xFFFF  }
0x148: {  	_ =	shalt  }

</sc_bundles>
